<compile_context>
chip_gen: v7x
topology: tpu7x:2x2x1
jax: 0.10.2.dev20260603
libtpu: 0.0.44.dev20260713+nightly
codegen_flags: <defaults>
</compile_context>

<pallas_src>
import functools

import jax
import jax.numpy as jnp
from jax import lax
from jax.experimental import pallas as pl
from jax.experimental.pallas import tpu as pltpu
from jax.experimental.pallas import tpu_sc as plsc

_NC = 2
_NS = 16
_L = 16
_NW = _NC * _NS

_B = 16384


def _build(num_cores, num_subcores=_NS):
    n_w = num_cores * num_subcores
    b_per_w = _B // n_w
    n_vecs = b_per_w // _L
    mesh = plsc.VectorSubcoreMesh(
        core_axis_name="c", subcore_axis_name="s", num_cores=num_cores,
        num_subcores=num_subcores)

    @functools.partial(
        pl.kernel,
        mesh=mesh,
        out_type=jax.ShapeDtypeStruct((_B,), jnp.float32),
        scratch_types=[
            pltpu.VMEM((b_per_w,), jnp.int32),
            pltpu.VMEM((_L,), jnp.float32),
            pltpu.VMEM((b_per_w,), jnp.float32),
            pltpu.SemaphoreType.DMA,
            pltpu.SemaphoreType.DMA,
        ],
    )
    def lookup(idx_hbm, tab_hbm, out_hbm, idx_v, tab_v, out_v, sem_t, sem_i):
        wid = lax.axis_index("s") * num_cores + lax.axis_index("c")
        base = wid * b_per_w
        ct = pltpu.async_copy(tab_hbm, tab_v, sem_t)
        ci = pltpu.async_copy(idx_hbm.at[pl.ds(base, b_per_w)], idx_v, sem_i)
        ct.wait()
        ci.wait()
        tab_reg = tab_v[...]
        for i in range(n_vecs):
            iv = idx_v[pl.ds(i * _L, _L)]
            out_v[pl.ds(i * _L, _L)] = tab_reg.at[iv].get(
                mode="promise_in_bounds")
        pltpu.sync_copy(out_v, out_hbm.at[pl.ds(base, b_per_w)])

    return lookup


_LOOKUP = _build(1, 8)


def kernel(indices, table):
    idx = indices.astype(jnp.int32)
    tab = jnp.pad(table.reshape(-1), (0, _L - 2))
    out = _LOOKUP(idx, tab)
    return out.reshape(_B, 1)

# --- scband reference (transcript-rebuilt; emitter-appended) ---
"""Pipeline reference for scband-exposure-time-13829794693362 (READ-ONLY COPY).

The authoritative reference and input builder live on the scoring server;
editing this copy changes nothing except your own understanding.
"""

import jax, jax.numpy as jnp
import numpy as np


def setup_inputs(seed: int = 0) -> dict:
    key = jax.random.key(seed)
    k_idx, k_tab = jax.random.split(key)
    indices = jax.random.randint(k_idx, (16384,), 0, 2, dtype=jnp.int64 if jax.config.jax_enable_x64 else jnp.int32)
    # nn.Embedding(2, 1) default init: N(0, 1)
    table = jax.random.normal(k_tab, (2, 1), dtype=jnp.float32)
    return {"indices": indices, "table": table}


def reference(indices, table):
    # ExposureTime.forward is an embedding lookup into a 2-row, 1-dim table:
    # out = self.params(indices)
    return jnp.take(table, indices, axis=0)

if __name__ == "__main__":
    import jax
    _d = setup_inputs()
    print(jax.jit(kernel)(*tuple(_d.values())))

</pallas_src>

<mosaic_0001>
#map = affine_map<(d0, d1) -> (0)>
module attributes {stable_mosaic.version = 14 : i64} {
  func.func @lookup(%arg0: i32, %arg1: i32, %arg2: memref<16384xi32, #tpu.memory_space<hbm>>, %arg3: memref<16xf32, #tpu.memory_space<hbm>>, %arg4: memref<16384xf32, #tpu.memory_space<hbm>>, %arg5: memref<2048xi32, #tpu.memory_space<vmem>>, %arg6: memref<16xf32, #tpu.memory_space<vmem>>, %arg7: memref<2048xf32, #tpu.memory_space<vmem>>, %arg8: memref<!tpu.dma_semaphore, #tpu.memory_space<semaphore_mem>>, %arg9: memref<!tpu.dma_semaphore, #tpu.memory_space<semaphore_mem>>) attributes {dimension_semantics = [#tpu.dimension_semantics<core_parallel>, #tpu.dimension_semantics<subcore_parallel>], iteration_bounds = array<i64: 1, 8>, scalar_prefetch = 0 : i64, scratch_operands = 5 : i64, tpu.core_type = #tpu.core_type<sc_vector_subcore>, window_params = [{transform_indices = #map}, {transform_indices = #map}, {transform_indices = #map}]} {
    %mul3A = arith.constant 1 : i32
    %mul3A_0 = arith.muli %arg1, %mul3A : i32
    %add3A = arith.addi %mul3A_0, %arg0 : i32
    %mul3A_1 = arith.constant 2048 : i32
    %mul3A_2 = arith.muli %add3A, %mul3A_1 : i32
    tpu.enqueue_dma source(%arg3 : memref<16xf32, #tpu.memory_space<hbm>>) target(%arg6 : memref<16xf32, #tpu.memory_space<vmem>>) target_semaphore(%arg8 : memref<!tpu.dma_semaphore, #tpu.memory_space<semaphore_mem>>)
    %dma_start3A = tpu.memref_slice %arg2[%mul3A_2] : memref<16384xi32, #tpu.memory_space<hbm>> -> memref<2048xi32, #tpu.memory_space<hbm>>
    %dma_start3A_3 = tpu.memref_slice %arg2[%mul3A_2] : memref<16384xi32, #tpu.memory_space<hbm>> -> memref<2048xi32, #tpu.memory_space<hbm>>
    tpu.enqueue_dma source(%dma_start3A_3 : memref<2048xi32, #tpu.memory_space<hbm>>) target(%arg5 : memref<2048xi32, #tpu.memory_space<vmem>>) target_semaphore(%arg9 : memref<!tpu.dma_semaphore, #tpu.memory_space<semaphore_mem>>)
    tpu.wait_dma2 semaphore(%arg8 : memref<!tpu.dma_semaphore, #tpu.memory_space<semaphore_mem>>) src(%arg3 : memref<16xf32, #tpu.memory_space<hbm>>) dst(%arg6 : memref<16xf32, #tpu.memory_space<vmem>>)
    %dma_wait3A = tpu.memref_slice %arg2[%mul3A_2] : memref<16384xi32, #tpu.memory_space<hbm>> -> memref<2048xi32, #tpu.memory_space<hbm>>
    %dma_wait3A_4 = tpu.memref_slice %arg2[%mul3A_2] : memref<16384xi32, #tpu.memory_space<hbm>> -> memref<2048xi32, #tpu.memory_space<hbm>>
    tpu.wait_dma2 semaphore(%arg9 : memref<!tpu.dma_semaphore, #tpu.memory_space<semaphore_mem>>) src(%dma_wait3A_4 : memref<2048xi32, #tpu.memory_space<hbm>>) dst(%arg5 : memref<2048xi32, #tpu.memory_space<vmem>>)
    %get3A = arith.constant 0 : index
    %get3A_5 = tpu.vector_load %arg6[%get3A] {strides = array<i32>} : memref<16xf32, #tpu.memory_space<vmem>>, vector<16xf32>,
    %get3A_6 = vector.shape_cast %get3A_5 : vector<16xf32> to vector<16xf32>
    %get3A_7 = arith.constant 0 : index
    %get3A_8 = tpu.vector_load %arg5[%get3A_7] {strides = array<i32>} : memref<2048xi32, #tpu.memory_space<vmem>>, vector<16xi32>,
    %get3A_9 = vector.shape_cast %get3A_8 : vector<16xi32> to vector<16xi32>
    %lt3A = arith.constant 0 : i32
    %lt3A_10 = vector.broadcast %lt3A : i32 to vector<16xi32>
    %lt3A_11 = arith.cmpi slt, %get3A_9, %lt3A_10 : vector<16xi32>
    %add3A_12 = arith.constant 16 : i32
    %add3A_13 = vector.broadcast %add3A_12 : i32 to vector<16xi32>
    %add3A_14 = arith.addi %get3A_9, %add3A_13 : vector<16xi32>
    %select_n3A = arith.select %lt3A_11, %add3A_14, %get3A_9 : vector<16xi1>, vector<16xi32>
    %broadcast_in_dim3A = vector.shape_cast %select_n3A : vector<16xi32> to vector<16x1xi32>
    %gather3A = vector.shape_cast %broadcast_in_dim3A : vector<16x1xi32> to vector<16xi32>
    %gather3A_15 = tpu.dynamic_gather %get3A_6[%gather3A] in [0] : vector<16xf32>, vector<16xi32> -> vector<16xf32>
    %swap3A = arith.constant 0 : index
    %swap3A_16 = tpu.vector_load %arg7[%swap3A] {strides = array<i32>} : memref<2048xf32, #tpu.memory_space<vmem>>, vector<16xf32>,
    %swap3A_17 = vector.shape_cast %swap3A_16 : vector<16xf32> to vector<16xf32>
    %swap3A_18 = vector.shape_cast %gather3A_15 : vector<16xf32> to vector<16xf32>
    tpu.vector_store %arg7[%swap3A], %swap3A_18 {strides = array<i32>} : memref<2048xf32, #tpu.memory_space<vmem>>, vector<16xf32>,
    %get3A_19 = arith.constant 16 : index
    %get3A_20 = tpu.vector_load %arg5[%get3A_19] {strides = array<i32>} : memref<2048xi32, #tpu.memory_space<vmem>>, vector<16xi32>,
    %get3A_21 = vector.shape_cast %get3A_20 : vector<16xi32> to vector<16xi32>
    %lt3A_22 = arith.constant 0 : i32
    %lt3A_23 = vector.broadcast %lt3A_22 : i32 to vector<16xi32>
    %lt3A_24 = arith.cmpi slt, %get3A_21, %lt3A_23 : vector<16xi32>
    %add3A_25 = arith.constant 16 : i32
    %add3A_26 = vector.broadcast %add3A_25 : i32 to vector<16xi32>
    %add3A_27 = arith.addi %get3A_21, %add3A_26 : vector<16xi32>
    %select_n3A_28 = arith.select %lt3A_24, %add3A_27, %get3A_21 : vector<16xi1>, vector<16xi32>
    %broadcast_in_dim3A_29 = vector.shape_cast %select_n3A_28 : vector<16xi32> to vector<16x1xi32>
    %gather3A_30 = vector.shape_cast %broadcast_in_dim3A_29 : vector<16x1xi32> to vector<16xi32>
    %gather3A_31 = tpu.dynamic_gather %get3A_6[%gather3A_30] in [0] : vector<16xf32>, vector<16xi32> -> vector<16xf32>
    %swap3A_32 = arith.constant 16 : index
    %swap3A_33 = tpu.vector_load %arg7[%swap3A_32] {strides = array<i32>} : memref<2048xf32, #tpu.memory_space<vmem>>, vector<16xf32>,
    %swap3A_34 = vector.shape_cast %swap3A_33 : vector<16xf32> to vector<16xf32>
    %swap3A_35 = vector.shape_cast %gather3A_31 : vector<16xf32> to vector<16xf32>
    tpu.vector_store %arg7[%swap3A_32], %swap3A_35 {strides = array<i32>} : memref<2048xf32, #tpu.memory_space<vmem>>, vector<16xf32>,
    %get3A_36 = arith.constant 32 : index
    %get3A_37 = tpu.vector_load %arg5[%get3A_36] {strides = array<i32>} : memref<2048xi32, #tpu.memory_space<vmem>>, vector<16xi32>,
    %get3A_38 = vector.shape_cast %get3A_37 : vector<16xi32> to vector<16xi32>
    %lt3A_39 = arith.constant 0 : i32
    %lt3A_40 = vector.broadcast %lt3A_39 : i32 to vector<16xi32>
    %lt3A_41 = arith.cmpi slt, %get3A_38, %lt3A_40 : vector<16xi32>
    %add3A_42 = arith.constant 16 : i32
    %add3A_43 = vector.broadcast %add3A_42 : i32 to vector<16xi32>
    %add3A_44 = arith.addi %get3A_38, %add3A_43 : vector<16xi32>
    %select_n3A_45 = arith.select %lt3A_41, %add3A_44, %get3A_38 : vector<16xi1>, vector<16xi32>
    %broadcast_in_dim3A_46 = vector.shape_cast %select_n3A_45 : vector<16xi32> to vector<16x1xi32>
    %gather3A_47 = vector.shape_cast %broadcast_in_dim3A_46 : vector<16x1xi32> to vector<16xi32>
    %gather3A_48 = tpu.dynamic_gather %get3A_6[%gather3A_47] in [0] : vector<16xf32>, vector<16xi32> -> vector<16xf32>
    %swap3A_49 = arith.constant 32 : index
    %swap3A_50 = tpu.vector_load %arg7[%swap3A_49] {strides = array<i32>} : memref<2048xf32, #tpu.memory_space<vmem>>, vector<16xf32>,
    %swap3A_51 = vector.shape_cast %swap3A_50 : vector<16xf32> to vector<16xf32>
    %swap3A_52 = vector.shape_cast %gather3A_48 : vector<16xf32> to vector<16xf32>
    tpu.vector_store %arg7[%swap3A_49], %swap3A_52 {strides = array<i32>} : memref<2048xf32, #tpu.memory_space<vmem>>, vector<16xf32>,
    %get3A_53 = arith.constant 48 : index
    %get3A_54 = tpu.vector_load %arg5[%get3A_53] {strides = array<i32>} : memref<2048xi32, #tpu.memory_space<vmem>>, vector<16xi32>,
    %get3A_55 = vector.shape_cast %get3A_54 : vector<16xi32> to vector<16xi32>
    %lt3A_56 = arith.constant 0 : i32
    %lt3A_57 = vector.broadcast %lt3A_56 : i32 to vector<16xi32>
    %lt3A_58 = arith.cmpi slt, %get3A_55, %lt3A_57 : vector<16xi32>
    %add3A_59 = arith.constant 16 : i32
    %add3A_60 = vector.broadcast %add3A_59 : i32 to vector<16xi32>
    %add3A_61 = arith.addi %get3A_55, %add3A_60 : vector<16xi32>
    %select_n3A_62 = arith.select %lt3A_58, %add3A_61, %get3A_55 : vector<16xi1>, vector<16xi32>
    %broadcast_in_dim3A_63 = vector.shape_cast %select_n3A_62 : vector<16xi32> to vector<16x1xi32>
    %gather3A_64 = vector.shape_cast %broadcast_in_dim3A_63 : vector<16x1xi32> to vector<16xi32>
    %gather3A_65 = tpu.dynamic_gather %get3A_6[%gather3A_64] in [0] : vector<16xf32>, vector<16xi32> -> vector<16xf32>
    %swap3A_66 = arith.constant 48 : index
    %swap3A_67 = tpu.vector_load %arg7[%swap3A_66] {strides = array<i32>} : memref<2048xf32, #tpu.memory_space<vmem>>, vector<16xf32>,
    %swap3A_68 = vector.shape_cast %swap3A_67 : vector<16xf32> to vector<16xf32>
    %swap3A_69 = vector.shape_cast %gather3A_65 : vector<16xf32> to vector<16xf32>
    tpu.vector_store %arg7[%swap3A_66], %swap3A_69 {strides = array<i32>} : memref<2048xf32, #tpu.memory_space<vmem>>, vector<16xf32>,
    %get3A_70 = arith.constant 64 : index
    %get3A_71 = tpu.vector_load %arg5[%get3A_70] {strides = array<i32>} : memref<2048xi32, #tpu.memory_space<vmem>>, vector<16xi32>,
    %get3A_72 = vector.shape_cast %get3A_71 : vector<16xi32> to vector<16xi32>
    %lt3A_73 = arith.constant 0 : i32
    %lt3A_74 = vector.broadcast %lt3A_73 : i32 to vector<16xi32>
    %lt3A_75 = arith.cmpi slt, %get3A_72, %lt3A_74 : vector<16xi32>
    %add3A_76 = arith.constant 16 : i32
    %add3A_77 = vector.broadcast %add3A_76 : i32 to vector<16xi32>
    %add3A_78 = arith.addi %get3A_72, %add3A_77 : vector<16xi32>
    %select_n3A_79 = arith.select %lt3A_75, %add3A_78, %get3A_72 : vector<16xi1>, vector<16xi32>
    %broadcast_in_dim3A_80 = vector.shape_cast %select_n3A_79 : vector<16xi32> to vector<16x1xi32>
    %gather3A_81 = vector.shape_cast %broadcast_in_dim3A_80 : vector<16x1xi32> to vector<16xi32>
    %gather3A_82 = tpu.dynamic_gather %get3A_6[%gather3A_81] in [0] : vector<16xf32>, vector<16xi32> -> vector<16xf32>
    %swap3A_83 = arith.constant 64 : index
    %swap3A_84 = tpu.vector_load %arg7[%swap3A_83] {strides = array<i32>} : memref<2048xf32, #tpu.memory_space<vmem>>, vector<16xf32>,
    %swap3A_85 = vector.shape_cast %swap3A_84 : vector<16xf32> to vector<16xf32>
    %swap3A_86 = vector.shape_cast %gather3A_82 : vector<16xf32> to vector<16xf32>
    tpu.vector_store %arg7[%swap3A_83], %swap3A_86 {strides = array<i32>} : memref<2048xf32, #tpu.memory_space<vmem>>, vector<16xf32>,
    %get3A_87 = arith.constant 80 : index
    %get3A_88 = tpu.vector_load %arg5[%get3A_87] {strides = array<i32>} : memref<2048xi32, #tpu.memory_space<vmem>>, vector<16xi32>,
    %get3A_89 = vector.shape_cast %get3A_88 : vector<16xi32> to vector<16xi32>
    %lt3A_90 = arith.constant 0 : i32
    %lt3A_91 = vector.broadcast %lt3A_90 : i32 to vector<16xi32>
    %lt3A_92 = arith.cmpi slt, %get3A_89, %lt3A_91 : vector<16xi32>
    %add3A_93 = arith.constant 16 : i32
    %add3A_94 = vector.broadcast %add3A_93 : i32 to vector<16xi32>
    %add3A_95 = arith.addi %get3A_89, %add3A_94 : vector<16xi32>
    %select_n3A_96 = arith.select %lt3A_92, %add3A_95, %get3A_89 : vector<16xi1>, vector<16xi32>
    %broadcast_in_dim3A_97 = vector.shape_cast %select_n3A_96 : vector<16xi32> to vector<16x1xi32>
    %gather3A_98 = vector.shape_cast %broadcast_in_dim3A_97 : vector<16x1xi32> to vector<16xi32>
    %gather3A_99 = tpu.dynamic_gather %get3A_6[%gather3A_98] in [0] : vector<16xf32>, vector<16xi32> -> vector<16xf32>
    %swap3A_100 = arith.constant 80 : index
    %swap3A_101 = tpu.vector_load %arg7[%swap3A_100] {strides = array<i32>} : memref<2048xf32, #tpu.memory_space<vmem>>, vector<16xf32>,
    %swap3A_102 = vector.shape_cast %swap3A_101 : vector<16xf32> to vector<16xf32>
    %swap3A_103 = vector.shape_cast %gather3A_99 : vector<16xf32> to vector<16xf32>
    tpu.vector_store %arg7[%swap3A_100], %swap3A_103 {strides = array<i32>} : memref<2048xf32, #tpu.memory_space<vmem>>, vector<16xf32>,
    %get3A_104 = arith.constant 96 : index
    %get3A_105 = tpu.vector_load %arg5[%get3A_104] {strides = array<i32>} : memref<2048xi32, #tpu.memory_space<vmem>>, vector<16xi32>,
    %get3A_106 = vector.shape_cast %get3A_105 : vector<16xi32> to vector<16xi32>
    %lt3A_107 = arith.constant 0 : i32
    %lt3A_108 = vector.broadcast %lt3A_107 : i32 to vector<16xi32>
    %lt3A_109 = arith.cmpi slt, %get3A_106, %lt3A_108 : vector<16xi32>
    %add3A_110 = arith.constant 16 : i32
    %add3A_111 = vector.broadcast %add3A_110 : i32 to vector<16xi32>
    %add3A_112 = arith.addi %get3A_106, %add3A_111 : vector<16xi32>
    %select_n3A_113 = arith.select %lt3A_109, %add3A_112, %get3A_106 : vector<16xi1>, vector<16xi32>
    %broadcast_in_dim3A_114 = vector.shape_cast %select_n3A_113 : vector<16xi32> to vector<16x1xi32>
    %gather3A_115 = vector.shape_cast %broadcast_in_dim3A_114 : vector<16x1xi32> to vector<16xi32>
    %gather3A_116 = tpu.dynamic_gather %get3A_6[%gather3A_115] in [0] : vector<16xf32>, vector<16xi32> -> vector<16xf32>
    %swap3A_117 = arith.constant 96 : index
    %swap3A_118 = tpu.vector_load %arg7[%swap3A_117] {strides = array<i32>} : memref<2048xf32, #tpu.memory_space<vmem>>, vector<16xf32>,
    %swap3A_119 = vector.shape_cast %swap3A_118 : vector<16xf32> to vector<16xf32>
    %swap3A_120 = vector.shape_cast %gather3A_116 : vector<16xf32> to vector<16xf32>
    tpu.vector_store %arg7[%swap3A_117], %swap3A_120 {strides = array<i32>} : memref<2048xf32, #tpu.memory_space<vmem>>, vector<16xf32>,
    %get3A_121 = arith.constant 112 : index
    %get3A_122 = tpu.vector_load %arg5[%get3A_121] {strides = array<i32>} : memref<2048xi32, #tpu.memory_space<vmem>>, vector<16xi32>,
    %get3A_123 = vector.shape_cast %get3A_122 : vector<16xi32> to vector<16xi32>
    %lt3A_124 = arith.constant 0 : i32
    %lt3A_125 = vector.broadcast %lt3A_124 : i32 to vector<16xi32>
    %lt3A_126 = arith.cmpi slt, %get3A_123, %lt3A_125 : vector<16xi32>
    %add3A_127 = arith.constant 16 : i32
    %add3A_128 = vector.broadcast %add3A_127 : i32 to vector<16xi32>
    %add3A_129 = arith.addi %get3A_123, %add3A_128 : vector<16xi32>
    %select_n3A_130 = arith.select %lt3A_126, %add3A_129, %get3A_123 : vector<16xi1>, vector<16xi32>
    %broadcast_in_dim3A_131 = vector.shape_cast %select_n3A_130 : vector<16xi32> to vector<16x1xi32>
    %gather3A_132 = vector.shape_cast %broadcast_in_dim3A_131 : vector<16x1xi32> to vector<16xi32>
    %gather3A_133 = tpu.dynamic_gather %get3A_6[%gather3A_132] in [0] : vector<16xf32>, vector<16xi32> -> vector<16xf32>
    %swap3A_134 = arith.constant 112 : index
    %swap3A_135 = tpu.vector_load %arg7[%swap3A_134] {strides = array<i32>} : memref<2048xf32, #tpu.memory_space<vmem>>, vector<16xf32>,
    %swap3A_136 = vector.shape_cast %swap3A_135 : vector<16xf32> to vector<16xf32>
    %swap3A_137 = vector.shape_cast %gather3A_133 : vector<16xf32> to vector<16xf32>
    tpu.vector_store %arg7[%swap3A_134], %swap3A_137 {strides = array<i32>} : memref<2048xf32, #tpu.memory_space<vmem>>, vector<16xf32>,
    %get3A_138 = arith.constant 128 : index
    %get3A_139 = tpu.vector_load %arg5[%get3A_138] {strides = array<i32>} : memref<2048xi32, #tpu.memory_space<vmem>>, vector<16xi32>,
    %get3A_140 = vector.shape_cast %get3A_139 : vector<16xi32> to vector<16xi32>
    %lt3A_141 = arith.constant 0 : i32
    %lt3A_142 = vector.broadcast %lt3A_141 : i32 to vector<16xi32>
    %lt3A_143 = arith.cmpi slt, %get3A_140, %lt3A_142 : vector<16xi32>
    %add3A_144 = arith.constant 16 : i32
    %add3A_145 = vector.broadcast %add3A_144 : i32 to vector<16xi32>
    %add3A_146 = arith.addi %get3A_140, %add3A_145 : vector<16xi32>
    %select_n3A_147 = arith.select %lt3A_143, %add3A_146, %get3A_140 : vector<16xi1>, vector<16xi32>
    %broadcast_in_dim3A_148 = vector.shape_cast %select_n3A_147 : vector<16xi32> to vector<16x1xi32>
    %gather3A_149 = vector.shape_cast %broadcast_in_dim3A_148 : vector<16x1xi32> to vector<16xi32>
    %gather3A_150 = tpu.dynamic_gather %get3A_6[%gather3A_149] in [0] : vector<16xf32>, vector<16xi32> -> vector<16xf32>
    %swap3A_151 = arith.constant 128 : index
    %swap3A_152 = tpu.vector_load %arg7[%swap3A_151] {strides = array<i32>} : memref<2048xf32, #tpu.memory_space<vmem>>, vector<16xf32>,
    %swap3A_153 = vector.shape_cast %swap3A_152 : vector<16xf32> to vector<16xf32>
    %swap3A_154 = vector.shape_cast %gather3A_150 : vector<16xf32> to vector<16xf32>
    tpu.vector_store %arg7[%swap3A_151], %swap3A_154 {strides = array<i32>} : memref<2048xf32, #tpu.memory_space<vmem>>, vector<16xf32>,
    %get3A_155 = arith.constant 144 : index
    %get3A_156 = tpu.vector_load %arg5[%get3A_155] {strides = array<i32>} : memref<2048xi32, #tpu.memory_space<vmem>>, vector<16xi32>,
    %get3A_157 = vector.shape_cast %get3A_156 : vector<16xi32> to vector<16xi32>
    %lt3A_158 = arith.constant 0 : i32
    %lt3A_159 = vector.broadcast %lt3A_158 : i32 to vector<16xi32>
    %lt3A_160 = arith.cmpi slt, %get3A_157, %lt3A_159 : vector<16xi32>
    %add3A_161 = arith.constant 16 : i32
    %add3A_162 = vector.broadcast %add3A_161 : i32 to vector<16xi32>
    %add3A_163 = arith.addi %get3A_157, %add3A_162 : vector<16xi32>
    %select_n3A_164 = arith.select %lt3A_160, %add3A_163, %get3A_157 : vector<16xi1>, vector<16xi32>
    %broadcast_in_dim3A_165 = vector.shape_cast %select_n3A_164 : vector<16xi32> to vector<16x1xi32>
    %gather3A_166 = vector.shape_cast %broadcast_in_dim3A_165 : vector<16x1xi32> to vector<16xi32>
    %gather3A_167 = tpu.dynamic_gather %get3A_6[%gather3A_166] in [0] : vector<16xf32>, vector<16xi32> -> vector<16xf32>
    %swap3A_168 = arith.constant 144 : index
    %swap3A_169 = tpu.vector_load %arg7[%swap3A_168] {strides = array<i32>} : memref<2048xf32, #tpu.memory_space<vmem>>, vector<16xf32>,
    %swap3A_170 = vector.shape_cast %swap3A_169 : vector<16xf32> to vector<16xf32>
    %swap3A_171 = vector.shape_cast %gather3A_167 : vector<16xf32> to vector<16xf32>
    tpu.vector_store %arg7[%swap3A_168], %swap3A_171 {strides = array<i32>} : memref<2048xf32, #tpu.memory_space<vmem>>, vector<16xf32>,
    %get3A_172 = arith.constant 160 : index
    %get3A_173 = tpu.vector_load %arg5[%get3A_172] {strides = array<i32>} : memref<2048xi32, #tpu.memory_space<vmem>>, vector<16xi32>,
    %get3A_174 = vector.shape_cast %get3A_173 : vector<16xi32> to vector<16xi32>
    %lt3A_175 = arith.constant 0 : i32
    %lt3A_176 = vector.broadcast %lt3A_175 : i32 to vector<16xi32>
    %lt3A_177 = arith.cmpi slt, %get3A_174, %lt3A_176 : vector<16xi32>
    %add3A_178 = arith.constant 16 : i32
    %add3A_179 = vector.broadcast %add3A_178 : i32 to vector<16xi32>
    %add3A_180 = arith.addi %get3A_174, %add3A_179 : vector<16xi32>
    %select_n3A_181 = arith.select %lt3A_177, %add3A_180, %get3A_174 : vector<16xi1>, vector<16xi32>
    %broadcast_in_dim3A_182 = vector.shape_cast %select_n3A_181 : vector<16xi32> to vector<16x1xi32>
    %gather3A_183 = vector.shape_cast %broadcast_in_dim3A_182 : vector<16x1xi32> to vector<16xi32>
    %gather3A_184 = tpu.dynamic_gather %get3A_6[%gather3A_183] in [0] : vector<16xf32>, vector<16xi32> -> vector<16xf32>
    %swap3A_185 = arith.constant 160 : index
    %swap3A_186 = tpu.vector_load %arg7[%swap3A_185] {strides = array<i32>} : memref<2048xf32, #tpu.memory_space<vmem>>, vector<16xf32>,
    %swap3A_187 = vector.shape_cast %swap3A_186 : vector<16xf32> to vector<16xf32>
    %swap3A_188 = vector.shape_cast %gather3A_184 : vector<16xf32> to vector<16xf32>
    tpu.vector_store %arg7[%swap3A_185], %swap3A_188 {strides = array<i32>} : memref<2048xf32, #tpu.memory_space<vmem>>, vector<16xf32>,
    %get3A_189 = arith.constant 176 : index
    %get3A_190 = tpu.vector_load %arg5[%get3A_189] {strides = array<i32>} : memref<2048xi32, #tpu.memory_space<vmem>>, vector<16xi32>,
    %get3A_191 = vector.shape_cast %get3A_190 : vector<16xi32> to vector<16xi32>
    %lt3A_192 = arith.constant 0 : i32
    %lt3A_193 = vector.broadcast %lt3A_192 : i32 to vector<16xi32>
    %lt3A_194 = arith.cmpi slt, %get3A_191, %lt3A_193 : vector<16xi32>
    %add3A_195 = arith.constant 16 : i32
    %add3A_196 = vector.broadcast %add3A_195 : i32 to vector<16xi32>
    %add3A_197 = arith.addi %get3A_191, %add3A_196 : vector<16xi32>
    %select_n3A_198 = arith.select %lt3A_194, %add3A_197, %get3A_191 : vector<16xi1>, vector<16xi32>
    %broadcast_in_dim3A_199 = vector.shape_cast %select_n3A_198 : vector<16xi32> to vector<16x1xi32>
    %gather3A_200 = vector.shape_cast %broadcast_in_dim3A_199 : vector<16x1xi32> to vector<16xi32>
    %gather3A_201 = tpu.dynamic_gather %get3A_6[%gather3A_200] in [0] : vector<16xf32>, vector<16xi32> -> vector<16xf32>
    %swap3A_202 = arith.constant 176 : index
    %swap3A_203 = tpu.vector_load %arg7[%swap3A_202] {strides = array<i32>} : memref<2048xf32, #tpu.memory_space<vmem>>, vector<16xf32>,
    %swap3A_204 = vector.shape_cast %swap3A_203 : vector<16xf32> to vector<16xf32>
    %swap3A_205 = vector.shape_cast %gather3A_201 : vector<16xf32> to vector<16xf32>
    tpu.vector_store %arg7[%swap3A_202], %swap3A_205 {strides = array<i32>} : memref<2048xf32, #tpu.memory_space<vmem>>, vector<16xf32>,
    %get3A_206 = arith.constant 192 : index
    %get3A_207 = tpu.vector_load %arg5[%get3A_206] {strides = array<i32>} : memref<2048xi32, #tpu.memory_space<vmem>>, vector<16xi32>,
    %get3A_208 = vector.shape_cast %get3A_207 : vector<16xi32> to vector<16xi32>
    %lt3A_209 = arith.constant 0 : i32
    %lt3A_210 = vector.broadcast %lt3A_209 : i32 to vector<16xi32>
    %lt3A_211 = arith.cmpi slt, %get3A_208, %lt3A_210 : vector<16xi32>
    %add3A_212 = arith.constant 16 : i32
    %add3A_213 = vector.broadcast %add3A_212 : i32 to vector<16xi32>
    %add3A_214 = arith.addi %get3A_208, %add3A_213 : vector<16xi32>
    %select_n3A_215 = arith.select %lt3A_211, %add3A_214, %get3A_208 : vector<16xi1>, vector<16xi32>
    %broadcast_in_dim3A_216 = vector.shape_cast %select_n3A_215 : vector<16xi32> to vector<16x1xi32>
    %gather3A_217 = vector.shape_cast %broadcast_in_dim3A_216 : vector<16x1xi32> to vector<16xi32>
    %gather3A_218 = tpu.dynamic_gather %get3A_6[%gather3A_217] in [0] : vector<16xf32>, vector<16xi32> -> vector<16xf32>
    %swap3A_219 = arith.constant 192 : index
    %swap3A_220 = tpu.vector_load %arg7[%swap3A_219] {strides = array<i32>} : memref<2048xf32, #tpu.memory_space<vmem>>, vector<16xf32>,
    %swap3A_221 = vector.shape_cast %swap3A_220 : vector<16xf32> to vector<16xf32>
    %swap3A_222 = vector.shape_cast %gather3A_218 : vector<16xf32> to vector<16xf32>
    tpu.vector_store %arg7[%swap3A_219], %swap3A_222 {strides = array<i32>} : memref<2048xf32, #tpu.memory_space<vmem>>, vector<16xf32>,
    %get3A_223 = arith.constant 208 : index
    %get3A_224 = tpu.vector_load %arg5[%get3A_223] {strides = array<i32>} : memref<2048xi32, #tpu.memory_space<vmem>>, vector<16xi32>,
    %get3A_225 = vector.shape_cast %get3A_224 : vector<16xi32> to vector<16xi32>
    %lt3A_226 = arith.constant 0 : i32
    %lt3A_227 = vector.broadcast %lt3A_226 : i32 to vector<16xi32>
    %lt3A_228 = arith.cmpi slt, %get3A_225, %lt3A_227 : vector<16xi32>
    %add3A_229 = arith.constant 16 : i32
    %add3A_230 = vector.broadcast %add3A_229 : i32 to vector<16xi32>
    %add3A_231 = arith.addi %get3A_225, %add3A_230 : vector<16xi32>
    %select_n3A_232 = arith.select %lt3A_228, %add3A_231, %get3A_225 : vector<16xi1>, vector<16xi32>
    %broadcast_in_dim3A_233 = vector.shape_cast %select_n3A_232 : vector<16xi32> to vector<16x1xi32>
    %gather3A_234 = vector.shape_cast %broadcast_in_dim3A_233 : vector<16x1xi32> to vector<16xi32>
    %gather3A_235 = tpu.dynamic_gather %get3A_6[%gather3A_234] in [0] : vector<16xf32>, vector<16xi32> -> vector<16xf32>
    %swap3A_236 = arith.constant 208 : index
    %swap3A_237 = tpu.vector_load %arg7[%swap3A_236] {strides = array<i32>} : memref<2048xf32, #tpu.memory_space<vmem>>, vector<16xf32>,
    %swap3A_238 = vector.shape_cast %swap3A_237 : vector<16xf32> to vector<16xf32>
    %swap3A_239 = vector.shape_cast %gather3A_235 : vector<16xf32> to vector<16xf32>
    tpu.vector_store %arg7[%swap3A_236], %swap3A_239 {strides = array<i32>} : memref<2048xf32, #tpu.memory_space<vmem>>, vector<16xf32>,
    %get3A_240 = arith.constant 224 : index
    %get3A_241 = tpu.vector_load %arg5[%get3A_240] {strides = array<i32>} : memref<2048xi32, #tpu.memory_space<vmem>>, vector<16xi32>,
    %get3A_242 = vector.shape_cast %get3A_241 : vector<16xi32> to vector<16xi32>
    %lt3A_243 = arith.constant 0 : i32
    %lt3A_244 = vector.broadcast %lt3A_243 : i32 to vector<16xi32>
    %lt3A_245 = arith.cmpi slt, %get3A_242, %lt3A_244 : vector<16xi32>
    %add3A_246 = arith.constant 16 : i32
    %add3A_247 = vector.broadcast %add3A_246 : i32 to vector<16xi32>
    %add3A_248 = arith.addi %get3A_242, %add3A_247 : vector<16xi32>
    %select_n3A_249 = arith.select %lt3A_245, %add3A_248, %get3A_242 : vector<16xi1>, vector<16xi32>
    %broadcast_in_dim3A_250 = vector.shape_cast %select_n3A_249 : vector<16xi32> to vector<16x1xi32>
    %gather3A_251 = vector.shape_cast %broadcast_in_dim3A_250 : vector<16x1xi32> to vector<16xi32>
    %gather3A_252 = tpu.dynamic_gather %get3A_6[%gather3A_251] in [0] : vector<16xf32>, vector<16xi32> -> vector<16xf32>
    %swap3A_253 = arith.constant 224 : index
    %swap3A_254 = tpu.vector_load %arg7[%swap3A_253] {strides = array<i32>} : memref<2048xf32, #tpu.memory_space<vmem>>, vector<16xf32>,
    %swap3A_255 = vector.shape_cast %swap3A_254 : vector<16xf32> to vector<16xf32>
    %swap3A_256 = vector.shape_cast %gather3A_252 : vector<16xf32> to vector<16xf32>
    tpu.vector_store %arg7[%swap3A_253], %swap3A_256 {strides = array<i32>} : memref<2048xf32, #tpu.memory_space<vmem>>, vector<16xf32>,
    %get3A_257 = arith.constant 240 : index
    %get3A_258 = tpu.vector_load %arg5[%get3A_257] {strides = array<i32>} : memref<2048xi32, #tpu.memory_space<vmem>>, vector<16xi32>,
    %get3A_259 = vector.shape_cast %get3A_258 : vector<16xi32> to vector<16xi32>
    %lt3A_260 = arith.constant 0 : i32
    %lt3A_261 = vector.broadcast %lt3A_260 : i32 to vector<16xi32>
    %lt3A_262 = arith.cmpi slt, %get3A_259, %lt3A_261 : vector<16xi32>
    %add3A_263 = arith.constant 16 : i32
    %add3A_264 = vector.broadcast %add3A_263 : i32 to vector<16xi32>
    %add3A_265 = arith.addi %get3A_259, %add3A_264 : vector<16xi32>
    %select_n3A_266 = arith.select %lt3A_262, %add3A_265, %get3A_259 : vector<16xi1>, vector<16xi32>
    %broadcast_in_dim3A_267 = vector.shape_cast %select_n3A_266 : vector<16xi32> to vector<16x1xi32>
    %gather3A_268 = vector.shape_cast %broadcast_in_dim3A_267 : vector<16x1xi32> to vector<16xi32>
    %gather3A_269 = tpu.dynamic_gather %get3A_6[%gather3A_268] in [0] : vector<16xf32>, vector<16xi32> -> vector<16xf32>
    %swap3A_270 = arith.constant 240 : index
    %swap3A_271 = tpu.vector_load %arg7[%swap3A_270] {strides = array<i32>} : memref<2048xf32, #tpu.memory_space<vmem>>, vector<16xf32>,
    %swap3A_272 = vector.shape_cast %swap3A_271 : vector<16xf32> to vector<16xf32>
    %swap3A_273 = vector.shape_cast %gather3A_269 : vector<16xf32> to vector<16xf32>
    tpu.vector_store %arg7[%swap3A_270], %swap3A_273 {strides = array<i32>} : memref<2048xf32, #tpu.memory_space<vmem>>, vector<16xf32>,
    %get3A_274 = arith.constant 256 : index
    %get3A_275 = tpu.vector_load %arg5[%get3A_274] {strides = array<i32>} : memref<2048xi32, #tpu.memory_space<vmem>>, vector<16xi32>,
    %get3A_276 = vector.shape_cast %get3A_275 : vector<16xi32> to vector<16xi32>
    %lt3A_277 = arith.constant 0 : i32
    %lt3A_278 = vector.broadcast %lt3A_277 : i32 to vector<16xi32>
    %lt3A_279 = arith.cmpi slt, %get3A_276, %lt3A_278 : vector<16xi32>
    %add3A_280 = arith.constant 16 : i32
    %add3A_281 = vector.broadcast %add3A_280 : i32 to vector<16xi32>
    %add3A_282 = arith.addi %get3A_276, %add3A_281 : vector<16xi32>
    %select_n3A_283 = arith.select %lt3A_279, %add3A_282, %get3A_276 : vector<16xi1>, vector<16xi32>
    %broadcast_in_dim3A_284 = vector.shape_cast %select_n3A_283 : vector<16xi32> to vector<16x1xi32>
    %gather3A_285 = vector.shape_cast %broadcast_in_dim3A_284 : vector<16x1xi32> to vector<16xi32>
    %gather3A_286 = tpu.dynamic_gather %get3A_6[%gather3A_285] in [0] : vector<16xf32>, vector<16xi32> -> vector<16xf32>
    %swap3A_287 = arith.constant 256 : index
    %swap3A_288 = tpu.vector_load %arg7[%swap3A_287] {strides = array<i32>} : memref<2048xf32, #tpu.memory_space<vmem>>, vector<16xf32>,
    %swap3A_289 = vector.shape_cast %swap3A_288 : vector<16xf32> to vector<16xf32>
    %swap3A_290 = vector.shape_cast %gather3A_286 : vector<16xf32> to vector<16xf32>
    tpu.vector_store %arg7[%swap3A_287], %swap3A_290 {strides = array<i32>} : memref<2048xf32, #tpu.memory_space<vmem>>, vector<16xf32>,
    %get3A_291 = arith.constant 272 : index
    %get3A_292 = tpu.vector_load %arg5[%get3A_291] {strides = array<i32>} : memref<2048xi32, #tpu.memory_space<vmem>>, vector<16xi32>,
    %get3A_293 = vector.shape_cast %get3A_292 : vector<16xi32> to vector<16xi32>
    %lt3A_294 = arith.constant 0 : i32
    %lt3A_295 = vector.broadcast %lt3A_294 : i32 to vector<16xi32>
    %lt3A_296 = arith.cmpi slt, %get3A_293, %lt3A_295 : vector<16xi32>
    %add3A_297 = arith.constant 16 : i32
    %add3A_298 = vector.broadcast %add3A_297 : i32 to vector<16xi32>
    %add3A_299 = arith.addi %get3A_293, %add3A_298 : vector<16xi32>
    %select_n3A_300 = arith.select %lt3A_296, %add3A_299, %get3A_293 : vector<16xi1>, vector<16xi32>
    %broadcast_in_dim3A_301 = vector.shape_cast %select_n3A_300 : vector<16xi32> to vector<16x1xi32>
    %gather3A_302 = vector.shape_cast %broadcast_in_dim3A_301 : vector<16x1xi32> to vector<16xi32>
    %gather3A_303 = tpu.dynamic_gather %get3A_6[%gather3A_302] in [0] : vector<16xf32>, vector<16xi32> -> vector<16xf32>
    %swap3A_304 = arith.constant 272 : index
    %swap3A_305 = tpu.vector_load %arg7[%swap3A_304] {strides = array<i32>} : memref<2048xf32, #tpu.memory_space<vmem>>, vector<16xf32>,
    %swap3A_306 = vector.shape_cast %swap3A_305 : vector<16xf32> to vector<16xf32>
    %swap3A_307 = vector.shape_cast %gather3A_303 : vector<16xf32> to vector<16xf32>
    tpu.vector_store %arg7[%swap3A_304], %swap3A_307 {strides = array<i32>} : memref<2048xf32, #tpu.memory_space<vmem>>, vector<16xf32>,
    %get3A_308 = arith.constant 288 : index
    %get3A_309 = tpu.vector_load %arg5[%get3A_308] {strides = array<i32>} : memref<2048xi32, #tpu.memory_space<vmem>>, vector<16xi32>,
    %get3A_310 = vector.shape_cast %get3A_309 : vector<16xi32> to vector<16xi32>
    %lt3A_311 = arith.constant 0 : i32
    %lt3A_312 = vector.broadcast %lt3A_311 : i32 to vector<16xi32>
    %lt3A_313 = arith.cmpi slt, %get3A_310, %lt3A_312 : vector<16xi32>
    %add3A_314 = arith.constant 16 : i32
    %add3A_315 = vector.broadcast %add3A_314 : i32 to vector<16xi32>
    %add3A_316 = arith.addi %get3A_310, %add3A_315 : vector<16xi32>
    %select_n3A_317 = arith.select %lt3A_313, %add3A_316, %get3A_310 : vector<16xi1>, vector<16xi32>
    %broadcast_in_dim3A_318 = vector.shape_cast %select_n3A_317 : vector<16xi32> to vector<16x1xi32>
    %gather3A_319 = vector.shape_cast %broadcast_in_dim3A_318 : vector<16x1xi32> to vector<16xi32>
    %gather3A_320 = tpu.dynamic_gather %get3A_6[%gather3A_319] in [0] : vector<16xf32>, vector<16xi32> -> vector<16xf32>
    %swap3A_321 = arith.constant 288 : index
    %swap3A_322 = tpu.vector_load %arg7[%swap3A_321] {strides = array<i32>} : memref<2048xf32, #tpu.memory_space<vmem>>, vector<16xf32>,
    %swap3A_323 = vector.shape_cast %swap3A_322 : vector<16xf32> to vector<16xf32>
    %swap3A_324 = vector.shape_cast %gather3A_320 : vector<16xf32> to vector<16xf32>
    tpu.vector_store %arg7[%swap3A_321], %swap3A_324 {strides = array<i32>} : memref<2048xf32, #tpu.memory_space<vmem>>, vector<16xf32>,
    %get3A_325 = arith.constant 304 : index
    %get3A_326 = tpu.vector_load %arg5[%get3A_325] {strides = array<i32>} : memref<2048xi32, #tpu.memory_space<vmem>>, vector<16xi32>,
    %get3A_327 = vector.shape_cast %get3A_326 : vector<16xi32> to vector<16xi32>
    %lt3A_328 = arith.constant 0 : i32
    %lt3A_329 = vector.broadcast %lt3A_328 : i32 to vector<16xi32>
    %lt3A_330 = arith.cmpi slt, %get3A_327, %lt3A_329 : vector<16xi32>
    %add3A_331 = arith.constant 16 : i32
    %add3A_332 = vector.broadcast %add3A_331 : i32 to vector<16xi32>
    %add3A_333 = arith.addi %get3A_327, %add3A_332 : vector<16xi32>
    %select_n3A_334 = arith.select %lt3A_330, %add3A_333, %get3A_327 : vector<16xi1>, vector<16xi32>
    %broadcast_in_dim3A_335 = vector.shape_cast %select_n3A_334 : vector<16xi32> to vector<16x1xi32>
    %gather3A_336 = vector.shape_cast %broadcast_in_dim3A_335 : vector<16x1xi32> to vector<16xi32>
    %gather3A_337 = tpu.dynamic_gather %get3A_6[%gather3A_336] in [0] : vector<16xf32>, vector<16xi32> -> vector<16xf32>
    %swap3A_338 = arith.constant 304 : index
    %swap3A_339 = tpu.vector_load %arg7[%swap3A_338] {strides = array<i32>} : memref<2048xf32, #tpu.memory_space<vmem>>, vector<16xf32>,
    %swap3A_340 = vector.shape_cast %swap3A_339 : vector<16xf32> to vector<16xf32>
    %swap3A_341 = vector.shape_cast %gather3A_337 : vector<16xf32> to vector<16xf32>
    tpu.vector_store %arg7[%swap3A_338], %swap3A_341 {strides = array<i32>} : memref<2048xf32, #tpu.memory_space<vmem>>, vector<16xf32>,
    %get3A_342 = arith.constant 320 : index
    %get3A_343 = tpu.vector_load %arg5[%get3A_342] {strides = array<i32>} : memref<2048xi32, #tpu.memory_space<vmem>>, vector<16xi32>,
    %get3A_344 = vector.shape_cast %get3A_343 : vector<16xi32> to vector<16xi32>
    %lt3A_345 = arith.constant 0 : i32
    %lt3A_346 = vector.broadcast %lt3A_345 : i32 to vector<16xi32>
    %lt3A_347 = arith.cmpi slt, %get3A_344, %lt3A_346 : vector<16xi32>
    %add3A_348 = arith.constant 16 : i32
    %add3A_349 = vector.broadcast %add3A_348 : i32 to vector<16xi32>
    %add3A_350 = arith.addi %get3A_344, %add3A_349 : vector<16xi32>
    %select_n3A_351 = arith.select %lt3A_347, %add3A_350, %get3A_344 : vector<16xi1>, vector<16xi32>
    %broadcast_in_dim3A_352 = vector.shape_cast %select_n3A_351 : vector<16xi32> to vector<16x1xi32>
    %gather3A_353 = vector.shape_cast %broadcast_in_dim3A_352 : vector<16x1xi32> to vector<16xi32>
    %gather3A_354 = tpu.dynamic_gather %get3A_6[%gather3A_353] in [0] : vector<16xf32>, vector<16xi32> -> vector<16xf32>
    %swap3A_355 = arith.constant 320 : index
    %swap3A_356 = tpu.vector_load %arg7[%swap3A_355] {strides = array<i32>} : memref<2048xf32, #tpu.memory_space<vmem>>, vector<16xf32>,
    %swap3A_357 = vector.shape_cast %swap3A_356 : vector<16xf32> to vector<16xf32>
    %swap3A_358 = vector.shape_cast %gather3A_354 : vector<16xf32> to vector<16xf32>
    tpu.vector_store %arg7[%swap3A_355], %swap3A_358 {strides = array<i32>} : memref<2048xf32, #tpu.memory_space<vmem>>, vector<16xf32>,
    %get3A_359 = arith.constant 336 : index
    %get3A_360 = tpu.vector_load %arg5[%get3A_359] {strides = array<i32>} : memref<2048xi32, #tpu.memory_space<vmem>>, vector<16xi32>,
    %get3A_361 = vector.shape_cast %get3A_360 : vector<16xi32> to vector<16xi32>
    %lt3A_362 = arith.constant 0 : i32
    %lt3A_363 = vector.broadcast %lt3A_362 : i32 to vector<16xi32>
    %lt3A_364 = arith.cmpi slt, %get3A_361, %lt3A_363 : vector<16xi32>
    %add3A_365 = arith.constant 16 : i32
    %add3A_366 = vector.broadcast %add3A_365 : i32 to vector<16xi32>
    %add3A_367 = arith.addi %get3A_361, %add3A_366 : vector<16xi32>
    %select_n3A_368 = arith.select %lt3A_364, %add3A_367, %get3A_361 : vector<16xi1>, vector<16xi32>
    %broadcast_in_dim3A_369 = vector.shape_cast %select_n3A_368 : vector<16xi32> to vector<16x1xi32>
    %gather3A_370 = vector.shape_cast %broadcast_in_dim3A_369 : vector<16x1xi32> to vector<16xi32>
    %gather3A_371 = tpu.dynamic_gather %get3A_6[%gather3A_370] in [0] : vector<16xf32>, vector<16xi32> -> vector<16xf32>
    %swap3A_372 = arith.constant 336 : index
    %swap3A_373 = tpu.vector_load %arg7[%swap3A_372] {strides = array<i32>} : memref<2048xf32, #tpu.memory_space<vmem>>, vector<16xf32>,
    %swap3A_374 = vector.shape_cast %swap3A_373 : vector<16xf32> to vector<16xf32>
    %swap3A_375 = vector.shape_cast %gather3A_371 : vector<16xf32> to vector<16xf32>
    tpu.vector_store %arg7[%swap3A_372], %swap3A_375 {strides = array<i32>} : memref<2048xf32, #tpu.memory_space<vmem>>, vector<16xf32>,
    %get3A_376 = arith.constant 352 : index
    %get3A_377 = tpu.vector_load %arg5[%get3A_376] {strides = array<i32>} : memref<2048xi32, #tpu.memory_space<vmem>>, vector<16xi32>,
    %get3A_378 = vector.shape_cast %get3A_377 : vector<16xi32> to vector<16xi32>
    %lt3A_379 = arith.constant 0 : i32
    %lt3A_380 = vector.broadcast %lt3A_379 : i32 to vector<16xi32>
    %lt3A_381 = arith.cmpi slt, %get3A_378, %lt3A_380 : vector<16xi32>
    %add3A_382 = arith.constant 16 : i32
    %add3A_383 = vector.broadcast %add3A_382 : i32 to vector<16xi32>
    %add3A_384 = arith.addi %get3A_378, %add3A_383 : vector<16xi32>
    %select_n3A_385 = arith.select %lt3A_381, %add3A_384, %get3A_378 : vector<16xi1>, vector<16xi32>
    %broadcast_in_dim3A_386 = vector.shape_cast %select_n3A_385 : vector<16xi32> to vector<16x1xi32>
    %gather3A_387 = vector.shape_cast %broadcast_in_dim3A_386 : vector<16x1xi32> to vector<16xi32>
    %gather3A_388 = tpu.dynamic_gather %get3A_6[%gather3A_387] in [0] : vector<16xf32>, vector<16xi32> -> vector<16xf32>
    %swap3A_389 = arith.constant 352 : index
    %swap3A_390 = tpu.vector_load %arg7[%swap3A_389] {strides = array<i32>} : memref<2048xf32, #tpu.memory_space<vmem>>, vector<16xf32>,
    %swap3A_391 = vector.shape_cast %swap3A_390 : vector<16xf32> to vector<16xf32>
    %swap3A_392 = vector.shape_cast %gather3A_388 : vector<16xf32> to vector<16xf32>
    tpu.vector_store %arg7[%swap3A_389], %swap3A_392 {strides = array<i32>} : memref<2048xf32, #tpu.memory_space<vmem>>, vector<16xf32>,
    %get3A_393 = arith.constant 368 : index
    %get3A_394 = tpu.vector_load %arg5[%get3A_393] {strides = array<i32>} : memref<2048xi32, #tpu.memory_space<vmem>>, vector<16xi32>,
    %get3A_395 = vector.shape_cast %get3A_394 : vector<16xi32> to vector<16xi32>
    %lt3A_396 = arith.constant 0 : i32
    %lt3A_397 = vector.broadcast %lt3A_396 : i32 to vector<16xi32>
    %lt3A_398 = arith.cmpi slt, %get3A_395, %lt3A_397 : vector<16xi32>
    %add3A_399 = arith.constant 16 : i32
    %add3A_400 = vector.broadcast %add3A_399 : i32 to vector<16xi32>
    %add3A_401 = arith.addi %get3A_395, %add3A_400 : vector<16xi32>
    %select_n3A_402 = arith.select %lt3A_398, %add3A_401, %get3A_395 : vector<16xi1>, vector<16xi32>
    %broadcast_in_dim3A_403 = vector.shape_cast %select_n3A_402 : vector<16xi32> to vector<16x1xi32>
    %gather3A_404 = vector.shape_cast %broadcast_in_dim3A_403 : vector<16x1xi32> to vector<16xi32>
    %gather3A_405 = tpu.dynamic_gather %get3A_6[%gather3A_404] in [0] : vector<16xf32>, vector<16xi32> -> vector<16xf32>
    %swap3A_406 = arith.constant 368 : index
    %swap3A_407 = tpu.vector_load %arg7[%swap3A_406] {strides = array<i32>} : memref<2048xf32, #tpu.memory_space<vmem>>, vector<16xf32>,
    %swap3A_408 = vector.shape_cast %swap3A_407 : vector<16xf32> to vector<16xf32>
    %swap3A_409 = vector.shape_cast %gather3A_405 : vector<16xf32> to vector<16xf32>
    tpu.vector_store %arg7[%swap3A_406], %swap3A_409 {strides = array<i32>} : memref<2048xf32, #tpu.memory_space<vmem>>, vector<16xf32>,
    %get3A_410 = arith.constant 384 : index
    %get3A_411 = tpu.vector_load %arg5[%get3A_410] {strides = array<i32>} : memref<2048xi32, #tpu.memory_space<vmem>>, vector<16xi32>,
    %get3A_412 = vector.shape_cast %get3A_411 : vector<16xi32> to vector<16xi32>
    %lt3A_413 = arith.constant 0 : i32
    %lt3A_414 = vector.broadcast %lt3A_413 : i32 to vector<16xi32>
    %lt3A_415 = arith.cmpi slt, %get3A_412, %lt3A_414 : vector<16xi32>
    %add3A_416 = arith.constant 16 : i32
    %add3A_417 = vector.broadcast %add3A_416 : i32 to vector<16xi32>
    %add3A_418 = arith.addi %get3A_412, %add3A_417 : vector<16xi32>
    %select_n3A_419 = arith.select %lt3A_415, %add3A_418, %get3A_412 : vector<16xi1>, vector<16xi32>
    %broadcast_in_dim3A_420 = vector.shape_cast %select_n3A_419 : vector<16xi32> to vector<16x1xi32>
    %gather3A_421 = vector.shape_cast %broadcast_in_dim3A_420 : vector<16x1xi32> to vector<16xi32>
    %gather3A_422 = tpu.dynamic_gather %get3A_6[%gather3A_421] in [0] : vector<16xf32>, vector<16xi32> -> vector<16xf32>
    %swap3A_423 = arith.constant 384 : index
    %swap3A_424 = tpu.vector_load %arg7[%swap3A_423] {strides = array<i32>} : memref<2048xf32, #tpu.memory_space<vmem>>, vector<16xf32>,
    %swap3A_425 = vector.shape_cast %swap3A_424 : vector<16xf32> to vector<16xf32>
    %swap3A_426 = vector.shape_cast %gather3A_422 : vector<16xf32> to vector<16xf32>
    tpu.vector_store %arg7[%swap3A_423], %swap3A_426 {strides = array<i32>} : memref<2048xf32, #tpu.memory_space<vmem>>, vector<16xf32>,
    %get3A_427 = arith.constant 400 : index
    %get3A_428 = tpu.vector_load %arg5[%get3A_427] {strides = array<i32>} : memref<2048xi32, #tpu.memory_space<vmem>>, vector<16xi32>,
    %get3A_429 = vector.shape_cast %get3A_428 : vector<16xi32> to vector<16xi32>
    %lt3A_430 = arith.constant 0 : i32
    %lt3A_431 = vector.broadcast %lt3A_430 : i32 to vector<16xi32>
    %lt3A_432 = arith.cmpi slt, %get3A_429, %lt3A_431 : vector<16xi32>
    %add3A_433 = arith.constant 16 : i32
    %add3A_434 = vector.broadcast %add3A_433 : i32 to vector<16xi32>
    %add3A_435 = arith.addi %get3A_429, %add3A_434 : vector<16xi32>
    %select_n3A_436 = arith.select %lt3A_432, %add3A_435, %get3A_429 : vector<16xi1>, vector<16xi32>
    %broadcast_in_dim3A_437 = vector.shape_cast %select_n3A_436 : vector<16xi32> to vector<16x1xi32>
    %gather3A_438 = vector.shape_cast %broadcast_in_dim3A_437 : vector<16x1xi32> to vector<16xi32>
    %gather3A_439 = tpu.dynamic_gather %get3A_6[%gather3A_438] in [0] : vector<16xf32>, vector<16xi32> -> vector<16xf32>
    %swap3A_440 = arith.constant 400 : index
    %swap3A_441 = tpu.vector_load %arg7[%swap3A_440] {strides = array<i32>} : memref<2048xf32, #tpu.memory_space<vmem>>, vector<16xf32>,
    %swap3A_442 = vector.shape_cast %swap3A_441 : vector<16xf32> to vector<16xf32>
    %swap3A_443 = vector.shape_cast %gather3A_439 : vector<16xf32> to vector<16xf32>
    tpu.vector_store %arg7[%swap3A_440], %swap3A_443 {strides = array<i32>} : memref<2048xf32, #tpu.memory_space<vmem>>, vector<16xf32>,
    %get3A_444 = arith.constant 416 : index
    %get3A_445 = tpu.vector_load %arg5[%get3A_444] {strides = array<i32>} : memref<2048xi32, #tpu.memory_space<vmem>>, vector<16xi32>,
    %get3A_446 = vector.shape_cast %get3A_445 : vector<16xi32> to vector<16xi32>
    %lt3A_447 = arith.constant 0 : i32
    %lt3A_448 = vector.broadcast %lt3A_447 : i32 to vector<16xi32>
    %lt3A_449 = arith.cmpi slt, %get3A_446, %lt3A_448 : vector<16xi32>
    %add3A_450 = arith.constant 16 : i32
    %add3A_451 = vector.broadcast %add3A_450 : i32 to vector<16xi32>
    %add3A_452 = arith.addi %get3A_446, %add3A_451 : vector<16xi32>
    %select_n3A_453 = arith.select %lt3A_449, %add3A_452, %get3A_446 : vector<16xi1>, vector<16xi32>
    %broadcast_in_dim3A_454 = vector.shape_cast %select_n3A_453 : vector<16xi32> to vector<16x1xi32>
    %gather3A_455 = vector.shape_cast %broadcast_in_dim3A_454 : vector<16x1xi32> to vector<16xi32>
    %gather3A_456 = tpu.dynamic_gather %get3A_6[%gather3A_455] in [0] : vector<16xf32>, vector<16xi32> -> vector<16xf32>
    %swap3A_457 = arith.constant 416 : index
    %swap3A_458 = tpu.vector_load %arg7[%swap3A_457] {strides = array<i32>} : memref<2048xf32, #tpu.memory_space<vmem>>, vector<16xf32>,
    %swap3A_459 = vector.shape_cast %swap3A_458 : vector<16xf32> to vector<16xf32>
    %swap3A_460 = vector.shape_cast %gather3A_456 : vector<16xf32> to vector<16xf32>
    tpu.vector_store %arg7[%swap3A_457], %swap3A_460 {strides = array<i32>} : memref<2048xf32, #tpu.memory_space<vmem>>, vector<16xf32>,
    %get3A_461 = arith.constant 432 : index
    %get3A_462 = tpu.vector_load %arg5[%get3A_461] {strides = array<i32>} : memref<2048xi32, #tpu.memory_space<vmem>>, vector<16xi32>,
    %get3A_463 = vector.shape_cast %get3A_462 : vector<16xi32> to vector<16xi32>
    %lt3A_464 = arith.constant 0 : i32
    %lt3A_465 = vector.broadcast %lt3A_464 : i32 to vector<16xi32>
    %lt3A_466 = arith.cmpi slt, %get3A_463, %lt3A_465 : vector<16xi32>
    %add3A_467 = arith.constant 16 : i32
    %add3A_468 = vector.broadcast %add3A_467 : i32 to vector<16xi32>
    %add3A_469 = arith.addi %get3A_463, %add3A_468 : vector<16xi32>
    %select_n3A_470 = arith.select %lt3A_466, %add3A_469, %get3A_463 : vector<16xi1>, vector<16xi32>
    %broadcast_in_dim3A_471 = vector.shape_cast %select_n3A_470 : vector<16xi32> to vector<16x1xi32>
    %gather3A_472 = vector.shape_cast %broadcast_in_dim3A_471 : vector<16x1xi32> to vector<16xi32>
    %gather3A_473 = tpu.dynamic_gather %get3A_6[%gather3A_472] in [0] : vector<16xf32>, vector<16xi32> -> vector<16xf32>
    %swap3A_474 = arith.constant 432 : index
    %swap3A_475 = tpu.vector_load %arg7[%swap3A_474] {strides = array<i32>} : memref<2048xf32, #tpu.memory_space<vmem>>, vector<16xf32>,
    %swap3A_476 = vector.shape_cast %swap3A_475 : vector<16xf32> to vector<16xf32>
    %swap3A_477 = vector.shape_cast %gather3A_473 : vector<16xf32> to vector<16xf32>
    tpu.vector_store %arg7[%swap3A_474], %swap3A_477 {strides = array<i32>} : memref<2048xf32, #tpu.memory_space<vmem>>, vector<16xf32>,
    %get3A_478 = arith.constant 448 : index
    %get3A_479 = tpu.vector_load %arg5[%get3A_478] {strides = array<i32>} : memref<2048xi32, #tpu.memory_space<vmem>>, vector<16xi32>,
    %get3A_480 = vector.shape_cast %get3A_479 : vector<16xi32> to vector<16xi32>
    %lt3A_481 = arith.constant 0 : i32
    %lt3A_482 = vector.broadcast %lt3A_481 : i32 to vector<16xi32>
    %lt3A_483 = arith.cmpi slt, %get3A_480, %lt3A_482 : vector<16xi32>
    %add3A_484 = arith.constant 16 : i32
    %add3A_485 = vector.broadcast %add3A_484 : i32 to vector<16xi32>
    %add3A_486 = arith.addi %get3A_480, %add3A_485 : vector<16xi32>
    %select_n3A_487 = arith.select %lt3A_483, %add3A_486, %get3A_480 : vector<16xi1>, vector<16xi32>
    %broadcast_in_dim3A_488 = vector.shape_cast %select_n3A_487 : vector<16xi32> to vector<16x1xi32>
    %gather3A_489 = vector.shape_cast %broadcast_in_dim3A_488 : vector<16x1xi32> to vector<16xi32>
    %gather3A_490 = tpu.dynamic_gather %get3A_6[%gather3A_489] in [0] : vector<16xf32>, vector<16xi32> -> vector<16xf32>
    %swap3A_491 = arith.constant 448 : index
    %swap3A_492 = tpu.vector_load %arg7[%swap3A_491] {strides = array<i32>} : memref<2048xf32, #tpu.memory_space<vmem>>, vector<16xf32>,
    %swap3A_493 = vector.shape_cast %swap3A_492 : vector<16xf32> to vector<16xf32>
    %swap3A_494 = vector.shape_cast %gather3A_490 : vector<16xf32> to vector<16xf32>
    tpu.vector_store %arg7[%swap3A_491], %swap3A_494 {strides = array<i32>} : memref<2048xf32, #tpu.memory_space<vmem>>, vector<16xf32>,
    %get3A_495 = arith.constant 464 : index
    %get3A_496 = tpu.vector_load %arg5[%get3A_495] {strides = array<i32>} : memref<2048xi32, #tpu.memory_space<vmem>>, vector<16xi32>,
    %get3A_497 = vector.shape_cast %get3A_496 : vector<16xi32> to vector<16xi32>
    %lt3A_498 = arith.constant 0 : i32
    %lt3A_499 = vector.broadcast %lt3A_498 : i32 to vector<16xi32>
    %lt3A_500 = arith.cmpi slt, %get3A_497, %lt3A_499 : vector<16xi32>
    %add3A_501 = arith.constant 16 : i32
    %add3A_502 = vector.broadcast %add3A_501 : i32 to vector<16xi32>
    %add3A_503 = arith.addi %get3A_497, %add3A_502 : vector<16xi32>
    %select_n3A_504 = arith.select %lt3A_500, %add3A_503, %get3A_497 : vector<16xi1>, vector<16xi32>
    %broadcast_in_dim3A_505 = vector.shape_cast %select_n3A_504 : vector<16xi32> to vector<16x1xi32>
    %gather3A_506 = vector.shape_cast %broadcast_in_dim3A_505 : vector<16x1xi32> to vector<16xi32>
    %gather3A_507 = tpu.dynamic_gather %get3A_6[%gather3A_506] in [0] : vector<16xf32>, vector<16xi32> -> vector<16xf32>
    %swap3A_508 = arith.constant 464 : index
    %swap3A_509 = tpu.vector_load %arg7[%swap3A_508] {strides = array<i32>} : memref<2048xf32, #tpu.memory_space<vmem>>, vector<16xf32>,
    %swap3A_510 = vector.shape_cast %swap3A_509 : vector<16xf32> to vector<16xf32>
    %swap3A_511 = vector.shape_cast %gather3A_507 : vector<16xf32> to vector<16xf32>
    tpu.vector_store %arg7[%swap3A_508], %swap3A_511 {strides = array<i32>} : memref<2048xf32, #tpu.memory_space<vmem>>, vector<16xf32>,
    %get3A_512 = arith.constant 480 : index
    %get3A_513 = tpu.vector_load %arg5[%get3A_512] {strides = array<i32>} : memref<2048xi32, #tpu.memory_space<vmem>>, vector<16xi32>,
    %get3A_514 = vector.shape_cast %get3A_513 : vector<16xi32> to vector<16xi32>
    %lt3A_515 = arith.constant 0 : i32
    %lt3A_516 = vector.broadcast %lt3A_515 : i32 to vector<16xi32>
    %lt3A_517 = arith.cmpi slt, %get3A_514, %lt3A_516 : vector<16xi32>
    %add3A_518 = arith.constant 16 : i32
    %add3A_519 = vector.broadcast %add3A_518 : i32 to vector<16xi32>
    %add3A_520 = arith.addi %get3A_514, %add3A_519 : vector<16xi32>
    %select_n3A_521 = arith.select %lt3A_517, %add3A_520, %get3A_514 : vector<16xi1>, vector<16xi32>
    %broadcast_in_dim3A_522 = vector.shape_cast %select_n3A_521 : vector<16xi32> to vector<16x1xi32>
    %gather3A_523 = vector.shape_cast %broadcast_in_dim3A_522 : vector<16x1xi32> to vector<16xi32>
    %gather3A_524 = tpu.dynamic_gather %get3A_6[%gather3A_523] in [0] : vector<16xf32>, vector<16xi32> -> vector<16xf32>
    %swap3A_525 = arith.constant 480 : index
    %swap3A_526 = tpu.vector_load %arg7[%swap3A_525] {strides = array<i32>} : memref<2048xf32, #tpu.memory_space<vmem>>, vector<16xf32>,
    %swap3A_527 = vector.shape_cast %swap3A_526 : vector<16xf32> to vector<16xf32>
    %swap3A_528 = vector.shape_cast %gather3A_524 : vector<16xf32> to vector<16xf32>
    tpu.vector_store %arg7[%swap3A_525], %swap3A_528 {strides = array<i32>} : memref<2048xf32, #tpu.memory_space<vmem>>, vector<16xf32>,
    %get3A_529 = arith.constant 496 : index
    %get3A_530 = tpu.vector_load %arg5[%get3A_529] {strides = array<i32>} : memref<2048xi32, #tpu.memory_space<vmem>>, vector<16xi32>,
    %get3A_531 = vector.shape_cast %get3A_530 : vector<16xi32> to vector<16xi32>
    %lt3A_532 = arith.constant 0 : i32
    %lt3A_533 = vector.broadcast %lt3A_532 : i32 to vector<16xi32>
    %lt3A_534 = arith.cmpi slt, %get3A_531, %lt3A_533 : vector<16xi32>
    %add3A_535 = arith.constant 16 : i32
    %add3A_536 = vector.broadcast %add3A_535 : i32 to vector<16xi32>
    %add3A_537 = arith.addi %get3A_531, %add3A_536 : vector<16xi32>
    %select_n3A_538 = arith.select %lt3A_534, %add3A_537, %get3A_531 : vector<16xi1>, vector<16xi32>
    %broadcast_in_dim3A_539 = vector.shape_cast %select_n3A_538 : vector<16xi32> to vector<16x1xi32>
    %gather3A_540 = vector.shape_cast %broadcast_in_dim3A_539 : vector<16x1xi32> to vector<16xi32>
    %gather3A_541 = tpu.dynamic_gather %get3A_6[%gather3A_540] in [0] : vector<16xf32>, vector<16xi32> -> vector<16xf32>
    %swap3A_542 = arith.constant 496 : index
    %swap3A_543 = tpu.vector_load %arg7[%swap3A_542] {strides = array<i32>} : memref<2048xf32, #tpu.memory_space<vmem>>, vector<16xf32>,
    %swap3A_544 = vector.shape_cast %swap3A_543 : vector<16xf32> to vector<16xf32>
    %swap3A_545 = vector.shape_cast %gather3A_541 : vector<16xf32> to vector<16xf32>
    tpu.vector_store %arg7[%swap3A_542], %swap3A_545 {strides = array<i32>} : memref<2048xf32, #tpu.memory_space<vmem>>, vector<16xf32>,
    %get3A_546 = arith.constant 512 : index
    %get3A_547 = tpu.vector_load %arg5[%get3A_546] {strides = array<i32>} : memref<2048xi32, #tpu.memory_space<vmem>>, vector<16xi32>,
    %get3A_548 = vector.shape_cast %get3A_547 : vector<16xi32> to vector<16xi32>
    %lt3A_549 = arith.constant 0 : i32
    %lt3A_550 = vector.broadcast %lt3A_549 : i32 to vector<16xi32>
    %lt3A_551 = arith.cmpi slt, %get3A_548, %lt3A_550 : vector<16xi32>
    %add3A_552 = arith.constant 16 : i32
    %add3A_553 = vector.broadcast %add3A_552 : i32 to vector<16xi32>
    %add3A_554 = arith.addi %get3A_548, %add3A_553 : vector<16xi32>
    %select_n3A_555 = arith.select %lt3A_551, %add3A_554, %get3A_548 : vector<16xi1>, vector<16xi32>
    %broadcast_in_dim3A_556 = vector.shape_cast %select_n3A_555 : vector<16xi32> to vector<16x1xi32>
    %gather3A_557 = vector.shape_cast %broadcast_in_dim3A_556 : vector<16x1xi32> to vector<16xi32>
    %gather3A_558 = tpu.dynamic_gather %get3A_6[%gather3A_557] in [0] : vector<16xf32>, vector<16xi32> -> vector<16xf32>
    %swap3A_559 = arith.constant 512 : index
    %swap3A_560 = tpu.vector_load %arg7[%swap3A_559] {strides = array<i32>} : memref<2048xf32, #tpu.memory_space<vmem>>, vector<16xf32>,
    %swap3A_561 = vector.shape_cast %swap3A_560 : vector<16xf32> to vector<16xf32>
    %swap3A_562 = vector.shape_cast %gather3A_558 : vector<16xf32> to vector<16xf32>
    tpu.vector_store %arg7[%swap3A_559], %swap3A_562 {strides = array<i32>} : memref<2048xf32, #tpu.memory_space<vmem>>, vector<16xf32>,
    %get3A_563 = arith.constant 528 : index
    %get3A_564 = tpu.vector_load %arg5[%get3A_563] {strides = array<i32>} : memref<2048xi32, #tpu.memory_space<vmem>>, vector<16xi32>,
    %get3A_565 = vector.shape_cast %get3A_564 : vector<16xi32> to vector<16xi32>
    %lt3A_566 = arith.constant 0 : i32
    %lt3A_567 = vector.broadcast %lt3A_566 : i32 to vector<16xi32>
    %lt3A_568 = arith.cmpi slt, %get3A_565, %lt3A_567 : vector<16xi32>
    %add3A_569 = arith.constant 16 : i32
    %add3A_570 = vector.broadcast %add3A_569 : i32 to vector<16xi32>
    %add3A_571 = arith.addi %get3A_565, %add3A_570 : vector<16xi32>
    %select_n3A_572 = arith.select %lt3A_568, %add3A_571, %get3A_565 : vector<16xi1>, vector<16xi32>
    %broadcast_in_dim3A_573 = vector.shape_cast %select_n3A_572 : vector<16xi32> to vector<16x1xi32>
    %gather3A_574 = vector.shape_cast %broadcast_in_dim3A_573 : vector<16x1xi32> to vector<16xi32>
    %gather3A_575 = tpu.dynamic_gather %get3A_6[%gather3A_574] in [0] : vector<16xf32>, vector<16xi32> -> vector<16xf32>
    %swap3A_576 = arith.constant 528 : index
    %swap3A_577 = tpu.vector_load %arg7[%swap3A_576] {strides = array<i32>} : memref<2048xf32, #tpu.memory_space<vmem>>, vector<16xf32>,
    %swap3A_578 = vector.shape_cast %swap3A_577 : vector<16xf32> to vector<16xf32>
    %swap3A_579 = vector.shape_cast %gather3A_575 : vector<16xf32> to vector<16xf32>
    tpu.vector_store %arg7[%swap3A_576], %swap3A_579 {strides = array<i32>} : memref<2048xf32, #tpu.memory_space<vmem>>, vector<16xf32>,
    %get3A_580 = arith.constant 544 : index
    %get3A_581 = tpu.vector_load %arg5[%get3A_580] {strides = array<i32>} : memref<2048xi32, #tpu.memory_space<vmem>>, vector<16xi32>,
    %get3A_582 = vector.shape_cast %get3A_581 : vector<16xi32> to vector<16xi32>
    %lt3A_583 = arith.constant 0 : i32
    %lt3A_584 = vector.broadcast %lt3A_583 : i32 to vector<16xi32>
    %lt3A_585 = arith.cmpi slt, %get3A_582, %lt3A_584 : vector<16xi32>
    %add3A_586 = arith.constant 16 : i32
    %add3A_587 = vector.broadcast %add3A_586 : i32 to vector<16xi32>
    %add3A_588 = arith.addi %get3A_582, %add3A_587 : vector<16xi32>
    %select_n3A_589 = arith.select %lt3A_585, %add3A_588, %get3A_582 : vector<16xi1>, vector<16xi32>
    %broadcast_in_dim3A_590 = vector.shape_cast %select_n3A_589 : vector<16xi32> to vector<16x1xi32>
    %gather3A_591 = vector.shape_cast %broadcast_in_dim3A_590 : vector<16x1xi32> to vector<16xi32>
    %gather3A_592 = tpu.dynamic_gather %get3A_6[%gather3A_591] in [0] : vector<16xf32>, vector<16xi32> -> vector<16xf32>
    %swap3A_593 = arith.constant 544 : index
    %swap3A_594 = tpu.vector_load %arg7[%swap3A_593] {strides = array<i32>} : memref<2048xf32, #tpu.memory_space<vmem>>, vector<16xf32>,
    %swap3A_595 = vector.shape_cast %swap3A_594 : vector<16xf32> to vector<16xf32>
    %swap3A_596 = vector.shape_cast %gather3A_592 : vector<16xf32> to vector<16xf32>
    tpu.vector_store %arg7[%swap3A_593], %swap3A_596 {strides = array<i32>} : memref<2048xf32, #tpu.memory_space<vmem>>, vector<16xf32>,
    %get3A_597 = arith.constant 560 : index
    %get3A_598 = tpu.vector_load %arg5[%get3A_597] {strides = array<i32>} : memref<2048xi32, #tpu.memory_space<vmem>>, vector<16xi32>,
    %get3A_599 = vector.shape_cast %get3A_598 : vector<16xi32> to vector<16xi32>
    %lt3A_600 = arith.constant 0 : i32
    %lt3A_601 = vector.broadcast %lt3A_600 : i32 to vector<16xi32>
    %lt3A_602 = arith.cmpi slt, %get3A_599, %lt3A_601 : vector<16xi32>
    %add3A_603 = arith.constant 16 : i32
    %add3A_604 = vector.broadcast %add3A_603 : i32 to vector<16xi32>
    %add3A_605 = arith.addi %get3A_599, %add3A_604 : vector<16xi32>
    %select_n3A_606 = arith.select %lt3A_602, %add3A_605, %get3A_599 : vector<16xi1>, vector<16xi32>
    %broadcast_in_dim3A_607 = vector.shape_cast %select_n3A_606 : vector<16xi32> to vector<16x1xi32>
    %gather3A_608 = vector.shape_cast %broadcast_in_dim3A_607 : vector<16x1xi32> to vector<16xi32>
    %gather3A_609 = tpu.dynamic_gather %get3A_6[%gather3A_608] in [0] : vector<16xf32>, vector<16xi32> -> vector<16xf32>
    %swap3A_610 = arith.constant 560 : index
    %swap3A_611 = tpu.vector_load %arg7[%swap3A_610] {strides = array<i32>} : memref<2048xf32, #tpu.memory_space<vmem>>, vector<16xf32>,
    %swap3A_612 = vector.shape_cast %swap3A_611 : vector<16xf32> to vector<16xf32>
    %swap3A_613 = vector.shape_cast %gather3A_609 : vector<16xf32> to vector<16xf32>
    tpu.vector_store %arg7[%swap3A_610], %swap3A_613 {strides = array<i32>} : memref<2048xf32, #tpu.memory_space<vmem>>, vector<16xf32>,
    %get3A_614 = arith.constant 576 : index
    %get3A_615 = tpu.vector_load %arg5[%get3A_614] {strides = array<i32>} : memref<2048xi32, #tpu.memory_space<vmem>>, vector<16xi32>,
    %get3A_616 = vector.shape_cast %get3A_615 : vector<16xi32> to vector<16xi32>
    %lt3A_617 = arith.constant 0 : i32
    %lt3A_618 = vector.broadcast %lt3A_617 : i32 to vector<16xi32>
    %lt3A_619 = arith.cmpi slt, %get3A_616, %lt3A_618 : vector<16xi32>
    %add3A_620 = arith.constant 16 : i32
    %add3A_621 = vector.broadcast %add3A_620 : i32 to vector<16xi32>
    %add3A_622 = arith.addi %get3A_616, %add3A_621 : vector<16xi32>
    %select_n3A_623 = arith.select %lt3A_619, %add3A_622, %get3A_616 : vector<16xi1>, vector<16xi32>
    %broadcast_in_dim3A_624 = vector.shape_cast %select_n3A_623 : vector<16xi32> to vector<16x1xi32>
    %gather3A_625 = vector.shape_cast %broadcast_in_dim3A_624 : vector<16x1xi32> to vector<16xi32>
    %gather3A_626 = tpu.dynamic_gather %get3A_6[%gather3A_625] in [0] : vector<16xf32>, vector<16xi32> -> vector<16xf32>
    %swap3A_627 = arith.constant 576 : index
    %swap3A_628 = tpu.vector_load %arg7[%swap3A_627] {strides = array<i32>} : memref<2048xf32, #tpu.memory_space<vmem>>, vector<16xf32>,
    %swap3A_629 = vector.shape_cast %swap3A_628 : vector<16xf32> to vector<16xf32>
    %swap3A_630 = vector.shape_cast %gather3A_626 : vector<16xf32> to vector<16xf32>
    tpu.vector_store %arg7[%swap3A_627], %swap3A_630 {strides = array<i32>} : memref<2048xf32, #tpu.memory_space<vmem>>, vector<16xf32>,
    %get3A_631 = arith.constant 592 : index
    %get3A_632 = tpu.vector_load %arg5[%get3A_631] {strides = array<i32>} : memref<2048xi32, #tpu.memory_space<vmem>>, vector<16xi32>,
    %get3A_633 = vector.shape_cast %get3A_632 : vector<16xi32> to vector<16xi32>
    %lt3A_634 = arith.constant 0 : i32
    %lt3A_635 = vector.broadcast %lt3A_634 : i32 to vector<16xi32>
    %lt3A_636 = arith.cmpi slt, %get3A_633, %lt3A_635 : vector<16xi32>
    %add3A_637 = arith.constant 16 : i32
    %add3A_638 = vector.broadcast %add3A_637 : i32 to vector<16xi32>
    %add3A_639 = arith.addi %get3A_633, %add3A_638 : vector<16xi32>
    %select_n3A_640 = arith.select %lt3A_636, %add3A_639, %get3A_633 : vector<16xi1>, vector<16xi32>
    %broadcast_in_dim3A_641 = vector.shape_cast %select_n3A_640 : vector<16xi32> to vector<16x1xi32>
    %gather3A_642 = vector.shape_cast %broadcast_in_dim3A_641 : vector<16x1xi32> to vector<16xi32>
    %gather3A_643 = tpu.dynamic_gather %get3A_6[%gather3A_642] in [0] : vector<16xf32>, vector<16xi32> -> vector<16xf32>
    %swap3A_644 = arith.constant 592 : index
    %swap3A_645 = tpu.vector_load %arg7[%swap3A_644] {strides = array<i32>} : memref<2048xf32, #tpu.memory_space<vmem>>, vector<16xf32>,
    %swap3A_646 = vector.shape_cast %swap3A_645 : vector<16xf32> to vector<16xf32>
    %swap3A_647 = vector.shape_cast %gather3A_643 : vector<16xf32> to vector<16xf32>
    tpu.vector_store %arg7[%swap3A_644], %swap3A_647 {strides = array<i32>} : memref<2048xf32, #tpu.memory_space<vmem>>, vector<16xf32>,
    %get3A_648 = arith.constant 608 : index
    %get3A_649 = tpu.vector_load %arg5[%get3A_648] {strides = array<i32>} : memref<2048xi32, #tpu.memory_space<vmem>>, vector<16xi32>,
    %get3A_650 = vector.shape_cast %get3A_649 : vector<16xi32> to vector<16xi32>
    %lt3A_651 = arith.constant 0 : i32
    %lt3A_652 = vector.broadcast %lt3A_651 : i32 to vector<16xi32>
    %lt3A_653 = arith.cmpi slt, %get3A_650, %lt3A_652 : vector<16xi32>
    %add3A_654 = arith.constant 16 : i32
    %add3A_655 = vector.broadcast %add3A_654 : i32 to vector<16xi32>
    %add3A_656 = arith.addi %get3A_650, %add3A_655 : vector<16xi32>
    %select_n3A_657 = arith.select %lt3A_653, %add3A_656, %get3A_650 : vector<16xi1>, vector<16xi32>
    %broadcast_in_dim3A_658 = vector.shape_cast %select_n3A_657 : vector<16xi32> to vector<16x1xi32>
    %gather3A_659 = vector.shape_cast %broadcast_in_dim3A_658 : vector<16x1xi32> to vector<16xi32>
    %gather3A_660 = tpu.dynamic_gather %get3A_6[%gather3A_659] in [0] : vector<16xf32>, vector<16xi32> -> vector<16xf32>
    %swap3A_661 = arith.constant 608 : index
    %swap3A_662 = tpu.vector_load %arg7[%swap3A_661] {strides = array<i32>} : memref<2048xf32, #tpu.memory_space<vmem>>, vector<16xf32>,
    %swap3A_663 = vector.shape_cast %swap3A_662 : vector<16xf32> to vector<16xf32>
    %swap3A_664 = vector.shape_cast %gather3A_660 : vector<16xf32> to vector<16xf32>
    tpu.vector_store %arg7[%swap3A_661], %swap3A_664 {strides = array<i32>} : memref<2048xf32, #tpu.memory_space<vmem>>, vector<16xf32>,
    %get3A_665 = arith.constant 624 : index
    %get3A_666 = tpu.vector_load %arg5[%get3A_665] {strides = array<i32>} : memref<2048xi32, #tpu.memory_space<vmem>>, vector<16xi32>,
    %get3A_667 = vector.shape_cast %get3A_666 : vector<16xi32> to vector<16xi32>
    %lt3A_668 = arith.constant 0 : i32
    %lt3A_669 = vector.broadcast %lt3A_668 : i32 to vector<16xi32>
    %lt3A_670 = arith.cmpi slt, %get3A_667, %lt3A_669 : vector<16xi32>
    %add3A_671 = arith.constant 16 : i32
    %add3A_672 = vector.broadcast %add3A_671 : i32 to vector<16xi32>
    %add3A_673 = arith.addi %get3A_667, %add3A_672 : vector<16xi32>
    %select_n3A_674 = arith.select %lt3A_670, %add3A_673, %get3A_667 : vector<16xi1>, vector<16xi32>
    %broadcast_in_dim3A_675 = vector.shape_cast %select_n3A_674 : vector<16xi32> to vector<16x1xi32>
    %gather3A_676 = vector.shape_cast %broadcast_in_dim3A_675 : vector<16x1xi32> to vector<16xi32>
    %gather3A_677 = tpu.dynamic_gather %get3A_6[%gather3A_676] in [0] : vector<16xf32>, vector<16xi32> -> vector<16xf32>
    %swap3A_678 = arith.constant 624 : index
    %swap3A_679 = tpu.vector_load %arg7[%swap3A_678] {strides = array<i32>} : memref<2048xf32, #tpu.memory_space<vmem>>, vector<16xf32>,
    %swap3A_680 = vector.shape_cast %swap3A_679 : vector<16xf32> to vector<16xf32>
    %swap3A_681 = vector.shape_cast %gather3A_677 : vector<16xf32> to vector<16xf32>
    tpu.vector_store %arg7[%swap3A_678], %swap3A_681 {strides = array<i32>} : memref<2048xf32, #tpu.memory_space<vmem>>, vector<16xf32>,
    %get3A_682 = arith.constant 640 : index
    %get3A_683 = tpu.vector_load %arg5[%get3A_682] {strides = array<i32>} : memref<2048xi32, #tpu.memory_space<vmem>>, vector<16xi32>,
    %get3A_684 = vector.shape_cast %get3A_683 : vector<16xi32> to vector<16xi32>
    %lt3A_685 = arith.constant 0 : i32
    %lt3A_686 = vector.broadcast %lt3A_685 : i32 to vector<16xi32>
    %lt3A_687 = arith.cmpi slt, %get3A_684, %lt3A_686 : vector<16xi32>
    %add3A_688 = arith.constant 16 : i32
    %add3A_689 = vector.broadcast %add3A_688 : i32 to vector<16xi32>
    %add3A_690 = arith.addi %get3A_684, %add3A_689 : vector<16xi32>
    %select_n3A_691 = arith.select %lt3A_687, %add3A_690, %get3A_684 : vector<16xi1>, vector<16xi32>
    %broadcast_in_dim3A_692 = vector.shape_cast %select_n3A_691 : vector<16xi32> to vector<16x1xi32>
    %gather3A_693 = vector.shape_cast %broadcast_in_dim3A_692 : vector<16x1xi32> to vector<16xi32>
    %gather3A_694 = tpu.dynamic_gather %get3A_6[%gather3A_693] in [0] : vector<16xf32>, vector<16xi32> -> vector<16xf32>
    %swap3A_695 = arith.constant 640 : index
    %swap3A_696 = tpu.vector_load %arg7[%swap3A_695] {strides = array<i32>} : memref<2048xf32, #tpu.memory_space<vmem>>, vector<16xf32>,
    %swap3A_697 = vector.shape_cast %swap3A_696 : vector<16xf32> to vector<16xf32>
    %swap3A_698 = vector.shape_cast %gather3A_694 : vector<16xf32> to vector<16xf32>
    tpu.vector_store %arg7[%swap3A_695], %swap3A_698 {strides = array<i32>} : memref<2048xf32, #tpu.memory_space<vmem>>, vector<16xf32>,
    %get3A_699 = arith.constant 656 : index
    %get3A_700 = tpu.vector_load %arg5[%get3A_699] {strides = array<i32>} : memref<2048xi32, #tpu.memory_space<vmem>>, vector<16xi32>,
    %get3A_701 = vector.shape_cast %get3A_700 : vector<16xi32> to vector<16xi32>
    %lt3A_702 = arith.constant 0 : i32
    %lt3A_703 = vector.broadcast %lt3A_702 : i32 to vector<16xi32>
    %lt3A_704 = arith.cmpi slt, %get3A_701, %lt3A_703 : vector<16xi32>
    %add3A_705 = arith.constant 16 : i32
    %add3A_706 = vector.broadcast %add3A_705 : i32 to vector<16xi32>
    %add3A_707 = arith.addi %get3A_701, %add3A_706 : vector<16xi32>
    %select_n3A_708 = arith.select %lt3A_704, %add3A_707, %get3A_701 : vector<16xi1>, vector<16xi32>
    %broadcast_in_dim3A_709 = vector.shape_cast %select_n3A_708 : vector<16xi32> to vector<16x1xi32>
    %gather3A_710 = vector.shape_cast %broadcast_in_dim3A_709 : vector<16x1xi32> to vector<16xi32>
    %gather3A_711 = tpu.dynamic_gather %get3A_6[%gather3A_710] in [0] : vector<16xf32>, vector<16xi32> -> vector<16xf32>
    %swap3A_712 = arith.constant 656 : index
    %swap3A_713 = tpu.vector_load %arg7[%swap3A_712] {strides = array<i32>} : memref<2048xf32, #tpu.memory_space<vmem>>, vector<16xf32>,
    %swap3A_714 = vector.shape_cast %swap3A_713 : vector<16xf32> to vector<16xf32>
    %swap3A_715 = vector.shape_cast %gather3A_711 : vector<16xf32> to vector<16xf32>
    tpu.vector_store %arg7[%swap3A_712], %swap3A_715 {strides = array<i32>} : memref<2048xf32, #tpu.memory_space<vmem>>, vector<16xf32>,
    %get3A_716 = arith.constant 672 : index
    %get3A_717 = tpu.vector_load %arg5[%get3A_716] {strides = array<i32>} : memref<2048xi32, #tpu.memory_space<vmem>>, vector<16xi32>,
    %get3A_718 = vector.shape_cast %get3A_717 : vector<16xi32> to vector<16xi32>
    %lt3A_719 = arith.constant 0 : i32
    %lt3A_720 = vector.broadcast %lt3A_719 : i32 to vector<16xi32>
    %lt3A_721 = arith.cmpi slt, %get3A_718, %lt3A_720 : vector<16xi32>
    %add3A_722 = arith.constant 16 : i32
    %add3A_723 = vector.broadcast %add3A_722 : i32 to vector<16xi32>
    %add3A_724 = arith.addi %get3A_718, %add3A_723 : vector<16xi32>
    %select_n3A_725 = arith.select %lt3A_721, %add3A_724, %get3A_718 : vector<16xi1>, vector<16xi32>
    %broadcast_in_dim3A_726 = vector.shape_cast %select_n3A_725 : vector<16xi32> to vector<16x1xi32>
    %gather3A_727 = vector.shape_cast %broadcast_in_dim3A_726 : vector<16x1xi32> to vector<16xi32>
    %gather3A_728 = tpu.dynamic_gather %get3A_6[%gather3A_727] in [0] : vector<16xf32>, vector<16xi32> -> vector<16xf32>
    %swap3A_729 = arith.constant 672 : index
    %swap3A_730 = tpu.vector_load %arg7[%swap3A_729] {strides = array<i32>} : memref<2048xf32, #tpu.memory_space<vmem>>, vector<16xf32>,
    %swap3A_731 = vector.shape_cast %swap3A_730 : vector<16xf32> to vector<16xf32>
    %swap3A_732 = vector.shape_cast %gather3A_728 : vector<16xf32> to vector<16xf32>
    tpu.vector_store %arg7[%swap3A_729], %swap3A_732 {strides = array<i32>} : memref<2048xf32, #tpu.memory_space<vmem>>, vector<16xf32>,
    %get3A_733 = arith.constant 688 : index
    %get3A_734 = tpu.vector_load %arg5[%get3A_733] {strides = array<i32>} : memref<2048xi32, #tpu.memory_space<vmem>>, vector<16xi32>,
    %get3A_735 = vector.shape_cast %get3A_734 : vector<16xi32> to vector<16xi32>
    %lt3A_736 = arith.constant 0 : i32
    %lt3A_737 = vector.broadcast %lt3A_736 : i32 to vector<16xi32>
    %lt3A_738 = arith.cmpi slt, %get3A_735, %lt3A_737 : vector<16xi32>
    %add3A_739 = arith.constant 16 : i32
    %add3A_740 = vector.broadcast %add3A_739 : i32 to vector<16xi32>
    %add3A_741 = arith.addi %get3A_735, %add3A_740 : vector<16xi32>
    %select_n3A_742 = arith.select %lt3A_738, %add3A_741, %get3A_735 : vector<16xi1>, vector<16xi32>
    %broadcast_in_dim3A_743 = vector.shape_cast %select_n3A_742 : vector<16xi32> to vector<16x1xi32>
    %gather3A_744 = vector.shape_cast %broadcast_in_dim3A_743 : vector<16x1xi32> to vector<16xi32>
    %gather3A_745 = tpu.dynamic_gather %get3A_6[%gather3A_744] in [0] : vector<16xf32>, vector<16xi32> -> vector<16xf32>
    %swap3A_746 = arith.constant 688 : index
    %swap3A_747 = tpu.vector_load %arg7[%swap3A_746] {strides = array<i32>} : memref<2048xf32, #tpu.memory_space<vmem>>, vector<16xf32>,
    %swap3A_748 = vector.shape_cast %swap3A_747 : vector<16xf32> to vector<16xf32>
    %swap3A_749 = vector.shape_cast %gather3A_745 : vector<16xf32> to vector<16xf32>
    tpu.vector_store %arg7[%swap3A_746], %swap3A_749 {strides = array<i32>} : memref<2048xf32, #tpu.memory_space<vmem>>, vector<16xf32>,
    %get3A_750 = arith.constant 704 : index
    %get3A_751 = tpu.vector_load %arg5[%get3A_750] {strides = array<i32>} : memref<2048xi32, #tpu.memory_space<vmem>>, vector<16xi32>,
    %get3A_752 = vector.shape_cast %get3A_751 : vector<16xi32> to vector<16xi32>
    %lt3A_753 = arith.constant 0 : i32
    %lt3A_754 = vector.broadcast %lt3A_753 : i32 to vector<16xi32>
    %lt3A_755 = arith.cmpi slt, %get3A_752, %lt3A_754 : vector<16xi32>
    %add3A_756 = arith.constant 16 : i32
    %add3A_757 = vector.broadcast %add3A_756 : i32 to vector<16xi32>
    %add3A_758 = arith.addi %get3A_752, %add3A_757 : vector<16xi32>
    %select_n3A_759 = arith.select %lt3A_755, %add3A_758, %get3A_752 : vector<16xi1>, vector<16xi32>
    %broadcast_in_dim3A_760 = vector.shape_cast %select_n3A_759 : vector<16xi32> to vector<16x1xi32>
    %gather3A_761 = vector.shape_cast %broadcast_in_dim3A_760 : vector<16x1xi32> to vector<16xi32>
    %gather3A_762 = tpu.dynamic_gather %get3A_6[%gather3A_761] in [0] : vector<16xf32>, vector<16xi32> -> vector<16xf32>
    %swap3A_763 = arith.constant 704 : index
    %swap3A_764 = tpu.vector_load %arg7[%swap3A_763] {strides = array<i32>} : memref<2048xf32, #tpu.memory_space<vmem>>, vector<16xf32>,
    %swap3A_765 = vector.shape_cast %swap3A_764 : vector<16xf32> to vector<16xf32>
    %swap3A_766 = vector.shape_cast %gather3A_762 : vector<16xf32> to vector<16xf32>
    tpu.vector_store %arg7[%swap3A_763], %swap3A_766 {strides = array<i32>} : memref<2048xf32, #tpu.memory_space<vmem>>, vector<16xf32>,
    %get3A_767 = arith.constant 720 : index
    %get3A_768 = tpu.vector_load %arg5[%get3A_767] {strides = array<i32>} : memref<2048xi32, #tpu.memory_space<vmem>>, vector<16xi32>,
    %get3A_769 = vector.shape_cast %get3A_768 : vector<16xi32> to vector<16xi32>
    %lt3A_770 = arith.constant 0 : i32
    %lt3A_771 = vector.broadcast %lt3A_770 : i32 to vector<16xi32>
    %lt3A_772 = arith.cmpi slt, %get3A_769, %lt3A_771 : vector<16xi32>
    %add3A_773 = arith.constant 16 : i32
    %add3A_774 = vector.broadcast %add3A_773 : i32 to vector<16xi32>
    %add3A_775 = arith.addi %get3A_769, %add3A_774 : vector<16xi32>
    %select_n3A_776 = arith.select %lt3A_772, %add3A_775, %get3A_769 : vector<16xi1>, vector<16xi32>
    %broadcast_in_dim3A_777 = vector.shape_cast %select_n3A_776 : vector<16xi32> to vector<16x1xi32>
    %gather3A_778 = vector.shape_cast %broadcast_in_dim3A_777 : vector<16x1xi32> to vector<16xi32>
    %gather3A_779 = tpu.dynamic_gather %get3A_6[%gather3A_778] in [0] : vector<16xf32>, vector<16xi32> -> vector<16xf32>
    %swap3A_780 = arith.constant 720 : index
    %swap3A_781 = tpu.vector_load %arg7[%swap3A_780] {strides = array<i32>} : memref<2048xf32, #tpu.memory_space<vmem>>, vector<16xf32>,
    %swap3A_782 = vector.shape_cast %swap3A_781 : vector<16xf32> to vector<16xf32>
    %swap3A_783 = vector.shape_cast %gather3A_779 : vector<16xf32> to vector<16xf32>
    tpu.vector_store %arg7[%swap3A_780], %swap3A_783 {strides = array<i32>} : memref<2048xf32, #tpu.memory_space<vmem>>, vector<16xf32>,
    %get3A_784 = arith.constant 736 : index
    %get3A_785 = tpu.vector_load %arg5[%get3A_784] {strides = array<i32>} : memref<2048xi32, #tpu.memory_space<vmem>>, vector<16xi32>,
    %get3A_786 = vector.shape_cast %get3A_785 : vector<16xi32> to vector<16xi32>
    %lt3A_787 = arith.constant 0 : i32
    %lt3A_788 = vector.broadcast %lt3A_787 : i32 to vector<16xi32>
    %lt3A_789 = arith.cmpi slt, %get3A_786, %lt3A_788 : vector<16xi32>
    %add3A_790 = arith.constant 16 : i32
    %add3A_791 = vector.broadcast %add3A_790 : i32 to vector<16xi32>
    %add3A_792 = arith.addi %get3A_786, %add3A_791 : vector<16xi32>
    %select_n3A_793 = arith.select %lt3A_789, %add3A_792, %get3A_786 : vector<16xi1>, vector<16xi32>
    %broadcast_in_dim3A_794 = vector.shape_cast %select_n3A_793 : vector<16xi32> to vector<16x1xi32>
    %gather3A_795 = vector.shape_cast %broadcast_in_dim3A_794 : vector<16x1xi32> to vector<16xi32>
    %gather3A_796 = tpu.dynamic_gather %get3A_6[%gather3A_795] in [0] : vector<16xf32>, vector<16xi32> -> vector<16xf32>
    %swap3A_797 = arith.constant 736 : index
    %swap3A_798 = tpu.vector_load %arg7[%swap3A_797] {strides = array<i32>} : memref<2048xf32, #tpu.memory_space<vmem>>, vector<16xf32>,
    %swap3A_799 = vector.shape_cast %swap3A_798 : vector<16xf32> to vector<16xf32>
    %swap3A_800 = vector.shape_cast %gather3A_796 : vector<16xf32> to vector<16xf32>
    tpu.vector_store %arg7[%swap3A_797], %swap3A_800 {strides = array<i32>} : memref<2048xf32, #tpu.memory_space<vmem>>, vector<16xf32>,
    %get3A_801 = arith.constant 752 : index
    %get3A_802 = tpu.vector_load %arg5[%get3A_801] {strides = array<i32>} : memref<2048xi32, #tpu.memory_space<vmem>>, vector<16xi32>,
    %get3A_803 = vector.shape_cast %get3A_802 : vector<16xi32> to vector<16xi32>
    %lt3A_804 = arith.constant 0 : i32
    %lt3A_805 = vector.broadcast %lt3A_804 : i32 to vector<16xi32>
    %lt3A_806 = arith.cmpi slt, %get3A_803, %lt3A_805 : vector<16xi32>
    %add3A_807 = arith.constant 16 : i32
    %add3A_808 = vector.broadcast %add3A_807 : i32 to vector<16xi32>
    %add3A_809 = arith.addi %get3A_803, %add3A_808 : vector<16xi32>
    %select_n3A_810 = arith.select %lt3A_806, %add3A_809, %get3A_803 : vector<16xi1>, vector<16xi32>
    %broadcast_in_dim3A_811 = vector.shape_cast %select_n3A_810 : vector<16xi32> to vector<16x1xi32>
    %gather3A_812 = vector.shape_cast %broadcast_in_dim3A_811 : vector<16x1xi32> to vector<16xi32>
    %gather3A_813 = tpu.dynamic_gather %get3A_6[%gather3A_812] in [0] : vector<16xf32>, vector<16xi32> -> vector<16xf32>
    %swap3A_814 = arith.constant 752 : index
    %swap3A_815 = tpu.vector_load %arg7[%swap3A_814] {strides = array<i32>} : memref<2048xf32, #tpu.memory_space<vmem>>, vector<16xf32>,
    %swap3A_816 = vector.shape_cast %swap3A_815 : vector<16xf32> to vector<16xf32>
    %swap3A_817 = vector.shape_cast %gather3A_813 : vector<16xf32> to vector<16xf32>
    tpu.vector_store %arg7[%swap3A_814], %swap3A_817 {strides = array<i32>} : memref<2048xf32, #tpu.memory_space<vmem>>, vector<16xf32>,
    %get3A_818 = arith.constant 768 : index
    %get3A_819 = tpu.vector_load %arg5[%get3A_818] {strides = array<i32>} : memref<2048xi32, #tpu.memory_space<vmem>>, vector<16xi32>,
    %get3A_820 = vector.shape_cast %get3A_819 : vector<16xi32> to vector<16xi32>
    %lt3A_821 = arith.constant 0 : i32
    %lt3A_822 = vector.broadcast %lt3A_821 : i32 to vector<16xi32>
    %lt3A_823 = arith.cmpi slt, %get3A_820, %lt3A_822 : vector<16xi32>
    %add3A_824 = arith.constant 16 : i32
    %add3A_825 = vector.broadcast %add3A_824 : i32 to vector<16xi32>
    %add3A_826 = arith.addi %get3A_820, %add3A_825 : vector<16xi32>
    %select_n3A_827 = arith.select %lt3A_823, %add3A_826, %get3A_820 : vector<16xi1>, vector<16xi32>
    %broadcast_in_dim3A_828 = vector.shape_cast %select_n3A_827 : vector<16xi32> to vector<16x1xi32>
    %gather3A_829 = vector.shape_cast %broadcast_in_dim3A_828 : vector<16x1xi32> to vector<16xi32>
    %gather3A_830 = tpu.dynamic_gather %get3A_6[%gather3A_829] in [0] : vector<16xf32>, vector<16xi32> -> vector<16xf32>
    %swap3A_831 = arith.constant 768 : index
    %swap3A_832 = tpu.vector_load %arg7[%swap3A_831] {strides = array<i32>} : memref<2048xf32, #tpu.memory_space<vmem>>, vector<16xf32>,
    %swap3A_833 = vector.shape_cast %swap3A_832 : vector<16xf32> to vector<16xf32>
    %swap3A_834 = vector.shape_cast %gather3A_830 : vector<16xf32> to vector<16xf32>
    tpu.vector_store %arg7[%swap3A_831], %swap3A_834 {strides = array<i32>} : memref<2048xf32, #tpu.memory_space<vmem>>, vector<16xf32>,
    %get3A_835 = arith.constant 784 : index
    %get3A_836 = tpu.vector_load %arg5[%get3A_835] {strides = array<i32>} : memref<2048xi32, #tpu.memory_space<vmem>>, vector<16xi32>,
    %get3A_837 = vector.shape_cast %get3A_836 : vector<16xi32> to vector<16xi32>
    %lt3A_838 = arith.constant 0 : i32
    %lt3A_839 = vector.broadcast %lt3A_838 : i32 to vector<16xi32>
    %lt3A_840 = arith.cmpi slt, %get3A_837, %lt3A_839 : vector<16xi32>
    %add3A_841 = arith.constant 16 : i32
    %add3A_842 = vector.broadcast %add3A_841 : i32 to vector<16xi32>
    %add3A_843 = arith.addi %get3A_837, %add3A_842 : vector<16xi32>
    %select_n3A_844 = arith.select %lt3A_840, %add3A_843, %get3A_837 : vector<16xi1>, vector<16xi32>
    %broadcast_in_dim3A_845 = vector.shape_cast %select_n3A_844 : vector<16xi32> to vector<16x1xi32>
    %gather3A_846 = vector.shape_cast %broadcast_in_dim3A_845 : vector<16x1xi32> to vector<16xi32>
    %gather3A_847 = tpu.dynamic_gather %get3A_6[%gather3A_846] in [0] : vector<16xf32>, vector<16xi32> -> vector<16xf32>
    %swap3A_848 = arith.constant 784 : index
    %swap3A_849 = tpu.vector_load %arg7[%swap3A_848] {strides = array<i32>} : memref<2048xf32, #tpu.memory_space<vmem>>, vector<16xf32>,
    %swap3A_850 = vector.shape_cast %swap3A_849 : vector<16xf32> to vector<16xf32>
    %swap3A_851 = vector.shape_cast %gather3A_847 : vector<16xf32> to vector<16xf32>
    tpu.vector_store %arg7[%swap3A_848], %swap3A_851 {strides = array<i32>} : memref<2048xf32, #tpu.memory_space<vmem>>, vector<16xf32>,
    %get3A_852 = arith.constant 800 : index
    %get3A_853 = tpu.vector_load %arg5[%get3A_852] {strides = array<i32>} : memref<2048xi32, #tpu.memory_space<vmem>>, vector<16xi32>,
    %get3A_854 = vector.shape_cast %get3A_853 : vector<16xi32> to vector<16xi32>
    %lt3A_855 = arith.constant 0 : i32
    %lt3A_856 = vector.broadcast %lt3A_855 : i32 to vector<16xi32>
    %lt3A_857 = arith.cmpi slt, %get3A_854, %lt3A_856 : vector<16xi32>
    %add3A_858 = arith.constant 16 : i32
    %add3A_859 = vector.broadcast %add3A_858 : i32 to vector<16xi32>
    %add3A_860 = arith.addi %get3A_854, %add3A_859 : vector<16xi32>
    %select_n3A_861 = arith.select %lt3A_857, %add3A_860, %get3A_854 : vector<16xi1>, vector<16xi32>
    %broadcast_in_dim3A_862 = vector.shape_cast %select_n3A_861 : vector<16xi32> to vector<16x1xi32>
    %gather3A_863 = vector.shape_cast %broadcast_in_dim3A_862 : vector<16x1xi32> to vector<16xi32>
    %gather3A_864 = tpu.dynamic_gather %get3A_6[%gather3A_863] in [0] : vector<16xf32>, vector<16xi32> -> vector<16xf32>
    %swap3A_865 = arith.constant 800 : index
    %swap3A_866 = tpu.vector_load %arg7[%swap3A_865] {strides = array<i32>} : memref<2048xf32, #tpu.memory_space<vmem>>, vector<16xf32>,
    %swap3A_867 = vector.shape_cast %swap3A_866 : vector<16xf32> to vector<16xf32>
    %swap3A_868 = vector.shape_cast %gather3A_864 : vector<16xf32> to vector<16xf32>
    tpu.vector_store %arg7[%swap3A_865], %swap3A_868 {strides = array<i32>} : memref<2048xf32, #tpu.memory_space<vmem>>, vector<16xf32>,
    %get3A_869 = arith.constant 816 : index
    %get3A_870 = tpu.vector_load %arg5[%get3A_869] {strides = array<i32>} : memref<2048xi32, #tpu.memory_space<vmem>>, vector<16xi32>,
    %get3A_871 = vector.shape_cast %get3A_870 : vector<16xi32> to vector<16xi32>
    %lt3A_872 = arith.constant 0 : i32
    %lt3A_873 = vector.broadcast %lt3A_872 : i32 to vector<16xi32>
    %lt3A_874 = arith.cmpi slt, %get3A_871, %lt3A_873 : vector<16xi32>
    %add3A_875 = arith.constant 16 : i32
    %add3A_876 = vector.broadcast %add3A_875 : i32 to vector<16xi32>
    %add3A_877 = arith.addi %get3A_871, %add3A_876 : vector<16xi32>
    %select_n3A_878 = arith.select %lt3A_874, %add3A_877, %get3A_871 : vector<16xi1>, vector<16xi32>
    %broadcast_in_dim3A_879 = vector.shape_cast %select_n3A_878 : vector<16xi32> to vector<16x1xi32>
    %gather3A_880 = vector.shape_cast %broadcast_in_dim3A_879 : vector<16x1xi32> to vector<16xi32>
    %gather3A_881 = tpu.dynamic_gather %get3A_6[%gather3A_880] in [0] : vector<16xf32>, vector<16xi32> -> vector<16xf32>
    %swap3A_882 = arith.constant 816 : index
    %swap3A_883 = tpu.vector_load %arg7[%swap3A_882] {strides = array<i32>} : memref<2048xf32, #tpu.memory_space<vmem>>, vector<16xf32>,
    %swap3A_884 = vector.shape_cast %swap3A_883 : vector<16xf32> to vector<16xf32>
    %swap3A_885 = vector.shape_cast %gather3A_881 : vector<16xf32> to vector<16xf32>
    tpu.vector_store %arg7[%swap3A_882], %swap3A_885 {strides = array<i32>} : memref<2048xf32, #tpu.memory_space<vmem>>, vector<16xf32>,
    %get3A_886 = arith.constant 832 : index
    %get3A_887 = tpu.vector_load %arg5[%get3A_886] {strides = array<i32>} : memref<2048xi32, #tpu.memory_space<vmem>>, vector<16xi32>,
    %get3A_888 = vector.shape_cast %get3A_887 : vector<16xi32> to vector<16xi32>
    %lt3A_889 = arith.constant 0 : i32
    %lt3A_890 = vector.broadcast %lt3A_889 : i32 to vector<16xi32>
    %lt3A_891 = arith.cmpi slt, %get3A_888, %lt3A_890 : vector<16xi32>
    %add3A_892 = arith.constant 16 : i32
    %add3A_893 = vector.broadcast %add3A_892 : i32 to vector<16xi32>
    %add3A_894 = arith.addi %get3A_888, %add3A_893 : vector<16xi32>
    %select_n3A_895 = arith.select %lt3A_891, %add3A_894, %get3A_888 : vector<16xi1>, vector<16xi32>
    %broadcast_in_dim3A_896 = vector.shape_cast %select_n3A_895 : vector<16xi32> to vector<16x1xi32>
    %gather3A_897 = vector.shape_cast %broadcast_in_dim3A_896 : vector<16x1xi32> to vector<16xi32>
    %gather3A_898 = tpu.dynamic_gather %get3A_6[%gather3A_897] in [0] : vector<16xf32>, vector<16xi32> -> vector<16xf32>
    %swap3A_899 = arith.constant 832 : index
    %swap3A_900 = tpu.vector_load %arg7[%swap3A_899] {strides = array<i32>} : memref<2048xf32, #tpu.memory_space<vmem>>, vector<16xf32>,
    %swap3A_901 = vector.shape_cast %swap3A_900 : vector<16xf32> to vector<16xf32>
    %swap3A_902 = vector.shape_cast %gather3A_898 : vector<16xf32> to vector<16xf32>
    tpu.vector_store %arg7[%swap3A_899], %swap3A_902 {strides = array<i32>} : memref<2048xf32, #tpu.memory_space<vmem>>, vector<16xf32>,
    %get3A_903 = arith.constant 848 : index
    %get3A_904 = tpu.vector_load %arg5[%get3A_903] {strides = array<i32>} : memref<2048xi32, #tpu.memory_space<vmem>>, vector<16xi32>,
    %get3A_905 = vector.shape_cast %get3A_904 : vector<16xi32> to vector<16xi32>
    %lt3A_906 = arith.constant 0 : i32
    %lt3A_907 = vector.broadcast %lt3A_906 : i32 to vector<16xi32>
    %lt3A_908 = arith.cmpi slt, %get3A_905, %lt3A_907 : vector<16xi32>
    %add3A_909 = arith.constant 16 : i32
    %add3A_910 = vector.broadcast %add3A_909 : i32 to vector<16xi32>
    %add3A_911 = arith.addi %get3A_905, %add3A_910 : vector<16xi32>
    %select_n3A_912 = arith.select %lt3A_908, %add3A_911, %get3A_905 : vector<16xi1>, vector<16xi32>
    %broadcast_in_dim3A_913 = vector.shape_cast %select_n3A_912 : vector<16xi32> to vector<16x1xi32>
    %gather3A_914 = vector.shape_cast %broadcast_in_dim3A_913 : vector<16x1xi32> to vector<16xi32>
    %gather3A_915 = tpu.dynamic_gather %get3A_6[%gather3A_914] in [0] : vector<16xf32>, vector<16xi32> -> vector<16xf32>
    %swap3A_916 = arith.constant 848 : index
    %swap3A_917 = tpu.vector_load %arg7[%swap3A_916] {strides = array<i32>} : memref<2048xf32, #tpu.memory_space<vmem>>, vector<16xf32>,
    %swap3A_918 = vector.shape_cast %swap3A_917 : vector<16xf32> to vector<16xf32>
    %swap3A_919 = vector.shape_cast %gather3A_915 : vector<16xf32> to vector<16xf32>
    tpu.vector_store %arg7[%swap3A_916], %swap3A_919 {strides = array<i32>} : memref<2048xf32, #tpu.memory_space<vmem>>, vector<16xf32>,
    %get3A_920 = arith.constant 864 : index
    %get3A_921 = tpu.vector_load %arg5[%get3A_920] {strides = array<i32>} : memref<2048xi32, #tpu.memory_space<vmem>>, vector<16xi32>,
    %get3A_922 = vector.shape_cast %get3A_921 : vector<16xi32> to vector<16xi32>
    %lt3A_923 = arith.constant 0 : i32
    %lt3A_924 = vector.broadcast %lt3A_923 : i32 to vector<16xi32>
    %lt3A_925 = arith.cmpi slt, %get3A_922, %lt3A_924 : vector<16xi32>
    %add3A_926 = arith.constant 16 : i32
    %add3A_927 = vector.broadcast %add3A_926 : i32 to vector<16xi32>
    %add3A_928 = arith.addi %get3A_922, %add3A_927 : vector<16xi32>
    %select_n3A_929 = arith.select %lt3A_925, %add3A_928, %get3A_922 : vector<16xi1>, vector<16xi32>
    %broadcast_in_dim3A_930 = vector.shape_cast %select_n3A_929 : vector<16xi32> to vector<16x1xi32>
    %gather3A_931 = vector.shape_cast %broadcast_in_dim3A_930 : vector<16x1xi32> to vector<16xi32>
    %gather3A_932 = tpu.dynamic_gather %get3A_6[%gather3A_931] in [0] : vector<16xf32>, vector<16xi32> -> vector<16xf32>
    %swap3A_933 = arith.constant 864 : index
    %swap3A_934 = tpu.vector_load %arg7[%swap3A_933] {strides = array<i32>} : memref<2048xf32, #tpu.memory_space<vmem>>, vector<16xf32>,
    %swap3A_935 = vector.shape_cast %swap3A_934 : vector<16xf32> to vector<16xf32>
    %swap3A_936 = vector.shape_cast %gather3A_932 : vector<16xf32> to vector<16xf32>
    tpu.vector_store %arg7[%swap3A_933], %swap3A_936 {strides = array<i32>} : memref<2048xf32, #tpu.memory_space<vmem>>, vector<16xf32>,
    %get3A_937 = arith.constant 880 : index
    %get3A_938 = tpu.vector_load %arg5[%get3A_937] {strides = array<i32>} : memref<2048xi32, #tpu.memory_space<vmem>>, vector<16xi32>,
    %get3A_939 = vector.shape_cast %get3A_938 : vector<16xi32> to vector<16xi32>
    %lt3A_940 = arith.constant 0 : i32
    %lt3A_941 = vector.broadcast %lt3A_940 : i32 to vector<16xi32>
    %lt3A_942 = arith.cmpi slt, %get3A_939, %lt3A_941 : vector<16xi32>
    %add3A_943 = arith.constant 16 : i32
    %add3A_944 = vector.broadcast %add3A_943 : i32 to vector<16xi32>
    %add3A_945 = arith.addi %get3A_939, %add3A_944 : vector<16xi32>
    %select_n3A_946 = arith.select %lt3A_942, %add3A_945, %get3A_939 : vector<16xi1>, vector<16xi32>
    %broadcast_in_dim3A_947 = vector.shape_cast %select_n3A_946 : vector<16xi32> to vector<16x1xi32>
    %gather3A_948 = vector.shape_cast %broadcast_in_dim3A_947 : vector<16x1xi32> to vector<16xi32>
    %gather3A_949 = tpu.dynamic_gather %get3A_6[%gather3A_948] in [0] : vector<16xf32>, vector<16xi32> -> vector<16xf32>
    %swap3A_950 = arith.constant 880 : index
    %swap3A_951 = tpu.vector_load %arg7[%swap3A_950] {strides = array<i32>} : memref<2048xf32, #tpu.memory_space<vmem>>, vector<16xf32>,
    %swap3A_952 = vector.shape_cast %swap3A_951 : vector<16xf32> to vector<16xf32>
    %swap3A_953 = vector.shape_cast %gather3A_949 : vector<16xf32> to vector<16xf32>
    tpu.vector_store %arg7[%swap3A_950], %swap3A_953 {strides = array<i32>} : memref<2048xf32, #tpu.memory_space<vmem>>, vector<16xf32>,
    %get3A_954 = arith.constant 896 : index
    %get3A_955 = tpu.vector_load %arg5[%get3A_954] {strides = array<i32>} : memref<2048xi32, #tpu.memory_space<vmem>>, vector<16xi32>,
    %get3A_956 = vector.shape_cast %get3A_955 : vector<16xi32> to vector<16xi32>
    %lt3A_957 = arith.constant 0 : i32
    %lt3A_958 = vector.broadcast %lt3A_957 : i32 to vector<16xi32>
    %lt3A_959 = arith.cmpi slt, %get3A_956, %lt3A_958 : vector<16xi32>
    %add3A_960 = arith.constant 16 : i32
    %add3A_961 = vector.broadcast %add3A_960 : i32 to vector<16xi32>
    %add3A_962 = arith.addi %get3A_956, %add3A_961 : vector<16xi32>
    %select_n3A_963 = arith.select %lt3A_959, %add3A_962, %get3A_956 : vector<16xi1>, vector<16xi32>
    %broadcast_in_dim3A_964 = vector.shape_cast %select_n3A_963 : vector<16xi32> to vector<16x1xi32>
    %gather3A_965 = vector.shape_cast %broadcast_in_dim3A_964 : vector<16x1xi32> to vector<16xi32>
    %gather3A_966 = tpu.dynamic_gather %get3A_6[%gather3A_965] in [0] : vector<16xf32>, vector<16xi32> -> vector<16xf32>
    %swap3A_967 = arith.constant 896 : index
    %swap3A_968 = tpu.vector_load %arg7[%swap3A_967] {strides = array<i32>} : memref<2048xf32, #tpu.memory_space<vmem>>, vector<16xf32>,
    %swap3A_969 = vector.shape_cast %swap3A_968 : vector<16xf32> to vector<16xf32>
    %swap3A_970 = vector.shape_cast %gather3A_966 : vector<16xf32> to vector<16xf32>
    tpu.vector_store %arg7[%swap3A_967], %swap3A_970 {strides = array<i32>} : memref<2048xf32, #tpu.memory_space<vmem>>, vector<16xf32>,
    %get3A_971 = arith.constant 912 : index
    %get3A_972 = tpu.vector_load %arg5[%get3A_971] {strides = array<i32>} : memref<2048xi32, #tpu.memory_space<vmem>>, vector<16xi32>,
    %get3A_973 = vector.shape_cast %get3A_972 : vector<16xi32> to vector<16xi32>
    %lt3A_974 = arith.constant 0 : i32
    %lt3A_975 = vector.broadcast %lt3A_974 : i32 to vector<16xi32>
    %lt3A_976 = arith.cmpi slt, %get3A_973, %lt3A_975 : vector<16xi32>
    %add3A_977 = arith.constant 16 : i32
    %add3A_978 = vector.broadcast %add3A_977 : i32 to vector<16xi32>
    %add3A_979 = arith.addi %get3A_973, %add3A_978 : vector<16xi32>
    %select_n3A_980 = arith.select %lt3A_976, %add3A_979, %get3A_973 : vector<16xi1>, vector<16xi32>
    %broadcast_in_dim3A_981 = vector.shape_cast %select_n3A_980 : vector<16xi32> to vector<16x1xi32>
    %gather3A_982 = vector.shape_cast %broadcast_in_dim3A_981 : vector<16x1xi32> to vector<16xi32>
    %gather3A_983 = tpu.dynamic_gather %get3A_6[%gather3A_982] in [0] : vector<16xf32>, vector<16xi32> -> vector<16xf32>
    %swap3A_984 = arith.constant 912 : index
    %swap3A_985 = tpu.vector_load %arg7[%swap3A_984] {strides = array<i32>} : memref<2048xf32, #tpu.memory_space<vmem>>, vector<16xf32>,
    %swap3A_986 = vector.shape_cast %swap3A_985 : vector<16xf32> to vector<16xf32>
    %swap3A_987 = vector.shape_cast %gather3A_983 : vector<16xf32> to vector<16xf32>
    tpu.vector_store %arg7[%swap3A_984], %swap3A_987 {strides = array<i32>} : memref<2048xf32, #tpu.memory_space<vmem>>, vector<16xf32>,
    %get3A_988 = arith.constant 928 : index
    %get3A_989 = tpu.vector_load %arg5[%get3A_988] {strides = array<i32>} : memref<2048xi32, #tpu.memory_space<vmem>>, vector<16xi32>,
    %get3A_990 = vector.shape_cast %get3A_989 : vector<16xi32> to vector<16xi32>
    %lt3A_991 = arith.constant 0 : i32
    %lt3A_992 = vector.broadcast %lt3A_991 : i32 to vector<16xi32>
    %lt3A_993 = arith.cmpi slt, %get3A_990, %lt3A_992 : vector<16xi32>
    %add3A_994 = arith.constant 16 : i32
    %add3A_995 = vector.broadcast %add3A_994 : i32 to vector<16xi32>
    %add3A_996 = arith.addi %get3A_990, %add3A_995 : vector<16xi32>
    %select_n3A_997 = arith.select %lt3A_993, %add3A_996, %get3A_990 : vector<16xi1>, vector<16xi32>
    %broadcast_in_dim3A_998 = vector.shape_cast %select_n3A_997 : vector<16xi32> to vector<16x1xi32>
    %gather3A_999 = vector.shape_cast %broadcast_in_dim3A_998 : vector<16x1xi32> to vector<16xi32>
    %gather3A_1000 = tpu.dynamic_gather %get3A_6[%gather3A_999] in [0] : vector<16xf32>, vector<16xi32> -> vector<16xf32>
    %swap3A_1001 = arith.constant 928 : index
    %swap3A_1002 = tpu.vector_load %arg7[%swap3A_1001] {strides = array<i32>} : memref<2048xf32, #tpu.memory_space<vmem>>, vector<16xf32>,
    %swap3A_1003 = vector.shape_cast %swap3A_1002 : vector<16xf32> to vector<16xf32>
    %swap3A_1004 = vector.shape_cast %gather3A_1000 : vector<16xf32> to vector<16xf32>
    tpu.vector_store %arg7[%swap3A_1001], %swap3A_1004 {strides = array<i32>} : memref<2048xf32, #tpu.memory_space<vmem>>, vector<16xf32>,
    %get3A_1005 = arith.constant 944 : index
    %get3A_1006 = tpu.vector_load %arg5[%get3A_1005] {strides = array<i32>} : memref<2048xi32, #tpu.memory_space<vmem>>, vector<16xi32>,
    %get3A_1007 = vector.shape_cast %get3A_1006 : vector<16xi32> to vector<16xi32>
    %lt3A_1008 = arith.constant 0 : i32
    %lt3A_1009 = vector.broadcast %lt3A_1008 : i32 to vector<16xi32>
    %lt3A_1010 = arith.cmpi slt, %get3A_1007, %lt3A_1009 : vector<16xi32>
    %add3A_1011 = arith.constant 16 : i32
    %add3A_1012 = vector.broadcast %add3A_1011 : i32 to vector<16xi32>
    %add3A_1013 = arith.addi %get3A_1007, %add3A_1012 : vector<16xi32>
    %select_n3A_1014 = arith.select %lt3A_1010, %add3A_1013, %get3A_1007 : vector<16xi1>, vector<16xi32>
    %broadcast_in_dim3A_1015 = vector.shape_cast %select_n3A_1014 : vector<16xi32> to vector<16x1xi32>
    %gather3A_1016 = vector.shape_cast %broadcast_in_dim3A_1015 : vector<16x1xi32> to vector<16xi32>
    %gather3A_1017 = tpu.dynamic_gather %get3A_6[%gather3A_1016] in [0] : vector<16xf32>, vector<16xi32> -> vector<16xf32>
    %swap3A_1018 = arith.constant 944 : index
    %swap3A_1019 = tpu.vector_load %arg7[%swap3A_1018] {strides = array<i32>} : memref<2048xf32, #tpu.memory_space<vmem>>, vector<16xf32>,
    %swap3A_1020 = vector.shape_cast %swap3A_1019 : vector<16xf32> to vector<16xf32>
    %swap3A_1021 = vector.shape_cast %gather3A_1017 : vector<16xf32> to vector<16xf32>
    tpu.vector_store %arg7[%swap3A_1018], %swap3A_1021 {strides = array<i32>} : memref<2048xf32, #tpu.memory_space<vmem>>, vector<16xf32>,
    %get3A_1022 = arith.constant 960 : index
    %get3A_1023 = tpu.vector_load %arg5[%get3A_1022] {strides = array<i32>} : memref<2048xi32, #tpu.memory_space<vmem>>, vector<16xi32>,
    %get3A_1024 = vector.shape_cast %get3A_1023 : vector<16xi32> to vector<16xi32>
    %lt3A_1025 = arith.constant 0 : i32
    %lt3A_1026 = vector.broadcast %lt3A_1025 : i32 to vector<16xi32>
    %lt3A_1027 = arith.cmpi slt, %get3A_1024, %lt3A_1026 : vector<16xi32>
    %add3A_1028 = arith.constant 16 : i32
    %add3A_1029 = vector.broadcast %add3A_1028 : i32 to vector<16xi32>
    %add3A_1030 = arith.addi %get3A_1024, %add3A_1029 : vector<16xi32>
    %select_n3A_1031 = arith.select %lt3A_1027, %add3A_1030, %get3A_1024 : vector<16xi1>, vector<16xi32>
    %broadcast_in_dim3A_1032 = vector.shape_cast %select_n3A_1031 : vector<16xi32> to vector<16x1xi32>
    %gather3A_1033 = vector.shape_cast %broadcast_in_dim3A_1032 : vector<16x1xi32> to vector<16xi32>
    %gather3A_1034 = tpu.dynamic_gather %get3A_6[%gather3A_1033] in [0] : vector<16xf32>, vector<16xi32> -> vector<16xf32>
    %swap3A_1035 = arith.constant 960 : index
    %swap3A_1036 = tpu.vector_load %arg7[%swap3A_1035] {strides = array<i32>} : memref<2048xf32, #tpu.memory_space<vmem>>, vector<16xf32>,
    %swap3A_1037 = vector.shape_cast %swap3A_1036 : vector<16xf32> to vector<16xf32>
    %swap3A_1038 = vector.shape_cast %gather3A_1034 : vector<16xf32> to vector<16xf32>
    tpu.vector_store %arg7[%swap3A_1035], %swap3A_1038 {strides = array<i32>} : memref<2048xf32, #tpu.memory_space<vmem>>, vector<16xf32>,
    %get3A_1039 = arith.constant 976 : index
    %get3A_1040 = tpu.vector_load %arg5[%get3A_1039] {strides = array<i32>} : memref<2048xi32, #tpu.memory_space<vmem>>, vector<16xi32>,
    %get3A_1041 = vector.shape_cast %get3A_1040 : vector<16xi32> to vector<16xi32>
    %lt3A_1042 = arith.constant 0 : i32
    %lt3A_1043 = vector.broadcast %lt3A_1042 : i32 to vector<16xi32>
    %lt3A_1044 = arith.cmpi slt, %get3A_1041, %lt3A_1043 : vector<16xi32>
    %add3A_1045 = arith.constant 16 : i32
    %add3A_1046 = vector.broadcast %add3A_1045 : i32 to vector<16xi32>
    %add3A_1047 = arith.addi %get3A_1041, %add3A_1046 : vector<16xi32>
    %select_n3A_1048 = arith.select %lt3A_1044, %add3A_1047, %get3A_1041 : vector<16xi1>, vector<16xi32>
    %broadcast_in_dim3A_1049 = vector.shape_cast %select_n3A_1048 : vector<16xi32> to vector<16x1xi32>
    %gather3A_1050 = vector.shape_cast %broadcast_in_dim3A_1049 : vector<16x1xi32> to vector<16xi32>
    %gather3A_1051 = tpu.dynamic_gather %get3A_6[%gather3A_1050] in [0] : vector<16xf32>, vector<16xi32> -> vector<16xf32>
    %swap3A_1052 = arith.constant 976 : index
    %swap3A_1053 = tpu.vector_load %arg7[%swap3A_1052] {strides = array<i32>} : memref<2048xf32, #tpu.memory_space<vmem>>, vector<16xf32>,
    %swap3A_1054 = vector.shape_cast %swap3A_1053 : vector<16xf32> to vector<16xf32>
    %swap3A_1055 = vector.shape_cast %gather3A_1051 : vector<16xf32> to vector<16xf32>
    tpu.vector_store %arg7[%swap3A_1052], %swap3A_1055 {strides = array<i32>} : memref<2048xf32, #tpu.memory_space<vmem>>, vector<16xf32>,
    %get3A_1056 = arith.constant 992 : index
    %get3A_1057 = tpu.vector_load %arg5[%get3A_1056] {strides = array<i32>} : memref<2048xi32, #tpu.memory_space<vmem>>, vector<16xi32>,
    %get3A_1058 = vector.shape_cast %get3A_1057 : vector<16xi32> to vector<16xi32>
    %lt3A_1059 = arith.constant 0 : i32
    %lt3A_1060 = vector.broadcast %lt3A_1059 : i32 to vector<16xi32>
    %lt3A_1061 = arith.cmpi slt, %get3A_1058, %lt3A_1060 : vector<16xi32>
    %add3A_1062 = arith.constant 16 : i32
    %add3A_1063 = vector.broadcast %add3A_1062 : i32 to vector<16xi32>
    %add3A_1064 = arith.addi %get3A_1058, %add3A_1063 : vector<16xi32>
    %select_n3A_1065 = arith.select %lt3A_1061, %add3A_1064, %get3A_1058 : vector<16xi1>, vector<16xi32>
    %broadcast_in_dim3A_1066 = vector.shape_cast %select_n3A_1065 : vector<16xi32> to vector<16x1xi32>
    %gather3A_1067 = vector.shape_cast %broadcast_in_dim3A_1066 : vector<16x1xi32> to vector<16xi32>
    %gather3A_1068 = tpu.dynamic_gather %get3A_6[%gather3A_1067] in [0] : vector<16xf32>, vector<16xi32> -> vector<16xf32>
    %swap3A_1069 = arith.constant 992 : index
    %swap3A_1070 = tpu.vector_load %arg7[%swap3A_1069] {strides = array<i32>} : memref<2048xf32, #tpu.memory_space<vmem>>, vector<16xf32>,
    %swap3A_1071 = vector.shape_cast %swap3A_1070 : vector<16xf32> to vector<16xf32>
    %swap3A_1072 = vector.shape_cast %gather3A_1068 : vector<16xf32> to vector<16xf32>
    tpu.vector_store %arg7[%swap3A_1069], %swap3A_1072 {strides = array<i32>} : memref<2048xf32, #tpu.memory_space<vmem>>, vector<16xf32>,
    %get3A_1073 = arith.constant 1008 : index
    %get3A_1074 = tpu.vector_load %arg5[%get3A_1073] {strides = array<i32>} : memref<2048xi32, #tpu.memory_space<vmem>>, vector<16xi32>,
    %get3A_1075 = vector.shape_cast %get3A_1074 : vector<16xi32> to vector<16xi32>
    %lt3A_1076 = arith.constant 0 : i32
    %lt3A_1077 = vector.broadcast %lt3A_1076 : i32 to vector<16xi32>
    %lt3A_1078 = arith.cmpi slt, %get3A_1075, %lt3A_1077 : vector<16xi32>
    %add3A_1079 = arith.constant 16 : i32
    %add3A_1080 = vector.broadcast %add3A_1079 : i32 to vector<16xi32>
    %add3A_1081 = arith.addi %get3A_1075, %add3A_1080 : vector<16xi32>
    %select_n3A_1082 = arith.select %lt3A_1078, %add3A_1081, %get3A_1075 : vector<16xi1>, vector<16xi32>
    %broadcast_in_dim3A_1083 = vector.shape_cast %select_n3A_1082 : vector<16xi32> to vector<16x1xi32>
    %gather3A_1084 = vector.shape_cast %broadcast_in_dim3A_1083 : vector<16x1xi32> to vector<16xi32>
    %gather3A_1085 = tpu.dynamic_gather %get3A_6[%gather3A_1084] in [0] : vector<16xf32>, vector<16xi32> -> vector<16xf32>
    %swap3A_1086 = arith.constant 1008 : index
    %swap3A_1087 = tpu.vector_load %arg7[%swap3A_1086] {strides = array<i32>} : memref<2048xf32, #tpu.memory_space<vmem>>, vector<16xf32>,
    %swap3A_1088 = vector.shape_cast %swap3A_1087 : vector<16xf32> to vector<16xf32>
    %swap3A_1089 = vector.shape_cast %gather3A_1085 : vector<16xf32> to vector<16xf32>
    tpu.vector_store %arg7[%swap3A_1086], %swap3A_1089 {strides = array<i32>} : memref<2048xf32, #tpu.memory_space<vmem>>, vector<16xf32>,
    %get3A_1090 = arith.constant 1024 : index
    %get3A_1091 = tpu.vector_load %arg5[%get3A_1090] {strides = array<i32>} : memref<2048xi32, #tpu.memory_space<vmem>>, vector<16xi32>,
    %get3A_1092 = vector.shape_cast %get3A_1091 : vector<16xi32> to vector<16xi32>
    %lt3A_1093 = arith.constant 0 : i32
    %lt3A_1094 = vector.broadcast %lt3A_1093 : i32 to vector<16xi32>
    %lt3A_1095 = arith.cmpi slt, %get3A_1092, %lt3A_1094 : vector<16xi32>
    %add3A_1096 = arith.constant 16 : i32
    %add3A_1097 = vector.broadcast %add3A_1096 : i32 to vector<16xi32>
    %add3A_1098 = arith.addi %get3A_1092, %add3A_1097 : vector<16xi32>
    %select_n3A_1099 = arith.select %lt3A_1095, %add3A_1098, %get3A_1092 : vector<16xi1>, vector<16xi32>
    %broadcast_in_dim3A_1100 = vector.shape_cast %select_n3A_1099 : vector<16xi32> to vector<16x1xi32>
    %gather3A_1101 = vector.shape_cast %broadcast_in_dim3A_1100 : vector<16x1xi32> to vector<16xi32>
    %gather3A_1102 = tpu.dynamic_gather %get3A_6[%gather3A_1101] in [0] : vector<16xf32>, vector<16xi32> -> vector<16xf32>
    %swap3A_1103 = arith.constant 1024 : index
    %swap3A_1104 = tpu.vector_load %arg7[%swap3A_1103] {strides = array<i32>} : memref<2048xf32, #tpu.memory_space<vmem>>, vector<16xf32>,
    %swap3A_1105 = vector.shape_cast %swap3A_1104 : vector<16xf32> to vector<16xf32>
    %swap3A_1106 = vector.shape_cast %gather3A_1102 : vector<16xf32> to vector<16xf32>
    tpu.vector_store %arg7[%swap3A_1103], %swap3A_1106 {strides = array<i32>} : memref<2048xf32, #tpu.memory_space<vmem>>, vector<16xf32>,
    %get3A_1107 = arith.constant 1040 : index
    %get3A_1108 = tpu.vector_load %arg5[%get3A_1107] {strides = array<i32>} : memref<2048xi32, #tpu.memory_space<vmem>>, vector<16xi32>,
    %get3A_1109 = vector.shape_cast %get3A_1108 : vector<16xi32> to vector<16xi32>
    %lt3A_1110 = arith.constant 0 : i32
    %lt3A_1111 = vector.broadcast %lt3A_1110 : i32 to vector<16xi32>
    %lt3A_1112 = arith.cmpi slt, %get3A_1109, %lt3A_1111 : vector<16xi32>
    %add3A_1113 = arith.constant 16 : i32
    %add3A_1114 = vector.broadcast %add3A_1113 : i32 to vector<16xi32>
    %add3A_1115 = arith.addi %get3A_1109, %add3A_1114 : vector<16xi32>
    %select_n3A_1116 = arith.select %lt3A_1112, %add3A_1115, %get3A_1109 : vector<16xi1>, vector<16xi32>
    %broadcast_in_dim3A_1117 = vector.shape_cast %select_n3A_1116 : vector<16xi32> to vector<16x1xi32>
    %gather3A_1118 = vector.shape_cast %broadcast_in_dim3A_1117 : vector<16x1xi32> to vector<16xi32>
    %gather3A_1119 = tpu.dynamic_gather %get3A_6[%gather3A_1118] in [0] : vector<16xf32>, vector<16xi32> -> vector<16xf32>
    %swap3A_1120 = arith.constant 1040 : index
    %swap3A_1121 = tpu.vector_load %arg7[%swap3A_1120] {strides = array<i32>} : memref<2048xf32, #tpu.memory_space<vmem>>, vector<16xf32>,
    %swap3A_1122 = vector.shape_cast %swap3A_1121 : vector<16xf32> to vector<16xf32>
    %swap3A_1123 = vector.shape_cast %gather3A_1119 : vector<16xf32> to vector<16xf32>
    tpu.vector_store %arg7[%swap3A_1120], %swap3A_1123 {strides = array<i32>} : memref<2048xf32, #tpu.memory_space<vmem>>, vector<16xf32>,
    %get3A_1124 = arith.constant 1056 : index
    %get3A_1125 = tpu.vector_load %arg5[%get3A_1124] {strides = array<i32>} : memref<2048xi32, #tpu.memory_space<vmem>>, vector<16xi32>,
    %get3A_1126 = vector.shape_cast %get3A_1125 : vector<16xi32> to vector<16xi32>
    %lt3A_1127 = arith.constant 0 : i32
    %lt3A_1128 = vector.broadcast %lt3A_1127 : i32 to vector<16xi32>
    %lt3A_1129 = arith.cmpi slt, %get3A_1126, %lt3A_1128 : vector<16xi32>
    %add3A_1130 = arith.constant 16 : i32
    %add3A_1131 = vector.broadcast %add3A_1130 : i32 to vector<16xi32>
    %add3A_1132 = arith.addi %get3A_1126, %add3A_1131 : vector<16xi32>
    %select_n3A_1133 = arith.select %lt3A_1129, %add3A_1132, %get3A_1126 : vector<16xi1>, vector<16xi32>
    %broadcast_in_dim3A_1134 = vector.shape_cast %select_n3A_1133 : vector<16xi32> to vector<16x1xi32>
    %gather3A_1135 = vector.shape_cast %broadcast_in_dim3A_1134 : vector<16x1xi32> to vector<16xi32>
    %gather3A_1136 = tpu.dynamic_gather %get3A_6[%gather3A_1135] in [0] : vector<16xf32>, vector<16xi32> -> vector<16xf32>
    %swap3A_1137 = arith.constant 1056 : index
    %swap3A_1138 = tpu.vector_load %arg7[%swap3A_1137] {strides = array<i32>} : memref<2048xf32, #tpu.memory_space<vmem>>, vector<16xf32>,
    %swap3A_1139 = vector.shape_cast %swap3A_1138 : vector<16xf32> to vector<16xf32>
    %swap3A_1140 = vector.shape_cast %gather3A_1136 : vector<16xf32> to vector<16xf32>
    tpu.vector_store %arg7[%swap3A_1137], %swap3A_1140 {strides = array<i32>} : memref<2048xf32, #tpu.memory_space<vmem>>, vector<16xf32>,
    %get3A_1141 = arith.constant 1072 : index
    %get3A_1142 = tpu.vector_load %arg5[%get3A_1141] {strides = array<i32>} : memref<2048xi32, #tpu.memory_space<vmem>>, vector<16xi32>,
    %get3A_1143 = vector.shape_cast %get3A_1142 : vector<16xi32> to vector<16xi32>
    %lt3A_1144 = arith.constant 0 : i32
    %lt3A_1145 = vector.broadcast %lt3A_1144 : i32 to vector<16xi32>
    %lt3A_1146 = arith.cmpi slt, %get3A_1143, %lt3A_1145 : vector<16xi32>
    %add3A_1147 = arith.constant 16 : i32
    %add3A_1148 = vector.broadcast %add3A_1147 : i32 to vector<16xi32>
    %add3A_1149 = arith.addi %get3A_1143, %add3A_1148 : vector<16xi32>
    %select_n3A_1150 = arith.select %lt3A_1146, %add3A_1149, %get3A_1143 : vector<16xi1>, vector<16xi32>
    %broadcast_in_dim3A_1151 = vector.shape_cast %select_n3A_1150 : vector<16xi32> to vector<16x1xi32>
    %gather3A_1152 = vector.shape_cast %broadcast_in_dim3A_1151 : vector<16x1xi32> to vector<16xi32>
    %gather3A_1153 = tpu.dynamic_gather %get3A_6[%gather3A_1152] in [0] : vector<16xf32>, vector<16xi32> -> vector<16xf32>
    %swap3A_1154 = arith.constant 1072 : index
    %swap3A_1155 = tpu.vector_load %arg7[%swap3A_1154] {strides = array<i32>} : memref<2048xf32, #tpu.memory_space<vmem>>, vector<16xf32>,
    %swap3A_1156 = vector.shape_cast %swap3A_1155 : vector<16xf32> to vector<16xf32>
    %swap3A_1157 = vector.shape_cast %gather3A_1153 : vector<16xf32> to vector<16xf32>
    tpu.vector_store %arg7[%swap3A_1154], %swap3A_1157 {strides = array<i32>} : memref<2048xf32, #tpu.memory_space<vmem>>, vector<16xf32>,
    %get3A_1158 = arith.constant 1088 : index
    %get3A_1159 = tpu.vector_load %arg5[%get3A_1158] {strides = array<i32>} : memref<2048xi32, #tpu.memory_space<vmem>>, vector<16xi32>,
    %get3A_1160 = vector.shape_cast %get3A_1159 : vector<16xi32> to vector<16xi32>
    %lt3A_1161 = arith.constant 0 : i32
    %lt3A_1162 = vector.broadcast %lt3A_1161 : i32 to vector<16xi32>
    %lt3A_1163 = arith.cmpi slt, %get3A_1160, %lt3A_1162 : vector<16xi32>
    %add3A_1164 = arith.constant 16 : i32
    %add3A_1165 = vector.broadcast %add3A_1164 : i32 to vector<16xi32>
    %add3A_1166 = arith.addi %get3A_1160, %add3A_1165 : vector<16xi32>
    %select_n3A_1167 = arith.select %lt3A_1163, %add3A_1166, %get3A_1160 : vector<16xi1>, vector<16xi32>
    %broadcast_in_dim3A_1168 = vector.shape_cast %select_n3A_1167 : vector<16xi32> to vector<16x1xi32>
    %gather3A_1169 = vector.shape_cast %broadcast_in_dim3A_1168 : vector<16x1xi32> to vector<16xi32>
    %gather3A_1170 = tpu.dynamic_gather %get3A_6[%gather3A_1169] in [0] : vector<16xf32>, vector<16xi32> -> vector<16xf32>
    %swap3A_1171 = arith.constant 1088 : index
    %swap3A_1172 = tpu.vector_load %arg7[%swap3A_1171] {strides = array<i32>} : memref<2048xf32, #tpu.memory_space<vmem>>, vector<16xf32>,
    %swap3A_1173 = vector.shape_cast %swap3A_1172 : vector<16xf32> to vector<16xf32>
    %swap3A_1174 = vector.shape_cast %gather3A_1170 : vector<16xf32> to vector<16xf32>
    tpu.vector_store %arg7[%swap3A_1171], %swap3A_1174 {strides = array<i32>} : memref<2048xf32, #tpu.memory_space<vmem>>, vector<16xf32>,
    %get3A_1175 = arith.constant 1104 : index
    %get3A_1176 = tpu.vector_load %arg5[%get3A_1175] {strides = array<i32>} : memref<2048xi32, #tpu.memory_space<vmem>>, vector<16xi32>,
    %get3A_1177 = vector.shape_cast %get3A_1176 : vector<16xi32> to vector<16xi32>
    %lt3A_1178 = arith.constant 0 : i32
    %lt3A_1179 = vector.broadcast %lt3A_1178 : i32 to vector<16xi32>
    %lt3A_1180 = arith.cmpi slt, %get3A_1177, %lt3A_1179 : vector<16xi32>
    %add3A_1181 = arith.constant 16 : i32
    %add3A_1182 = vector.broadcast %add3A_1181 : i32 to vector<16xi32>
    %add3A_1183 = arith.addi %get3A_1177, %add3A_1182 : vector<16xi32>
    %select_n3A_1184 = arith.select %lt3A_1180, %add3A_1183, %get3A_1177 : vector<16xi1>, vector<16xi32>
    %broadcast_in_dim3A_1185 = vector.shape_cast %select_n3A_1184 : vector<16xi32> to vector<16x1xi32>
    %gather3A_1186 = vector.shape_cast %broadcast_in_dim3A_1185 : vector<16x1xi32> to vector<16xi32>
    %gather3A_1187 = tpu.dynamic_gather %get3A_6[%gather3A_1186] in [0] : vector<16xf32>, vector<16xi32> -> vector<16xf32>
    %swap3A_1188 = arith.constant 1104 : index
    %swap3A_1189 = tpu.vector_load %arg7[%swap3A_1188] {strides = array<i32>} : memref<2048xf32, #tpu.memory_space<vmem>>, vector<16xf32>,
    %swap3A_1190 = vector.shape_cast %swap3A_1189 : vector<16xf32> to vector<16xf32>
    %swap3A_1191 = vector.shape_cast %gather3A_1187 : vector<16xf32> to vector<16xf32>
    tpu.vector_store %arg7[%swap3A_1188], %swap3A_1191 {strides = array<i32>} : memref<2048xf32, #tpu.memory_space<vmem>>, vector<16xf32>,
    %get3A_1192 = arith.constant 1120 : index
    %get3A_1193 = tpu.vector_load %arg5[%get3A_1192] {strides = array<i32>} : memref<2048xi32, #tpu.memory_space<vmem>>, vector<16xi32>,
    %get3A_1194 = vector.shape_cast %get3A_1193 : vector<16xi32> to vector<16xi32>
    %lt3A_1195 = arith.constant 0 : i32
    %lt3A_1196 = vector.broadcast %lt3A_1195 : i32 to vector<16xi32>
    %lt3A_1197 = arith.cmpi slt, %get3A_1194, %lt3A_1196 : vector<16xi32>
    %add3A_1198 = arith.constant 16 : i32
    %add3A_1199 = vector.broadcast %add3A_1198 : i32 to vector<16xi32>
    %add3A_1200 = arith.addi %get3A_1194, %add3A_1199 : vector<16xi32>
    %select_n3A_1201 = arith.select %lt3A_1197, %add3A_1200, %get3A_1194 : vector<16xi1>, vector<16xi32>
    %broadcast_in_dim3A_1202 = vector.shape_cast %select_n3A_1201 : vector<16xi32> to vector<16x1xi32>
    %gather3A_1203 = vector.shape_cast %broadcast_in_dim3A_1202 : vector<16x1xi32> to vector<16xi32>
    %gather3A_1204 = tpu.dynamic_gather %get3A_6[%gather3A_1203] in [0] : vector<16xf32>, vector<16xi32> -> vector<16xf32>
    %swap3A_1205 = arith.constant 1120 : index
    %swap3A_1206 = tpu.vector_load %arg7[%swap3A_1205] {strides = array<i32>} : memref<2048xf32, #tpu.memory_space<vmem>>, vector<16xf32>,
    %swap3A_1207 = vector.shape_cast %swap3A_1206 : vector<16xf32> to vector<16xf32>
    %swap3A_1208 = vector.shape_cast %gather3A_1204 : vector<16xf32> to vector<16xf32>
    tpu.vector_store %arg7[%swap3A_1205], %swap3A_1208 {strides = array<i32>} : memref<2048xf32, #tpu.memory_space<vmem>>, vector<16xf32>,
    %get3A_1209 = arith.constant 1136 : index
    %get3A_1210 = tpu.vector_load %arg5[%get3A_1209] {strides = array<i32>} : memref<2048xi32, #tpu.memory_space<vmem>>, vector<16xi32>,
    %get3A_1211 = vector.shape_cast %get3A_1210 : vector<16xi32> to vector<16xi32>
    %lt3A_1212 = arith.constant 0 : i32
    %lt3A_1213 = vector.broadcast %lt3A_1212 : i32 to vector<16xi32>
    %lt3A_1214 = arith.cmpi slt, %get3A_1211, %lt3A_1213 : vector<16xi32>
    %add3A_1215 = arith.constant 16 : i32
    %add3A_1216 = vector.broadcast %add3A_1215 : i32 to vector<16xi32>
    %add3A_1217 = arith.addi %get3A_1211, %add3A_1216 : vector<16xi32>
    %select_n3A_1218 = arith.select %lt3A_1214, %add3A_1217, %get3A_1211 : vector<16xi1>, vector<16xi32>
    %broadcast_in_dim3A_1219 = vector.shape_cast %select_n3A_1218 : vector<16xi32> to vector<16x1xi32>
    %gather3A_1220 = vector.shape_cast %broadcast_in_dim3A_1219 : vector<16x1xi32> to vector<16xi32>
    %gather3A_1221 = tpu.dynamic_gather %get3A_6[%gather3A_1220] in [0] : vector<16xf32>, vector<16xi32> -> vector<16xf32>
    %swap3A_1222 = arith.constant 1136 : index
    %swap3A_1223 = tpu.vector_load %arg7[%swap3A_1222] {strides = array<i32>} : memref<2048xf32, #tpu.memory_space<vmem>>, vector<16xf32>,
    %swap3A_1224 = vector.shape_cast %swap3A_1223 : vector<16xf32> to vector<16xf32>
    %swap3A_1225 = vector.shape_cast %gather3A_1221 : vector<16xf32> to vector<16xf32>
    tpu.vector_store %arg7[%swap3A_1222], %swap3A_1225 {strides = array<i32>} : memref<2048xf32, #tpu.memory_space<vmem>>, vector<16xf32>,
    %get3A_1226 = arith.constant 1152 : index
    %get3A_1227 = tpu.vector_load %arg5[%get3A_1226] {strides = array<i32>} : memref<2048xi32, #tpu.memory_space<vmem>>, vector<16xi32>,
    %get3A_1228 = vector.shape_cast %get3A_1227 : vector<16xi32> to vector<16xi32>
    %lt3A_1229 = arith.constant 0 : i32
    %lt3A_1230 = vector.broadcast %lt3A_1229 : i32 to vector<16xi32>
    %lt3A_1231 = arith.cmpi slt, %get3A_1228, %lt3A_1230 : vector<16xi32>
    %add3A_1232 = arith.constant 16 : i32
    %add3A_1233 = vector.broadcast %add3A_1232 : i32 to vector<16xi32>
    %add3A_1234 = arith.addi %get3A_1228, %add3A_1233 : vector<16xi32>
    %select_n3A_1235 = arith.select %lt3A_1231, %add3A_1234, %get3A_1228 : vector<16xi1>, vector<16xi32>
    %broadcast_in_dim3A_1236 = vector.shape_cast %select_n3A_1235 : vector<16xi32> to vector<16x1xi32>
    %gather3A_1237 = vector.shape_cast %broadcast_in_dim3A_1236 : vector<16x1xi32> to vector<16xi32>
    %gather3A_1238 = tpu.dynamic_gather %get3A_6[%gather3A_1237] in [0] : vector<16xf32>, vector<16xi32> -> vector<16xf32>
    %swap3A_1239 = arith.constant 1152 : index
    %swap3A_1240 = tpu.vector_load %arg7[%swap3A_1239] {strides = array<i32>} : memref<2048xf32, #tpu.memory_space<vmem>>, vector<16xf32>,
    %swap3A_1241 = vector.shape_cast %swap3A_1240 : vector<16xf32> to vector<16xf32>
    %swap3A_1242 = vector.shape_cast %gather3A_1238 : vector<16xf32> to vector<16xf32>
    tpu.vector_store %arg7[%swap3A_1239], %swap3A_1242 {strides = array<i32>} : memref<2048xf32, #tpu.memory_space<vmem>>, vector<16xf32>,
    %get3A_1243 = arith.constant 1168 : index
    %get3A_1244 = tpu.vector_load %arg5[%get3A_1243] {strides = array<i32>} : memref<2048xi32, #tpu.memory_space<vmem>>, vector<16xi32>,
    %get3A_1245 = vector.shape_cast %get3A_1244 : vector<16xi32> to vector<16xi32>
    %lt3A_1246 = arith.constant 0 : i32
    %lt3A_1247 = vector.broadcast %lt3A_1246 : i32 to vector<16xi32>
    %lt3A_1248 = arith.cmpi slt, %get3A_1245, %lt3A_1247 : vector<16xi32>
    %add3A_1249 = arith.constant 16 : i32
    %add3A_1250 = vector.broadcast %add3A_1249 : i32 to vector<16xi32>
    %add3A_1251 = arith.addi %get3A_1245, %add3A_1250 : vector<16xi32>
    %select_n3A_1252 = arith.select %lt3A_1248, %add3A_1251, %get3A_1245 : vector<16xi1>, vector<16xi32>
    %broadcast_in_dim3A_1253 = vector.shape_cast %select_n3A_1252 : vector<16xi32> to vector<16x1xi32>
    %gather3A_1254 = vector.shape_cast %broadcast_in_dim3A_1253 : vector<16x1xi32> to vector<16xi32>
    %gather3A_1255 = tpu.dynamic_gather %get3A_6[%gather3A_1254] in [0] : vector<16xf32>, vector<16xi32> -> vector<16xf32>
    %swap3A_1256 = arith.constant 1168 : index
    %swap3A_1257 = tpu.vector_load %arg7[%swap3A_1256] {strides = array<i32>} : memref<2048xf32, #tpu.memory_space<vmem>>, vector<16xf32>,
    %swap3A_1258 = vector.shape_cast %swap3A_1257 : vector<16xf32> to vector<16xf32>
    %swap3A_1259 = vector.shape_cast %gather3A_1255 : vector<16xf32> to vector<16xf32>
    tpu.vector_store %arg7[%swap3A_1256], %swap3A_1259 {strides = array<i32>} : memref<2048xf32, #tpu.memory_space<vmem>>, vector<16xf32>,
    %get3A_1260 = arith.constant 1184 : index
    %get3A_1261 = tpu.vector_load %arg5[%get3A_1260] {strides = array<i32>} : memref<2048xi32, #tpu.memory_space<vmem>>, vector<16xi32>,
    %get3A_1262 = vector.shape_cast %get3A_1261 : vector<16xi32> to vector<16xi32>
    %lt3A_1263 = arith.constant 0 : i32
    %lt3A_1264 = vector.broadcast %lt3A_1263 : i32 to vector<16xi32>
    %lt3A_1265 = arith.cmpi slt, %get3A_1262, %lt3A_1264 : vector<16xi32>
    %add3A_1266 = arith.constant 16 : i32
    %add3A_1267 = vector.broadcast %add3A_1266 : i32 to vector<16xi32>
    %add3A_1268 = arith.addi %get3A_1262, %add3A_1267 : vector<16xi32>
    %select_n3A_1269 = arith.select %lt3A_1265, %add3A_1268, %get3A_1262 : vector<16xi1>, vector<16xi32>
    %broadcast_in_dim3A_1270 = vector.shape_cast %select_n3A_1269 : vector<16xi32> to vector<16x1xi32>
    %gather3A_1271 = vector.shape_cast %broadcast_in_dim3A_1270 : vector<16x1xi32> to vector<16xi32>
    %gather3A_1272 = tpu.dynamic_gather %get3A_6[%gather3A_1271] in [0] : vector<16xf32>, vector<16xi32> -> vector<16xf32>
    %swap3A_1273 = arith.constant 1184 : index
    %swap3A_1274 = tpu.vector_load %arg7[%swap3A_1273] {strides = array<i32>} : memref<2048xf32, #tpu.memory_space<vmem>>, vector<16xf32>,
    %swap3A_1275 = vector.shape_cast %swap3A_1274 : vector<16xf32> to vector<16xf32>
    %swap3A_1276 = vector.shape_cast %gather3A_1272 : vector<16xf32> to vector<16xf32>
    tpu.vector_store %arg7[%swap3A_1273], %swap3A_1276 {strides = array<i32>} : memref<2048xf32, #tpu.memory_space<vmem>>, vector<16xf32>,
    %get3A_1277 = arith.constant 1200 : index
    %get3A_1278 = tpu.vector_load %arg5[%get3A_1277] {strides = array<i32>} : memref<2048xi32, #tpu.memory_space<vmem>>, vector<16xi32>,
    %get3A_1279 = vector.shape_cast %get3A_1278 : vector<16xi32> to vector<16xi32>
    %lt3A_1280 = arith.constant 0 : i32
    %lt3A_1281 = vector.broadcast %lt3A_1280 : i32 to vector<16xi32>
    %lt3A_1282 = arith.cmpi slt, %get3A_1279, %lt3A_1281 : vector<16xi32>
    %add3A_1283 = arith.constant 16 : i32
    %add3A_1284 = vector.broadcast %add3A_1283 : i32 to vector<16xi32>
    %add3A_1285 = arith.addi %get3A_1279, %add3A_1284 : vector<16xi32>
    %select_n3A_1286 = arith.select %lt3A_1282, %add3A_1285, %get3A_1279 : vector<16xi1>, vector<16xi32>
    %broadcast_in_dim3A_1287 = vector.shape_cast %select_n3A_1286 : vector<16xi32> to vector<16x1xi32>
    %gather3A_1288 = vector.shape_cast %broadcast_in_dim3A_1287 : vector<16x1xi32> to vector<16xi32>
    %gather3A_1289 = tpu.dynamic_gather %get3A_6[%gather3A_1288] in [0] : vector<16xf32>, vector<16xi32> -> vector<16xf32>
    %swap3A_1290 = arith.constant 1200 : index
    %swap3A_1291 = tpu.vector_load %arg7[%swap3A_1290] {strides = array<i32>} : memref<2048xf32, #tpu.memory_space<vmem>>, vector<16xf32>,
    %swap3A_1292 = vector.shape_cast %swap3A_1291 : vector<16xf32> to vector<16xf32>
    %swap3A_1293 = vector.shape_cast %gather3A_1289 : vector<16xf32> to vector<16xf32>
    tpu.vector_store %arg7[%swap3A_1290], %swap3A_1293 {strides = array<i32>} : memref<2048xf32, #tpu.memory_space<vmem>>, vector<16xf32>,
    %get3A_1294 = arith.constant 1216 : index
    %get3A_1295 = tpu.vector_load %arg5[%get3A_1294] {strides = array<i32>} : memref<2048xi32, #tpu.memory_space<vmem>>, vector<16xi32>,
    %get3A_1296 = vector.shape_cast %get3A_1295 : vector<16xi32> to vector<16xi32>
    %lt3A_1297 = arith.constant 0 : i32
    %lt3A_1298 = vector.broadcast %lt3A_1297 : i32 to vector<16xi32>
    %lt3A_1299 = arith.cmpi slt, %get3A_1296, %lt3A_1298 : vector<16xi32>
    %add3A_1300 = arith.constant 16 : i32
    %add3A_1301 = vector.broadcast %add3A_1300 : i32 to vector<16xi32>
    %add3A_1302 = arith.addi %get3A_1296, %add3A_1301 : vector<16xi32>
    %select_n3A_1303 = arith.select %lt3A_1299, %add3A_1302, %get3A_1296 : vector<16xi1>, vector<16xi32>
    %broadcast_in_dim3A_1304 = vector.shape_cast %select_n3A_1303 : vector<16xi32> to vector<16x1xi32>
    %gather3A_1305 = vector.shape_cast %broadcast_in_dim3A_1304 : vector<16x1xi32> to vector<16xi32>
    %gather3A_1306 = tpu.dynamic_gather %get3A_6[%gather3A_1305] in [0] : vector<16xf32>, vector<16xi32> -> vector<16xf32>
    %swap3A_1307 = arith.constant 1216 : index
    %swap3A_1308 = tpu.vector_load %arg7[%swap3A_1307] {strides = array<i32>} : memref<2048xf32, #tpu.memory_space<vmem>>, vector<16xf32>,
    %swap3A_1309 = vector.shape_cast %swap3A_1308 : vector<16xf32> to vector<16xf32>
    %swap3A_1310 = vector.shape_cast %gather3A_1306 : vector<16xf32> to vector<16xf32>
    tpu.vector_store %arg7[%swap3A_1307], %swap3A_1310 {strides = array<i32>} : memref<2048xf32, #tpu.memory_space<vmem>>, vector<16xf32>,
    %get3A_1311 = arith.constant 1232 : index
    %get3A_1312 = tpu.vector_load %arg5[%get3A_1311] {strides = array<i32>} : memref<2048xi32, #tpu.memory_space<vmem>>, vector<16xi32>,
    %get3A_1313 = vector.shape_cast %get3A_1312 : vector<16xi32> to vector<16xi32>
    %lt3A_1314 = arith.constant 0 : i32
    %lt3A_1315 = vector.broadcast %lt3A_1314 : i32 to vector<16xi32>
    %lt3A_1316 = arith.cmpi slt, %get3A_1313, %lt3A_1315 : vector<16xi32>
    %add3A_1317 = arith.constant 16 : i32
    %add3A_1318 = vector.broadcast %add3A_1317 : i32 to vector<16xi32>
    %add3A_1319 = arith.addi %get3A_1313, %add3A_1318 : vector<16xi32>
    %select_n3A_1320 = arith.select %lt3A_1316, %add3A_1319, %get3A_1313 : vector<16xi1>, vector<16xi32>
    %broadcast_in_dim3A_1321 = vector.shape_cast %select_n3A_1320 : vector<16xi32> to vector<16x1xi32>
    %gather3A_1322 = vector.shape_cast %broadcast_in_dim3A_1321 : vector<16x1xi32> to vector<16xi32>
    %gather3A_1323 = tpu.dynamic_gather %get3A_6[%gather3A_1322] in [0] : vector<16xf32>, vector<16xi32> -> vector<16xf32>
    %swap3A_1324 = arith.constant 1232 : index
    %swap3A_1325 = tpu.vector_load %arg7[%swap3A_1324] {strides = array<i32>} : memref<2048xf32, #tpu.memory_space<vmem>>, vector<16xf32>,
    %swap3A_1326 = vector.shape_cast %swap3A_1325 : vector<16xf32> to vector<16xf32>
    %swap3A_1327 = vector.shape_cast %gather3A_1323 : vector<16xf32> to vector<16xf32>
    tpu.vector_store %arg7[%swap3A_1324], %swap3A_1327 {strides = array<i32>} : memref<2048xf32, #tpu.memory_space<vmem>>, vector<16xf32>,
    %get3A_1328 = arith.constant 1248 : index
    %get3A_1329 = tpu.vector_load %arg5[%get3A_1328] {strides = array<i32>} : memref<2048xi32, #tpu.memory_space<vmem>>, vector<16xi32>,
    %get3A_1330 = vector.shape_cast %get3A_1329 : vector<16xi32> to vector<16xi32>
    %lt3A_1331 = arith.constant 0 : i32
    %lt3A_1332 = vector.broadcast %lt3A_1331 : i32 to vector<16xi32>
    %lt3A_1333 = arith.cmpi slt, %get3A_1330, %lt3A_1332 : vector<16xi32>
    %add3A_1334 = arith.constant 16 : i32
    %add3A_1335 = vector.broadcast %add3A_1334 : i32 to vector<16xi32>
    %add3A_1336 = arith.addi %get3A_1330, %add3A_1335 : vector<16xi32>
    %select_n3A_1337 = arith.select %lt3A_1333, %add3A_1336, %get3A_1330 : vector<16xi1>, vector<16xi32>
    %broadcast_in_dim3A_1338 = vector.shape_cast %select_n3A_1337 : vector<16xi32> to vector<16x1xi32>
    %gather3A_1339 = vector.shape_cast %broadcast_in_dim3A_1338 : vector<16x1xi32> to vector<16xi32>
    %gather3A_1340 = tpu.dynamic_gather %get3A_6[%gather3A_1339] in [0] : vector<16xf32>, vector<16xi32> -> vector<16xf32>
    %swap3A_1341 = arith.constant 1248 : index
    %swap3A_1342 = tpu.vector_load %arg7[%swap3A_1341] {strides = array<i32>} : memref<2048xf32, #tpu.memory_space<vmem>>, vector<16xf32>,
    %swap3A_1343 = vector.shape_cast %swap3A_1342 : vector<16xf32> to vector<16xf32>
    %swap3A_1344 = vector.shape_cast %gather3A_1340 : vector<16xf32> to vector<16xf32>
    tpu.vector_store %arg7[%swap3A_1341], %swap3A_1344 {strides = array<i32>} : memref<2048xf32, #tpu.memory_space<vmem>>, vector<16xf32>,
    %get3A_1345 = arith.constant 1264 : index
    %get3A_1346 = tpu.vector_load %arg5[%get3A_1345] {strides = array<i32>} : memref<2048xi32, #tpu.memory_space<vmem>>, vector<16xi32>,
    %get3A_1347 = vector.shape_cast %get3A_1346 : vector<16xi32> to vector<16xi32>
    %lt3A_1348 = arith.constant 0 : i32
    %lt3A_1349 = vector.broadcast %lt3A_1348 : i32 to vector<16xi32>
    %lt3A_1350 = arith.cmpi slt, %get3A_1347, %lt3A_1349 : vector<16xi32>
    %add3A_1351 = arith.constant 16 : i32
    %add3A_1352 = vector.broadcast %add3A_1351 : i32 to vector<16xi32>
    %add3A_1353 = arith.addi %get3A_1347, %add3A_1352 : vector<16xi32>
    %select_n3A_1354 = arith.select %lt3A_1350, %add3A_1353, %get3A_1347 : vector<16xi1>, vector<16xi32>
    %broadcast_in_dim3A_1355 = vector.shape_cast %select_n3A_1354 : vector<16xi32> to vector<16x1xi32>
    %gather3A_1356 = vector.shape_cast %broadcast_in_dim3A_1355 : vector<16x1xi32> to vector<16xi32>
    %gather3A_1357 = tpu.dynamic_gather %get3A_6[%gather3A_1356] in [0] : vector<16xf32>, vector<16xi32> -> vector<16xf32>
    %swap3A_1358 = arith.constant 1264 : index
    %swap3A_1359 = tpu.vector_load %arg7[%swap3A_1358] {strides = array<i32>} : memref<2048xf32, #tpu.memory_space<vmem>>, vector<16xf32>,
    %swap3A_1360 = vector.shape_cast %swap3A_1359 : vector<16xf32> to vector<16xf32>
    %swap3A_1361 = vector.shape_cast %gather3A_1357 : vector<16xf32> to vector<16xf32>
    tpu.vector_store %arg7[%swap3A_1358], %swap3A_1361 {strides = array<i32>} : memref<2048xf32, #tpu.memory_space<vmem>>, vector<16xf32>,
    %get3A_1362 = arith.constant 1280 : index
    %get3A_1363 = tpu.vector_load %arg5[%get3A_1362] {strides = array<i32>} : memref<2048xi32, #tpu.memory_space<vmem>>, vector<16xi32>,
    %get3A_1364 = vector.shape_cast %get3A_1363 : vector<16xi32> to vector<16xi32>
    %lt3A_1365 = arith.constant 0 : i32
    %lt3A_1366 = vector.broadcast %lt3A_1365 : i32 to vector<16xi32>
    %lt3A_1367 = arith.cmpi slt, %get3A_1364, %lt3A_1366 : vector<16xi32>
    %add3A_1368 = arith.constant 16 : i32
    %add3A_1369 = vector.broadcast %add3A_1368 : i32 to vector<16xi32>
    %add3A_1370 = arith.addi %get3A_1364, %add3A_1369 : vector<16xi32>
    %select_n3A_1371 = arith.select %lt3A_1367, %add3A_1370, %get3A_1364 : vector<16xi1>, vector<16xi32>
    %broadcast_in_dim3A_1372 = vector.shape_cast %select_n3A_1371 : vector<16xi32> to vector<16x1xi32>
    %gather3A_1373 = vector.shape_cast %broadcast_in_dim3A_1372 : vector<16x1xi32> to vector<16xi32>
    %gather3A_1374 = tpu.dynamic_gather %get3A_6[%gather3A_1373] in [0] : vector<16xf32>, vector<16xi32> -> vector<16xf32>
    %swap3A_1375 = arith.constant 1280 : index
    %swap3A_1376 = tpu.vector_load %arg7[%swap3A_1375] {strides = array<i32>} : memref<2048xf32, #tpu.memory_space<vmem>>, vector<16xf32>,
    %swap3A_1377 = vector.shape_cast %swap3A_1376 : vector<16xf32> to vector<16xf32>
    %swap3A_1378 = vector.shape_cast %gather3A_1374 : vector<16xf32> to vector<16xf32>
    tpu.vector_store %arg7[%swap3A_1375], %swap3A_1378 {strides = array<i32>} : memref<2048xf32, #tpu.memory_space<vmem>>, vector<16xf32>,
    %get3A_1379 = arith.constant 1296 : index
    %get3A_1380 = tpu.vector_load %arg5[%get3A_1379] {strides = array<i32>} : memref<2048xi32, #tpu.memory_space<vmem>>, vector<16xi32>,
    %get3A_1381 = vector.shape_cast %get3A_1380 : vector<16xi32> to vector<16xi32>
    %lt3A_1382 = arith.constant 0 : i32
    %lt3A_1383 = vector.broadcast %lt3A_1382 : i32 to vector<16xi32>
    %lt3A_1384 = arith.cmpi slt, %get3A_1381, %lt3A_1383 : vector<16xi32>
    %add3A_1385 = arith.constant 16 : i32
    %add3A_1386 = vector.broadcast %add3A_1385 : i32 to vector<16xi32>
    %add3A_1387 = arith.addi %get3A_1381, %add3A_1386 : vector<16xi32>
    %select_n3A_1388 = arith.select %lt3A_1384, %add3A_1387, %get3A_1381 : vector<16xi1>, vector<16xi32>
    %broadcast_in_dim3A_1389 = vector.shape_cast %select_n3A_1388 : vector<16xi32> to vector<16x1xi32>
    %gather3A_1390 = vector.shape_cast %broadcast_in_dim3A_1389 : vector<16x1xi32> to vector<16xi32>
    %gather3A_1391 = tpu.dynamic_gather %get3A_6[%gather3A_1390] in [0] : vector<16xf32>, vector<16xi32> -> vector<16xf32>
    %swap3A_1392 = arith.constant 1296 : index
    %swap3A_1393 = tpu.vector_load %arg7[%swap3A_1392] {strides = array<i32>} : memref<2048xf32, #tpu.memory_space<vmem>>, vector<16xf32>,
    %swap3A_1394 = vector.shape_cast %swap3A_1393 : vector<16xf32> to vector<16xf32>
    %swap3A_1395 = vector.shape_cast %gather3A_1391 : vector<16xf32> to vector<16xf32>
    tpu.vector_store %arg7[%swap3A_1392], %swap3A_1395 {strides = array<i32>} : memref<2048xf32, #tpu.memory_space<vmem>>, vector<16xf32>,
    %get3A_1396 = arith.constant 1312 : index
    %get3A_1397 = tpu.vector_load %arg5[%get3A_1396] {strides = array<i32>} : memref<2048xi32, #tpu.memory_space<vmem>>, vector<16xi32>,
    %get3A_1398 = vector.shape_cast %get3A_1397 : vector<16xi32> to vector<16xi32>
    %lt3A_1399 = arith.constant 0 : i32
    %lt3A_1400 = vector.broadcast %lt3A_1399 : i32 to vector<16xi32>
    %lt3A_1401 = arith.cmpi slt, %get3A_1398, %lt3A_1400 : vector<16xi32>
    %add3A_1402 = arith.constant 16 : i32
    %add3A_1403 = vector.broadcast %add3A_1402 : i32 to vector<16xi32>
    %add3A_1404 = arith.addi %get3A_1398, %add3A_1403 : vector<16xi32>
    %select_n3A_1405 = arith.select %lt3A_1401, %add3A_1404, %get3A_1398 : vector<16xi1>, vector<16xi32>
    %broadcast_in_dim3A_1406 = vector.shape_cast %select_n3A_1405 : vector<16xi32> to vector<16x1xi32>
    %gather3A_1407 = vector.shape_cast %broadcast_in_dim3A_1406 : vector<16x1xi32> to vector<16xi32>
    %gather3A_1408 = tpu.dynamic_gather %get3A_6[%gather3A_1407] in [0] : vector<16xf32>, vector<16xi32> -> vector<16xf32>
    %swap3A_1409 = arith.constant 1312 : index
    %swap3A_1410 = tpu.vector_load %arg7[%swap3A_1409] {strides = array<i32>} : memref<2048xf32, #tpu.memory_space<vmem>>, vector<16xf32>,
    %swap3A_1411 = vector.shape_cast %swap3A_1410 : vector<16xf32> to vector<16xf32>
    %swap3A_1412 = vector.shape_cast %gather3A_1408 : vector<16xf32> to vector<16xf32>
    tpu.vector_store %arg7[%swap3A_1409], %swap3A_1412 {strides = array<i32>} : memref<2048xf32, #tpu.memory_space<vmem>>, vector<16xf32>,
    %get3A_1413 = arith.constant 1328 : index
    %get3A_1414 = tpu.vector_load %arg5[%get3A_1413] {strides = array<i32>} : memref<2048xi32, #tpu.memory_space<vmem>>, vector<16xi32>,
    %get3A_1415 = vector.shape_cast %get3A_1414 : vector<16xi32> to vector<16xi32>
    %lt3A_1416 = arith.constant 0 : i32
    %lt3A_1417 = vector.broadcast %lt3A_1416 : i32 to vector<16xi32>
    %lt3A_1418 = arith.cmpi slt, %get3A_1415, %lt3A_1417 : vector<16xi32>
    %add3A_1419 = arith.constant 16 : i32
    %add3A_1420 = vector.broadcast %add3A_1419 : i32 to vector<16xi32>
    %add3A_1421 = arith.addi %get3A_1415, %add3A_1420 : vector<16xi32>
    %select_n3A_1422 = arith.select %lt3A_1418, %add3A_1421, %get3A_1415 : vector<16xi1>, vector<16xi32>
    %broadcast_in_dim3A_1423 = vector.shape_cast %select_n3A_1422 : vector<16xi32> to vector<16x1xi32>
    %gather3A_1424 = vector.shape_cast %broadcast_in_dim3A_1423 : vector<16x1xi32> to vector<16xi32>
    %gather3A_1425 = tpu.dynamic_gather %get3A_6[%gather3A_1424] in [0] : vector<16xf32>, vector<16xi32> -> vector<16xf32>
    %swap3A_1426 = arith.constant 1328 : index
    %swap3A_1427 = tpu.vector_load %arg7[%swap3A_1426] {strides = array<i32>} : memref<2048xf32, #tpu.memory_space<vmem>>, vector<16xf32>,
    %swap3A_1428 = vector.shape_cast %swap3A_1427 : vector<16xf32> to vector<16xf32>
    %swap3A_1429 = vector.shape_cast %gather3A_1425 : vector<16xf32> to vector<16xf32>
    tpu.vector_store %arg7[%swap3A_1426], %swap3A_1429 {strides = array<i32>} : memref<2048xf32, #tpu.memory_space<vmem>>, vector<16xf32>,
    %get3A_1430 = arith.constant 1344 : index
    %get3A_1431 = tpu.vector_load %arg5[%get3A_1430] {strides = array<i32>} : memref<2048xi32, #tpu.memory_space<vmem>>, vector<16xi32>,
    %get3A_1432 = vector.shape_cast %get3A_1431 : vector<16xi32> to vector<16xi32>
    %lt3A_1433 = arith.constant 0 : i32
    %lt3A_1434 = vector.broadcast %lt3A_1433 : i32 to vector<16xi32>
    %lt3A_1435 = arith.cmpi slt, %get3A_1432, %lt3A_1434 : vector<16xi32>
    %add3A_1436 = arith.constant 16 : i32
    %add3A_1437 = vector.broadcast %add3A_1436 : i32 to vector<16xi32>
    %add3A_1438 = arith.addi %get3A_1432, %add3A_1437 : vector<16xi32>
    %select_n3A_1439 = arith.select %lt3A_1435, %add3A_1438, %get3A_1432 : vector<16xi1>, vector<16xi32>
    %broadcast_in_dim3A_1440 = vector.shape_cast %select_n3A_1439 : vector<16xi32> to vector<16x1xi32>
    %gather3A_1441 = vector.shape_cast %broadcast_in_dim3A_1440 : vector<16x1xi32> to vector<16xi32>
    %gather3A_1442 = tpu.dynamic_gather %get3A_6[%gather3A_1441] in [0] : vector<16xf32>, vector<16xi32> -> vector<16xf32>
    %swap3A_1443 = arith.constant 1344 : index
    %swap3A_1444 = tpu.vector_load %arg7[%swap3A_1443] {strides = array<i32>} : memref<2048xf32, #tpu.memory_space<vmem>>, vector<16xf32>,
    %swap3A_1445 = vector.shape_cast %swap3A_1444 : vector<16xf32> to vector<16xf32>
    %swap3A_1446 = vector.shape_cast %gather3A_1442 : vector<16xf32> to vector<16xf32>
    tpu.vector_store %arg7[%swap3A_1443], %swap3A_1446 {strides = array<i32>} : memref<2048xf32, #tpu.memory_space<vmem>>, vector<16xf32>,
    %get3A_1447 = arith.constant 1360 : index
    %get3A_1448 = tpu.vector_load %arg5[%get3A_1447] {strides = array<i32>} : memref<2048xi32, #tpu.memory_space<vmem>>, vector<16xi32>,
    %get3A_1449 = vector.shape_cast %get3A_1448 : vector<16xi32> to vector<16xi32>
    %lt3A_1450 = arith.constant 0 : i32
    %lt3A_1451 = vector.broadcast %lt3A_1450 : i32 to vector<16xi32>
    %lt3A_1452 = arith.cmpi slt, %get3A_1449, %lt3A_1451 : vector<16xi32>
    %add3A_1453 = arith.constant 16 : i32
    %add3A_1454 = vector.broadcast %add3A_1453 : i32 to vector<16xi32>
    %add3A_1455 = arith.addi %get3A_1449, %add3A_1454 : vector<16xi32>
    %select_n3A_1456 = arith.select %lt3A_1452, %add3A_1455, %get3A_1449 : vector<16xi1>, vector<16xi32>
    %broadcast_in_dim3A_1457 = vector.shape_cast %select_n3A_1456 : vector<16xi32> to vector<16x1xi32>
    %gather3A_1458 = vector.shape_cast %broadcast_in_dim3A_1457 : vector<16x1xi32> to vector<16xi32>
    %gather3A_1459 = tpu.dynamic_gather %get3A_6[%gather3A_1458] in [0] : vector<16xf32>, vector<16xi32> -> vector<16xf32>
    %swap3A_1460 = arith.constant 1360 : index
    %swap3A_1461 = tpu.vector_load %arg7[%swap3A_1460] {strides = array<i32>} : memref<2048xf32, #tpu.memory_space<vmem>>, vector<16xf32>,
    %swap3A_1462 = vector.shape_cast %swap3A_1461 : vector<16xf32> to vector<16xf32>
    %swap3A_1463 = vector.shape_cast %gather3A_1459 : vector<16xf32> to vector<16xf32>
    tpu.vector_store %arg7[%swap3A_1460], %swap3A_1463 {strides = array<i32>} : memref<2048xf32, #tpu.memory_space<vmem>>, vector<16xf32>,
    %get3A_1464 = arith.constant 1376 : index
    %get3A_1465 = tpu.vector_load %arg5[%get3A_1464] {strides = array<i32>} : memref<2048xi32, #tpu.memory_space<vmem>>, vector<16xi32>,
    %get3A_1466 = vector.shape_cast %get3A_1465 : vector<16xi32> to vector<16xi32>
    %lt3A_1467 = arith.constant 0 : i32
    %lt3A_1468 = vector.broadcast %lt3A_1467 : i32 to vector<16xi32>
    %lt3A_1469 = arith.cmpi slt, %get3A_1466, %lt3A_1468 : vector<16xi32>
    %add3A_1470 = arith.constant 16 : i32
    %add3A_1471 = vector.broadcast %add3A_1470 : i32 to vector<16xi32>
    %add3A_1472 = arith.addi %get3A_1466, %add3A_1471 : vector<16xi32>
    %select_n3A_1473 = arith.select %lt3A_1469, %add3A_1472, %get3A_1466 : vector<16xi1>, vector<16xi32>
    %broadcast_in_dim3A_1474 = vector.shape_cast %select_n3A_1473 : vector<16xi32> to vector<16x1xi32>
    %gather3A_1475 = vector.shape_cast %broadcast_in_dim3A_1474 : vector<16x1xi32> to vector<16xi32>
    %gather3A_1476 = tpu.dynamic_gather %get3A_6[%gather3A_1475] in [0] : vector<16xf32>, vector<16xi32> -> vector<16xf32>
    %swap3A_1477 = arith.constant 1376 : index
    %swap3A_1478 = tpu.vector_load %arg7[%swap3A_1477] {strides = array<i32>} : memref<2048xf32, #tpu.memory_space<vmem>>, vector<16xf32>,
    %swap3A_1479 = vector.shape_cast %swap3A_1478 : vector<16xf32> to vector<16xf32>
    %swap3A_1480 = vector.shape_cast %gather3A_1476 : vector<16xf32> to vector<16xf32>
    tpu.vector_store %arg7[%swap3A_1477], %swap3A_1480 {strides = array<i32>} : memref<2048xf32, #tpu.memory_space<vmem>>, vector<16xf32>,
    %get3A_1481 = arith.constant 1392 : index
    %get3A_1482 = tpu.vector_load %arg5[%get3A_1481] {strides = array<i32>} : memref<2048xi32, #tpu.memory_space<vmem>>, vector<16xi32>,
    %get3A_1483 = vector.shape_cast %get3A_1482 : vector<16xi32> to vector<16xi32>
    %lt3A_1484 = arith.constant 0 : i32
    %lt3A_1485 = vector.broadcast %lt3A_1484 : i32 to vector<16xi32>
    %lt3A_1486 = arith.cmpi slt, %get3A_1483, %lt3A_1485 : vector<16xi32>
    %add3A_1487 = arith.constant 16 : i32
    %add3A_1488 = vector.broadcast %add3A_1487 : i32 to vector<16xi32>
    %add3A_1489 = arith.addi %get3A_1483, %add3A_1488 : vector<16xi32>
    %select_n3A_1490 = arith.select %lt3A_1486, %add3A_1489, %get3A_1483 : vector<16xi1>, vector<16xi32>
    %broadcast_in_dim3A_1491 = vector.shape_cast %select_n3A_1490 : vector<16xi32> to vector<16x1xi32>
    %gather3A_1492 = vector.shape_cast %broadcast_in_dim3A_1491 : vector<16x1xi32> to vector<16xi32>
    %gather3A_1493 = tpu.dynamic_gather %get3A_6[%gather3A_1492] in [0] : vector<16xf32>, vector<16xi32> -> vector<16xf32>
    %swap3A_1494 = arith.constant 1392 : index
    %swap3A_1495 = tpu.vector_load %arg7[%swap3A_1494] {strides = array<i32>} : memref<2048xf32, #tpu.memory_space<vmem>>, vector<16xf32>,
    %swap3A_1496 = vector.shape_cast %swap3A_1495 : vector<16xf32> to vector<16xf32>
    %swap3A_1497 = vector.shape_cast %gather3A_1493 : vector<16xf32> to vector<16xf32>
    tpu.vector_store %arg7[%swap3A_1494], %swap3A_1497 {strides = array<i32>} : memref<2048xf32, #tpu.memory_space<vmem>>, vector<16xf32>,
    %get3A_1498 = arith.constant 1408 : index
    %get3A_1499 = tpu.vector_load %arg5[%get3A_1498] {strides = array<i32>} : memref<2048xi32, #tpu.memory_space<vmem>>, vector<16xi32>,
    %get3A_1500 = vector.shape_cast %get3A_1499 : vector<16xi32> to vector<16xi32>
    %lt3A_1501 = arith.constant 0 : i32
    %lt3A_1502 = vector.broadcast %lt3A_1501 : i32 to vector<16xi32>
    %lt3A_1503 = arith.cmpi slt, %get3A_1500, %lt3A_1502 : vector<16xi32>
    %add3A_1504 = arith.constant 16 : i32
    %add3A_1505 = vector.broadcast %add3A_1504 : i32 to vector<16xi32>
    %add3A_1506 = arith.addi %get3A_1500, %add3A_1505 : vector<16xi32>
    %select_n3A_1507 = arith.select %lt3A_1503, %add3A_1506, %get3A_1500 : vector<16xi1>, vector<16xi32>
    %broadcast_in_dim3A_1508 = vector.shape_cast %select_n3A_1507 : vector<16xi32> to vector<16x1xi32>
    %gather3A_1509 = vector.shape_cast %broadcast_in_dim3A_1508 : vector<16x1xi32> to vector<16xi32>
    %gather3A_1510 = tpu.dynamic_gather %get3A_6[%gather3A_1509] in [0] : vector<16xf32>, vector<16xi32> -> vector<16xf32>
    %swap3A_1511 = arith.constant 1408 : index
    %swap3A_1512 = tpu.vector_load %arg7[%swap3A_1511] {strides = array<i32>} : memref<2048xf32, #tpu.memory_space<vmem>>, vector<16xf32>,
    %swap3A_1513 = vector.shape_cast %swap3A_1512 : vector<16xf32> to vector<16xf32>
    %swap3A_1514 = vector.shape_cast %gather3A_1510 : vector<16xf32> to vector<16xf32>
    tpu.vector_store %arg7[%swap3A_1511], %swap3A_1514 {strides = array<i32>} : memref<2048xf32, #tpu.memory_space<vmem>>, vector<16xf32>,
    %get3A_1515 = arith.constant 1424 : index
    %get3A_1516 = tpu.vector_load %arg5[%get3A_1515] {strides = array<i32>} : memref<2048xi32, #tpu.memory_space<vmem>>, vector<16xi32>,
    %get3A_1517 = vector.shape_cast %get3A_1516 : vector<16xi32> to vector<16xi32>
    %lt3A_1518 = arith.constant 0 : i32
    %lt3A_1519 = vector.broadcast %lt3A_1518 : i32 to vector<16xi32>
    %lt3A_1520 = arith.cmpi slt, %get3A_1517, %lt3A_1519 : vector<16xi32>
    %add3A_1521 = arith.constant 16 : i32
    %add3A_1522 = vector.broadcast %add3A_1521 : i32 to vector<16xi32>
    %add3A_1523 = arith.addi %get3A_1517, %add3A_1522 : vector<16xi32>
    %select_n3A_1524 = arith.select %lt3A_1520, %add3A_1523, %get3A_1517 : vector<16xi1>, vector<16xi32>
    %broadcast_in_dim3A_1525 = vector.shape_cast %select_n3A_1524 : vector<16xi32> to vector<16x1xi32>
    %gather3A_1526 = vector.shape_cast %broadcast_in_dim3A_1525 : vector<16x1xi32> to vector<16xi32>
    %gather3A_1527 = tpu.dynamic_gather %get3A_6[%gather3A_1526] in [0] : vector<16xf32>, vector<16xi32> -> vector<16xf32>
    %swap3A_1528 = arith.constant 1424 : index
    %swap3A_1529 = tpu.vector_load %arg7[%swap3A_1528] {strides = array<i32>} : memref<2048xf32, #tpu.memory_space<vmem>>, vector<16xf32>,
    %swap3A_1530 = vector.shape_cast %swap3A_1529 : vector<16xf32> to vector<16xf32>
    %swap3A_1531 = vector.shape_cast %gather3A_1527 : vector<16xf32> to vector<16xf32>
    tpu.vector_store %arg7[%swap3A_1528], %swap3A_1531 {strides = array<i32>} : memref<2048xf32, #tpu.memory_space<vmem>>, vector<16xf32>,
    %get3A_1532 = arith.constant 1440 : index
    %get3A_1533 = tpu.vector_load %arg5[%get3A_1532] {strides = array<i32>} : memref<2048xi32, #tpu.memory_space<vmem>>, vector<16xi32>,
    %get3A_1534 = vector.shape_cast %get3A_1533 : vector<16xi32> to vector<16xi32>
    %lt3A_1535 = arith.constant 0 : i32
    %lt3A_1536 = vector.broadcast %lt3A_1535 : i32 to vector<16xi32>
    %lt3A_1537 = arith.cmpi slt, %get3A_1534, %lt3A_1536 : vector<16xi32>
    %add3A_1538 = arith.constant 16 : i32
    %add3A_1539 = vector.broadcast %add3A_1538 : i32 to vector<16xi32>
    %add3A_1540 = arith.addi %get3A_1534, %add3A_1539 : vector<16xi32>
    %select_n3A_1541 = arith.select %lt3A_1537, %add3A_1540, %get3A_1534 : vector<16xi1>, vector<16xi32>
    %broadcast_in_dim3A_1542 = vector.shape_cast %select_n3A_1541 : vector<16xi32> to vector<16x1xi32>
    %gather3A_1543 = vector.shape_cast %broadcast_in_dim3A_1542 : vector<16x1xi32> to vector<16xi32>
    %gather3A_1544 = tpu.dynamic_gather %get3A_6[%gather3A_1543] in [0] : vector<16xf32>, vector<16xi32> -> vector<16xf32>
    %swap3A_1545 = arith.constant 1440 : index
    %swap3A_1546 = tpu.vector_load %arg7[%swap3A_1545] {strides = array<i32>} : memref<2048xf32, #tpu.memory_space<vmem>>, vector<16xf32>,
    %swap3A_1547 = vector.shape_cast %swap3A_1546 : vector<16xf32> to vector<16xf32>
    %swap3A_1548 = vector.shape_cast %gather3A_1544 : vector<16xf32> to vector<16xf32>
    tpu.vector_store %arg7[%swap3A_1545], %swap3A_1548 {strides = array<i32>} : memref<2048xf32, #tpu.memory_space<vmem>>, vector<16xf32>,
    %get3A_1549 = arith.constant 1456 : index
    %get3A_1550 = tpu.vector_load %arg5[%get3A_1549] {strides = array<i32>} : memref<2048xi32, #tpu.memory_space<vmem>>, vector<16xi32>,
    %get3A_1551 = vector.shape_cast %get3A_1550 : vector<16xi32> to vector<16xi32>
    %lt3A_1552 = arith.constant 0 : i32
    %lt3A_1553 = vector.broadcast %lt3A_1552 : i32 to vector<16xi32>
    %lt3A_1554 = arith.cmpi slt, %get3A_1551, %lt3A_1553 : vector<16xi32>
    %add3A_1555 = arith.constant 16 : i32
    %add3A_1556 = vector.broadcast %add3A_1555 : i32 to vector<16xi32>
    %add3A_1557 = arith.addi %get3A_1551, %add3A_1556 : vector<16xi32>
    %select_n3A_1558 = arith.select %lt3A_1554, %add3A_1557, %get3A_1551 : vector<16xi1>, vector<16xi32>
    %broadcast_in_dim3A_1559 = vector.shape_cast %select_n3A_1558 : vector<16xi32> to vector<16x1xi32>
    %gather3A_1560 = vector.shape_cast %broadcast_in_dim3A_1559 : vector<16x1xi32> to vector<16xi32>
    %gather3A_1561 = tpu.dynamic_gather %get3A_6[%gather3A_1560] in [0] : vector<16xf32>, vector<16xi32> -> vector<16xf32>
    %swap3A_1562 = arith.constant 1456 : index
    %swap3A_1563 = tpu.vector_load %arg7[%swap3A_1562] {strides = array<i32>} : memref<2048xf32, #tpu.memory_space<vmem>>, vector<16xf32>,
    %swap3A_1564 = vector.shape_cast %swap3A_1563 : vector<16xf32> to vector<16xf32>
    %swap3A_1565 = vector.shape_cast %gather3A_1561 : vector<16xf32> to vector<16xf32>
    tpu.vector_store %arg7[%swap3A_1562], %swap3A_1565 {strides = array<i32>} : memref<2048xf32, #tpu.memory_space<vmem>>, vector<16xf32>,
    %get3A_1566 = arith.constant 1472 : index
    %get3A_1567 = tpu.vector_load %arg5[%get3A_1566] {strides = array<i32>} : memref<2048xi32, #tpu.memory_space<vmem>>, vector<16xi32>,
    %get3A_1568 = vector.shape_cast %get3A_1567 : vector<16xi32> to vector<16xi32>
    %lt3A_1569 = arith.constant 0 : i32
    %lt3A_1570 = vector.broadcast %lt3A_1569 : i32 to vector<16xi32>
    %lt3A_1571 = arith.cmpi slt, %get3A_1568, %lt3A_1570 : vector<16xi32>
    %add3A_1572 = arith.constant 16 : i32
    %add3A_1573 = vector.broadcast %add3A_1572 : i32 to vector<16xi32>
    %add3A_1574 = arith.addi %get3A_1568, %add3A_1573 : vector<16xi32>
    %select_n3A_1575 = arith.select %lt3A_1571, %add3A_1574, %get3A_1568 : vector<16xi1>, vector<16xi32>
    %broadcast_in_dim3A_1576 = vector.shape_cast %select_n3A_1575 : vector<16xi32> to vector<16x1xi32>
    %gather3A_1577 = vector.shape_cast %broadcast_in_dim3A_1576 : vector<16x1xi32> to vector<16xi32>
    %gather3A_1578 = tpu.dynamic_gather %get3A_6[%gather3A_1577] in [0] : vector<16xf32>, vector<16xi32> -> vector<16xf32>
    %swap3A_1579 = arith.constant 1472 : index
    %swap3A_1580 = tpu.vector_load %arg7[%swap3A_1579] {strides = array<i32>} : memref<2048xf32, #tpu.memory_space<vmem>>, vector<16xf32>,
    %swap3A_1581 = vector.shape_cast %swap3A_1580 : vector<16xf32> to vector<16xf32>
    %swap3A_1582 = vector.shape_cast %gather3A_1578 : vector<16xf32> to vector<16xf32>
    tpu.vector_store %arg7[%swap3A_1579], %swap3A_1582 {strides = array<i32>} : memref<2048xf32, #tpu.memory_space<vmem>>, vector<16xf32>,
    %get3A_1583 = arith.constant 1488 : index
    %get3A_1584 = tpu.vector_load %arg5[%get3A_1583] {strides = array<i32>} : memref<2048xi32, #tpu.memory_space<vmem>>, vector<16xi32>,
    %get3A_1585 = vector.shape_cast %get3A_1584 : vector<16xi32> to vector<16xi32>
    %lt3A_1586 = arith.constant 0 : i32
    %lt3A_1587 = vector.broadcast %lt3A_1586 : i32 to vector<16xi32>
    %lt3A_1588 = arith.cmpi slt, %get3A_1585, %lt3A_1587 : vector<16xi32>
    %add3A_1589 = arith.constant 16 : i32
    %add3A_1590 = vector.broadcast %add3A_1589 : i32 to vector<16xi32>
    %add3A_1591 = arith.addi %get3A_1585, %add3A_1590 : vector<16xi32>
    %select_n3A_1592 = arith.select %lt3A_1588, %add3A_1591, %get3A_1585 : vector<16xi1>, vector<16xi32>
    %broadcast_in_dim3A_1593 = vector.shape_cast %select_n3A_1592 : vector<16xi32> to vector<16x1xi32>
    %gather3A_1594 = vector.shape_cast %broadcast_in_dim3A_1593 : vector<16x1xi32> to vector<16xi32>
    %gather3A_1595 = tpu.dynamic_gather %get3A_6[%gather3A_1594] in [0] : vector<16xf32>, vector<16xi32> -> vector<16xf32>
    %swap3A_1596 = arith.constant 1488 : index
    %swap3A_1597 = tpu.vector_load %arg7[%swap3A_1596] {strides = array<i32>} : memref<2048xf32, #tpu.memory_space<vmem>>, vector<16xf32>,
    %swap3A_1598 = vector.shape_cast %swap3A_1597 : vector<16xf32> to vector<16xf32>
    %swap3A_1599 = vector.shape_cast %gather3A_1595 : vector<16xf32> to vector<16xf32>
    tpu.vector_store %arg7[%swap3A_1596], %swap3A_1599 {strides = array<i32>} : memref<2048xf32, #tpu.memory_space<vmem>>, vector<16xf32>,
    %get3A_1600 = arith.constant 1504 : index
    %get3A_1601 = tpu.vector_load %arg5[%get3A_1600] {strides = array<i32>} : memref<2048xi32, #tpu.memory_space<vmem>>, vector<16xi32>,
    %get3A_1602 = vector.shape_cast %get3A_1601 : vector<16xi32> to vector<16xi32>
    %lt3A_1603 = arith.constant 0 : i32
    %lt3A_1604 = vector.broadcast %lt3A_1603 : i32 to vector<16xi32>
    %lt3A_1605 = arith.cmpi slt, %get3A_1602, %lt3A_1604 : vector<16xi32>
    %add3A_1606 = arith.constant 16 : i32
    %add3A_1607 = vector.broadcast %add3A_1606 : i32 to vector<16xi32>
    %add3A_1608 = arith.addi %get3A_1602, %add3A_1607 : vector<16xi32>
    %select_n3A_1609 = arith.select %lt3A_1605, %add3A_1608, %get3A_1602 : vector<16xi1>, vector<16xi32>
    %broadcast_in_dim3A_1610 = vector.shape_cast %select_n3A_1609 : vector<16xi32> to vector<16x1xi32>
    %gather3A_1611 = vector.shape_cast %broadcast_in_dim3A_1610 : vector<16x1xi32> to vector<16xi32>
    %gather3A_1612 = tpu.dynamic_gather %get3A_6[%gather3A_1611] in [0] : vector<16xf32>, vector<16xi32> -> vector<16xf32>
    %swap3A_1613 = arith.constant 1504 : index
    %swap3A_1614 = tpu.vector_load %arg7[%swap3A_1613] {strides = array<i32>} : memref<2048xf32, #tpu.memory_space<vmem>>, vector<16xf32>,
    %swap3A_1615 = vector.shape_cast %swap3A_1614 : vector<16xf32> to vector<16xf32>
    %swap3A_1616 = vector.shape_cast %gather3A_1612 : vector<16xf32> to vector<16xf32>
    tpu.vector_store %arg7[%swap3A_1613], %swap3A_1616 {strides = array<i32>} : memref<2048xf32, #tpu.memory_space<vmem>>, vector<16xf32>,
    %get3A_1617 = arith.constant 1520 : index
    %get3A_1618 = tpu.vector_load %arg5[%get3A_1617] {strides = array<i32>} : memref<2048xi32, #tpu.memory_space<vmem>>, vector<16xi32>,
    %get3A_1619 = vector.shape_cast %get3A_1618 : vector<16xi32> to vector<16xi32>
    %lt3A_1620 = arith.constant 0 : i32
    %lt3A_1621 = vector.broadcast %lt3A_1620 : i32 to vector<16xi32>
    %lt3A_1622 = arith.cmpi slt, %get3A_1619, %lt3A_1621 : vector<16xi32>
    %add3A_1623 = arith.constant 16 : i32
    %add3A_1624 = vector.broadcast %add3A_1623 : i32 to vector<16xi32>
    %add3A_1625 = arith.addi %get3A_1619, %add3A_1624 : vector<16xi32>
    %select_n3A_1626 = arith.select %lt3A_1622, %add3A_1625, %get3A_1619 : vector<16xi1>, vector<16xi32>
    %broadcast_in_dim3A_1627 = vector.shape_cast %select_n3A_1626 : vector<16xi32> to vector<16x1xi32>
    %gather3A_1628 = vector.shape_cast %broadcast_in_dim3A_1627 : vector<16x1xi32> to vector<16xi32>
    %gather3A_1629 = tpu.dynamic_gather %get3A_6[%gather3A_1628] in [0] : vector<16xf32>, vector<16xi32> -> vector<16xf32>
    %swap3A_1630 = arith.constant 1520 : index
    %swap3A_1631 = tpu.vector_load %arg7[%swap3A_1630] {strides = array<i32>} : memref<2048xf32, #tpu.memory_space<vmem>>, vector<16xf32>,
    %swap3A_1632 = vector.shape_cast %swap3A_1631 : vector<16xf32> to vector<16xf32>
    %swap3A_1633 = vector.shape_cast %gather3A_1629 : vector<16xf32> to vector<16xf32>
    tpu.vector_store %arg7[%swap3A_1630], %swap3A_1633 {strides = array<i32>} : memref<2048xf32, #tpu.memory_space<vmem>>, vector<16xf32>,
    %get3A_1634 = arith.constant 1536 : index
    %get3A_1635 = tpu.vector_load %arg5[%get3A_1634] {strides = array<i32>} : memref<2048xi32, #tpu.memory_space<vmem>>, vector<16xi32>,
    %get3A_1636 = vector.shape_cast %get3A_1635 : vector<16xi32> to vector<16xi32>
    %lt3A_1637 = arith.constant 0 : i32
    %lt3A_1638 = vector.broadcast %lt3A_1637 : i32 to vector<16xi32>
    %lt3A_1639 = arith.cmpi slt, %get3A_1636, %lt3A_1638 : vector<16xi32>
    %add3A_1640 = arith.constant 16 : i32
    %add3A_1641 = vector.broadcast %add3A_1640 : i32 to vector<16xi32>
    %add3A_1642 = arith.addi %get3A_1636, %add3A_1641 : vector<16xi32>
    %select_n3A_1643 = arith.select %lt3A_1639, %add3A_1642, %get3A_1636 : vector<16xi1>, vector<16xi32>
    %broadcast_in_dim3A_1644 = vector.shape_cast %select_n3A_1643 : vector<16xi32> to vector<16x1xi32>
    %gather3A_1645 = vector.shape_cast %broadcast_in_dim3A_1644 : vector<16x1xi32> to vector<16xi32>
    %gather3A_1646 = tpu.dynamic_gather %get3A_6[%gather3A_1645] in [0] : vector<16xf32>, vector<16xi32> -> vector<16xf32>
    %swap3A_1647 = arith.constant 1536 : index
    %swap3A_1648 = tpu.vector_load %arg7[%swap3A_1647] {strides = array<i32>} : memref<2048xf32, #tpu.memory_space<vmem>>, vector<16xf32>,
    %swap3A_1649 = vector.shape_cast %swap3A_1648 : vector<16xf32> to vector<16xf32>
    %swap3A_1650 = vector.shape_cast %gather3A_1646 : vector<16xf32> to vector<16xf32>
    tpu.vector_store %arg7[%swap3A_1647], %swap3A_1650 {strides = array<i32>} : memref<2048xf32, #tpu.memory_space<vmem>>, vector<16xf32>,
    %get3A_1651 = arith.constant 1552 : index
    %get3A_1652 = tpu.vector_load %arg5[%get3A_1651] {strides = array<i32>} : memref<2048xi32, #tpu.memory_space<vmem>>, vector<16xi32>,
    %get3A_1653 = vector.shape_cast %get3A_1652 : vector<16xi32> to vector<16xi32>
    %lt3A_1654 = arith.constant 0 : i32
    %lt3A_1655 = vector.broadcast %lt3A_1654 : i32 to vector<16xi32>
    %lt3A_1656 = arith.cmpi slt, %get3A_1653, %lt3A_1655 : vector<16xi32>
    %add3A_1657 = arith.constant 16 : i32
    %add3A_1658 = vector.broadcast %add3A_1657 : i32 to vector<16xi32>
    %add3A_1659 = arith.addi %get3A_1653, %add3A_1658 : vector<16xi32>
    %select_n3A_1660 = arith.select %lt3A_1656, %add3A_1659, %get3A_1653 : vector<16xi1>, vector<16xi32>
    %broadcast_in_dim3A_1661 = vector.shape_cast %select_n3A_1660 : vector<16xi32> to vector<16x1xi32>
    %gather3A_1662 = vector.shape_cast %broadcast_in_dim3A_1661 : vector<16x1xi32> to vector<16xi32>
    %gather3A_1663 = tpu.dynamic_gather %get3A_6[%gather3A_1662] in [0] : vector<16xf32>, vector<16xi32> -> vector<16xf32>
    %swap3A_1664 = arith.constant 1552 : index
    %swap3A_1665 = tpu.vector_load %arg7[%swap3A_1664] {strides = array<i32>} : memref<2048xf32, #tpu.memory_space<vmem>>, vector<16xf32>,
    %swap3A_1666 = vector.shape_cast %swap3A_1665 : vector<16xf32> to vector<16xf32>
    %swap3A_1667 = vector.shape_cast %gather3A_1663 : vector<16xf32> to vector<16xf32>
    tpu.vector_store %arg7[%swap3A_1664], %swap3A_1667 {strides = array<i32>} : memref<2048xf32, #tpu.memory_space<vmem>>, vector<16xf32>,
    %get3A_1668 = arith.constant 1568 : index
    %get3A_1669 = tpu.vector_load %arg5[%get3A_1668] {strides = array<i32>} : memref<2048xi32, #tpu.memory_space<vmem>>, vector<16xi32>,
    %get3A_1670 = vector.shape_cast %get3A_1669 : vector<16xi32> to vector<16xi32>
    %lt3A_1671 = arith.constant 0 : i32
    %lt3A_1672 = vector.broadcast %lt3A_1671 : i32 to vector<16xi32>
    %lt3A_1673 = arith.cmpi slt, %get3A_1670, %lt3A_1672 : vector<16xi32>
    %add3A_1674 = arith.constant 16 : i32
    %add3A_1675 = vector.broadcast %add3A_1674 : i32 to vector<16xi32>
    %add3A_1676 = arith.addi %get3A_1670, %add3A_1675 : vector<16xi32>
    %select_n3A_1677 = arith.select %lt3A_1673, %add3A_1676, %get3A_1670 : vector<16xi1>, vector<16xi32>
    %broadcast_in_dim3A_1678 = vector.shape_cast %select_n3A_1677 : vector<16xi32> to vector<16x1xi32>
    %gather3A_1679 = vector.shape_cast %broadcast_in_dim3A_1678 : vector<16x1xi32> to vector<16xi32>
    %gather3A_1680 = tpu.dynamic_gather %get3A_6[%gather3A_1679] in [0] : vector<16xf32>, vector<16xi32> -> vector<16xf32>
    %swap3A_1681 = arith.constant 1568 : index
    %swap3A_1682 = tpu.vector_load %arg7[%swap3A_1681] {strides = array<i32>} : memref<2048xf32, #tpu.memory_space<vmem>>, vector<16xf32>,
    %swap3A_1683 = vector.shape_cast %swap3A_1682 : vector<16xf32> to vector<16xf32>
    %swap3A_1684 = vector.shape_cast %gather3A_1680 : vector<16xf32> to vector<16xf32>
    tpu.vector_store %arg7[%swap3A_1681], %swap3A_1684 {strides = array<i32>} : memref<2048xf32, #tpu.memory_space<vmem>>, vector<16xf32>,
    %get3A_1685 = arith.constant 1584 : index
    %get3A_1686 = tpu.vector_load %arg5[%get3A_1685] {strides = array<i32>} : memref<2048xi32, #tpu.memory_space<vmem>>, vector<16xi32>,
    %get3A_1687 = vector.shape_cast %get3A_1686 : vector<16xi32> to vector<16xi32>
    %lt3A_1688 = arith.constant 0 : i32
    %lt3A_1689 = vector.broadcast %lt3A_1688 : i32 to vector<16xi32>
    %lt3A_1690 = arith.cmpi slt, %get3A_1687, %lt3A_1689 : vector<16xi32>
    %add3A_1691 = arith.constant 16 : i32
    %add3A_1692 = vector.broadcast %add3A_1691 : i32 to vector<16xi32>
    %add3A_1693 = arith.addi %get3A_1687, %add3A_1692 : vector<16xi32>
    %select_n3A_1694 = arith.select %lt3A_1690, %add3A_1693, %get3A_1687 : vector<16xi1>, vector<16xi32>
    %broadcast_in_dim3A_1695 = vector.shape_cast %select_n3A_1694 : vector<16xi32> to vector<16x1xi32>
    %gather3A_1696 = vector.shape_cast %broadcast_in_dim3A_1695 : vector<16x1xi32> to vector<16xi32>
    %gather3A_1697 = tpu.dynamic_gather %get3A_6[%gather3A_1696] in [0] : vector<16xf32>, vector<16xi32> -> vector<16xf32>
    %swap3A_1698 = arith.constant 1584 : index
    %swap3A_1699 = tpu.vector_load %arg7[%swap3A_1698] {strides = array<i32>} : memref<2048xf32, #tpu.memory_space<vmem>>, vector<16xf32>,
    %swap3A_1700 = vector.shape_cast %swap3A_1699 : vector<16xf32> to vector<16xf32>
    %swap3A_1701 = vector.shape_cast %gather3A_1697 : vector<16xf32> to vector<16xf32>
    tpu.vector_store %arg7[%swap3A_1698], %swap3A_1701 {strides = array<i32>} : memref<2048xf32, #tpu.memory_space<vmem>>, vector<16xf32>,
    %get3A_1702 = arith.constant 1600 : index
    %get3A_1703 = tpu.vector_load %arg5[%get3A_1702] {strides = array<i32>} : memref<2048xi32, #tpu.memory_space<vmem>>, vector<16xi32>,
    %get3A_1704 = vector.shape_cast %get3A_1703 : vector<16xi32> to vector<16xi32>
    %lt3A_1705 = arith.constant 0 : i32
    %lt3A_1706 = vector.broadcast %lt3A_1705 : i32 to vector<16xi32>
    %lt3A_1707 = arith.cmpi slt, %get3A_1704, %lt3A_1706 : vector<16xi32>
    %add3A_1708 = arith.constant 16 : i32
    %add3A_1709 = vector.broadcast %add3A_1708 : i32 to vector<16xi32>
    %add3A_1710 = arith.addi %get3A_1704, %add3A_1709 : vector<16xi32>
    %select_n3A_1711 = arith.select %lt3A_1707, %add3A_1710, %get3A_1704 : vector<16xi1>, vector<16xi32>
    %broadcast_in_dim3A_1712 = vector.shape_cast %select_n3A_1711 : vector<16xi32> to vector<16x1xi32>
    %gather3A_1713 = vector.shape_cast %broadcast_in_dim3A_1712 : vector<16x1xi32> to vector<16xi32>
    %gather3A_1714 = tpu.dynamic_gather %get3A_6[%gather3A_1713] in [0] : vector<16xf32>, vector<16xi32> -> vector<16xf32>
    %swap3A_1715 = arith.constant 1600 : index
    %swap3A_1716 = tpu.vector_load %arg7[%swap3A_1715] {strides = array<i32>} : memref<2048xf32, #tpu.memory_space<vmem>>, vector<16xf32>,
    %swap3A_1717 = vector.shape_cast %swap3A_1716 : vector<16xf32> to vector<16xf32>
    %swap3A_1718 = vector.shape_cast %gather3A_1714 : vector<16xf32> to vector<16xf32>
    tpu.vector_store %arg7[%swap3A_1715], %swap3A_1718 {strides = array<i32>} : memref<2048xf32, #tpu.memory_space<vmem>>, vector<16xf32>,
    %get3A_1719 = arith.constant 1616 : index
    %get3A_1720 = tpu.vector_load %arg5[%get3A_1719] {strides = array<i32>} : memref<2048xi32, #tpu.memory_space<vmem>>, vector<16xi32>,
    %get3A_1721 = vector.shape_cast %get3A_1720 : vector<16xi32> to vector<16xi32>
    %lt3A_1722 = arith.constant 0 : i32
    %lt3A_1723 = vector.broadcast %lt3A_1722 : i32 to vector<16xi32>
    %lt3A_1724 = arith.cmpi slt, %get3A_1721, %lt3A_1723 : vector<16xi32>
    %add3A_1725 = arith.constant 16 : i32
    %add3A_1726 = vector.broadcast %add3A_1725 : i32 to vector<16xi32>
    %add3A_1727 = arith.addi %get3A_1721, %add3A_1726 : vector<16xi32>
    %select_n3A_1728 = arith.select %lt3A_1724, %add3A_1727, %get3A_1721 : vector<16xi1>, vector<16xi32>
    %broadcast_in_dim3A_1729 = vector.shape_cast %select_n3A_1728 : vector<16xi32> to vector<16x1xi32>
    %gather3A_1730 = vector.shape_cast %broadcast_in_dim3A_1729 : vector<16x1xi32> to vector<16xi32>
    %gather3A_1731 = tpu.dynamic_gather %get3A_6[%gather3A_1730] in [0] : vector<16xf32>, vector<16xi32> -> vector<16xf32>
    %swap3A_1732 = arith.constant 1616 : index
    %swap3A_1733 = tpu.vector_load %arg7[%swap3A_1732] {strides = array<i32>} : memref<2048xf32, #tpu.memory_space<vmem>>, vector<16xf32>,
    %swap3A_1734 = vector.shape_cast %swap3A_1733 : vector<16xf32> to vector<16xf32>
    %swap3A_1735 = vector.shape_cast %gather3A_1731 : vector<16xf32> to vector<16xf32>
    tpu.vector_store %arg7[%swap3A_1732], %swap3A_1735 {strides = array<i32>} : memref<2048xf32, #tpu.memory_space<vmem>>, vector<16xf32>,
    %get3A_1736 = arith.constant 1632 : index
    %get3A_1737 = tpu.vector_load %arg5[%get3A_1736] {strides = array<i32>} : memref<2048xi32, #tpu.memory_space<vmem>>, vector<16xi32>,
    %get3A_1738 = vector.shape_cast %get3A_1737 : vector<16xi32> to vector<16xi32>
    %lt3A_1739 = arith.constant 0 : i32
    %lt3A_1740 = vector.broadcast %lt3A_1739 : i32 to vector<16xi32>
    %lt3A_1741 = arith.cmpi slt, %get3A_1738, %lt3A_1740 : vector<16xi32>
    %add3A_1742 = arith.constant 16 : i32
    %add3A_1743 = vector.broadcast %add3A_1742 : i32 to vector<16xi32>
    %add3A_1744 = arith.addi %get3A_1738, %add3A_1743 : vector<16xi32>
    %select_n3A_1745 = arith.select %lt3A_1741, %add3A_1744, %get3A_1738 : vector<16xi1>, vector<16xi32>
    %broadcast_in_dim3A_1746 = vector.shape_cast %select_n3A_1745 : vector<16xi32> to vector<16x1xi32>
    %gather3A_1747 = vector.shape_cast %broadcast_in_dim3A_1746 : vector<16x1xi32> to vector<16xi32>
    %gather3A_1748 = tpu.dynamic_gather %get3A_6[%gather3A_1747] in [0] : vector<16xf32>, vector<16xi32> -> vector<16xf32>
    %swap3A_1749 = arith.constant 1632 : index
    %swap3A_1750 = tpu.vector_load %arg7[%swap3A_1749] {strides = array<i32>} : memref<2048xf32, #tpu.memory_space<vmem>>, vector<16xf32>,
    %swap3A_1751 = vector.shape_cast %swap3A_1750 : vector<16xf32> to vector<16xf32>
    %swap3A_1752 = vector.shape_cast %gather3A_1748 : vector<16xf32> to vector<16xf32>
    tpu.vector_store %arg7[%swap3A_1749], %swap3A_1752 {strides = array<i32>} : memref<2048xf32, #tpu.memory_space<vmem>>, vector<16xf32>,
    %get3A_1753 = arith.constant 1648 : index
    %get3A_1754 = tpu.vector_load %arg5[%get3A_1753] {strides = array<i32>} : memref<2048xi32, #tpu.memory_space<vmem>>, vector<16xi32>,
    %get3A_1755 = vector.shape_cast %get3A_1754 : vector<16xi32> to vector<16xi32>
    %lt3A_1756 = arith.constant 0 : i32
    %lt3A_1757 = vector.broadcast %lt3A_1756 : i32 to vector<16xi32>
    %lt3A_1758 = arith.cmpi slt, %get3A_1755, %lt3A_1757 : vector<16xi32>
    %add3A_1759 = arith.constant 16 : i32
    %add3A_1760 = vector.broadcast %add3A_1759 : i32 to vector<16xi32>
    %add3A_1761 = arith.addi %get3A_1755, %add3A_1760 : vector<16xi32>
    %select_n3A_1762 = arith.select %lt3A_1758, %add3A_1761, %get3A_1755 : vector<16xi1>, vector<16xi32>
    %broadcast_in_dim3A_1763 = vector.shape_cast %select_n3A_1762 : vector<16xi32> to vector<16x1xi32>
    %gather3A_1764 = vector.shape_cast %broadcast_in_dim3A_1763 : vector<16x1xi32> to vector<16xi32>
    %gather3A_1765 = tpu.dynamic_gather %get3A_6[%gather3A_1764] in [0] : vector<16xf32>, vector<16xi32> -> vector<16xf32>
    %swap3A_1766 = arith.constant 1648 : index
    %swap3A_1767 = tpu.vector_load %arg7[%swap3A_1766] {strides = array<i32>} : memref<2048xf32, #tpu.memory_space<vmem>>, vector<16xf32>,
    %swap3A_1768 = vector.shape_cast %swap3A_1767 : vector<16xf32> to vector<16xf32>
    %swap3A_1769 = vector.shape_cast %gather3A_1765 : vector<16xf32> to vector<16xf32>
    tpu.vector_store %arg7[%swap3A_1766], %swap3A_1769 {strides = array<i32>} : memref<2048xf32, #tpu.memory_space<vmem>>, vector<16xf32>,
    %get3A_1770 = arith.constant 1664 : index
    %get3A_1771 = tpu.vector_load %arg5[%get3A_1770] {strides = array<i32>} : memref<2048xi32, #tpu.memory_space<vmem>>, vector<16xi32>,
    %get3A_1772 = vector.shape_cast %get3A_1771 : vector<16xi32> to vector<16xi32>
    %lt3A_1773 = arith.constant 0 : i32
    %lt3A_1774 = vector.broadcast %lt3A_1773 : i32 to vector<16xi32>
    %lt3A_1775 = arith.cmpi slt, %get3A_1772, %lt3A_1774 : vector<16xi32>
    %add3A_1776 = arith.constant 16 : i32
    %add3A_1777 = vector.broadcast %add3A_1776 : i32 to vector<16xi32>
    %add3A_1778 = arith.addi %get3A_1772, %add3A_1777 : vector<16xi32>
    %select_n3A_1779 = arith.select %lt3A_1775, %add3A_1778, %get3A_1772 : vector<16xi1>, vector<16xi32>
    %broadcast_in_dim3A_1780 = vector.shape_cast %select_n3A_1779 : vector<16xi32> to vector<16x1xi32>
    %gather3A_1781 = vector.shape_cast %broadcast_in_dim3A_1780 : vector<16x1xi32> to vector<16xi32>
    %gather3A_1782 = tpu.dynamic_gather %get3A_6[%gather3A_1781] in [0] : vector<16xf32>, vector<16xi32> -> vector<16xf32>
    %swap3A_1783 = arith.constant 1664 : index
    %swap3A_1784 = tpu.vector_load %arg7[%swap3A_1783] {strides = array<i32>} : memref<2048xf32, #tpu.memory_space<vmem>>, vector<16xf32>,
    %swap3A_1785 = vector.shape_cast %swap3A_1784 : vector<16xf32> to vector<16xf32>
    %swap3A_1786 = vector.shape_cast %gather3A_1782 : vector<16xf32> to vector<16xf32>
    tpu.vector_store %arg7[%swap3A_1783], %swap3A_1786 {strides = array<i32>} : memref<2048xf32, #tpu.memory_space<vmem>>, vector<16xf32>,
    %get3A_1787 = arith.constant 1680 : index
    %get3A_1788 = tpu.vector_load %arg5[%get3A_1787] {strides = array<i32>} : memref<2048xi32, #tpu.memory_space<vmem>>, vector<16xi32>,
    %get3A_1789 = vector.shape_cast %get3A_1788 : vector<16xi32> to vector<16xi32>
    %lt3A_1790 = arith.constant 0 : i32
    %lt3A_1791 = vector.broadcast %lt3A_1790 : i32 to vector<16xi32>
    %lt3A_1792 = arith.cmpi slt, %get3A_1789, %lt3A_1791 : vector<16xi32>
    %add3A_1793 = arith.constant 16 : i32
    %add3A_1794 = vector.broadcast %add3A_1793 : i32 to vector<16xi32>
    %add3A_1795 = arith.addi %get3A_1789, %add3A_1794 : vector<16xi32>
    %select_n3A_1796 = arith.select %lt3A_1792, %add3A_1795, %get3A_1789 : vector<16xi1>, vector<16xi32>
    %broadcast_in_dim3A_1797 = vector.shape_cast %select_n3A_1796 : vector<16xi32> to vector<16x1xi32>
    %gather3A_1798 = vector.shape_cast %broadcast_in_dim3A_1797 : vector<16x1xi32> to vector<16xi32>
    %gather3A_1799 = tpu.dynamic_gather %get3A_6[%gather3A_1798] in [0] : vector<16xf32>, vector<16xi32> -> vector<16xf32>
    %swap3A_1800 = arith.constant 1680 : index
    %swap3A_1801 = tpu.vector_load %arg7[%swap3A_1800] {strides = array<i32>} : memref<2048xf32, #tpu.memory_space<vmem>>, vector<16xf32>,
    %swap3A_1802 = vector.shape_cast %swap3A_1801 : vector<16xf32> to vector<16xf32>
    %swap3A_1803 = vector.shape_cast %gather3A_1799 : vector<16xf32> to vector<16xf32>
    tpu.vector_store %arg7[%swap3A_1800], %swap3A_1803 {strides = array<i32>} : memref<2048xf32, #tpu.memory_space<vmem>>, vector<16xf32>,
    %get3A_1804 = arith.constant 1696 : index
    %get3A_1805 = tpu.vector_load %arg5[%get3A_1804] {strides = array<i32>} : memref<2048xi32, #tpu.memory_space<vmem>>, vector<16xi32>,
    %get3A_1806 = vector.shape_cast %get3A_1805 : vector<16xi32> to vector<16xi32>
    %lt3A_1807 = arith.constant 0 : i32
    %lt3A_1808 = vector.broadcast %lt3A_1807 : i32 to vector<16xi32>
    %lt3A_1809 = arith.cmpi slt, %get3A_1806, %lt3A_1808 : vector<16xi32>
    %add3A_1810 = arith.constant 16 : i32
    %add3A_1811 = vector.broadcast %add3A_1810 : i32 to vector<16xi32>
    %add3A_1812 = arith.addi %get3A_1806, %add3A_1811 : vector<16xi32>
    %select_n3A_1813 = arith.select %lt3A_1809, %add3A_1812, %get3A_1806 : vector<16xi1>, vector<16xi32>
    %broadcast_in_dim3A_1814 = vector.shape_cast %select_n3A_1813 : vector<16xi32> to vector<16x1xi32>
    %gather3A_1815 = vector.shape_cast %broadcast_in_dim3A_1814 : vector<16x1xi32> to vector<16xi32>
    %gather3A_1816 = tpu.dynamic_gather %get3A_6[%gather3A_1815] in [0] : vector<16xf32>, vector<16xi32> -> vector<16xf32>
    %swap3A_1817 = arith.constant 1696 : index
    %swap3A_1818 = tpu.vector_load %arg7[%swap3A_1817] {strides = array<i32>} : memref<2048xf32, #tpu.memory_space<vmem>>, vector<16xf32>,
    %swap3A_1819 = vector.shape_cast %swap3A_1818 : vector<16xf32> to vector<16xf32>
    %swap3A_1820 = vector.shape_cast %gather3A_1816 : vector<16xf32> to vector<16xf32>
    tpu.vector_store %arg7[%swap3A_1817], %swap3A_1820 {strides = array<i32>} : memref<2048xf32, #tpu.memory_space<vmem>>, vector<16xf32>,
    %get3A_1821 = arith.constant 1712 : index
    %get3A_1822 = tpu.vector_load %arg5[%get3A_1821] {strides = array<i32>} : memref<2048xi32, #tpu.memory_space<vmem>>, vector<16xi32>,
    %get3A_1823 = vector.shape_cast %get3A_1822 : vector<16xi32> to vector<16xi32>
    %lt3A_1824 = arith.constant 0 : i32
    %lt3A_1825 = vector.broadcast %lt3A_1824 : i32 to vector<16xi32>
    %lt3A_1826 = arith.cmpi slt, %get3A_1823, %lt3A_1825 : vector<16xi32>
    %add3A_1827 = arith.constant 16 : i32
    %add3A_1828 = vector.broadcast %add3A_1827 : i32 to vector<16xi32>
    %add3A_1829 = arith.addi %get3A_1823, %add3A_1828 : vector<16xi32>
    %select_n3A_1830 = arith.select %lt3A_1826, %add3A_1829, %get3A_1823 : vector<16xi1>, vector<16xi32>
    %broadcast_in_dim3A_1831 = vector.shape_cast %select_n3A_1830 : vector<16xi32> to vector<16x1xi32>
    %gather3A_1832 = vector.shape_cast %broadcast_in_dim3A_1831 : vector<16x1xi32> to vector<16xi32>
    %gather3A_1833 = tpu.dynamic_gather %get3A_6[%gather3A_1832] in [0] : vector<16xf32>, vector<16xi32> -> vector<16xf32>
    %swap3A_1834 = arith.constant 1712 : index
    %swap3A_1835 = tpu.vector_load %arg7[%swap3A_1834] {strides = array<i32>} : memref<2048xf32, #tpu.memory_space<vmem>>, vector<16xf32>,
    %swap3A_1836 = vector.shape_cast %swap3A_1835 : vector<16xf32> to vector<16xf32>
    %swap3A_1837 = vector.shape_cast %gather3A_1833 : vector<16xf32> to vector<16xf32>
    tpu.vector_store %arg7[%swap3A_1834], %swap3A_1837 {strides = array<i32>} : memref<2048xf32, #tpu.memory_space<vmem>>, vector<16xf32>,
    %get3A_1838 = arith.constant 1728 : index
    %get3A_1839 = tpu.vector_load %arg5[%get3A_1838] {strides = array<i32>} : memref<2048xi32, #tpu.memory_space<vmem>>, vector<16xi32>,
    %get3A_1840 = vector.shape_cast %get3A_1839 : vector<16xi32> to vector<16xi32>
    %lt3A_1841 = arith.constant 0 : i32
    %lt3A_1842 = vector.broadcast %lt3A_1841 : i32 to vector<16xi32>
    %lt3A_1843 = arith.cmpi slt, %get3A_1840, %lt3A_1842 : vector<16xi32>
    %add3A_1844 = arith.constant 16 : i32
    %add3A_1845 = vector.broadcast %add3A_1844 : i32 to vector<16xi32>
    %add3A_1846 = arith.addi %get3A_1840, %add3A_1845 : vector<16xi32>
    %select_n3A_1847 = arith.select %lt3A_1843, %add3A_1846, %get3A_1840 : vector<16xi1>, vector<16xi32>
    %broadcast_in_dim3A_1848 = vector.shape_cast %select_n3A_1847 : vector<16xi32> to vector<16x1xi32>
    %gather3A_1849 = vector.shape_cast %broadcast_in_dim3A_1848 : vector<16x1xi32> to vector<16xi32>
    %gather3A_1850 = tpu.dynamic_gather %get3A_6[%gather3A_1849] in [0] : vector<16xf32>, vector<16xi32> -> vector<16xf32>
    %swap3A_1851 = arith.constant 1728 : index
    %swap3A_1852 = tpu.vector_load %arg7[%swap3A_1851] {strides = array<i32>} : memref<2048xf32, #tpu.memory_space<vmem>>, vector<16xf32>,
    %swap3A_1853 = vector.shape_cast %swap3A_1852 : vector<16xf32> to vector<16xf32>
    %swap3A_1854 = vector.shape_cast %gather3A_1850 : vector<16xf32> to vector<16xf32>
    tpu.vector_store %arg7[%swap3A_1851], %swap3A_1854 {strides = array<i32>} : memref<2048xf32, #tpu.memory_space<vmem>>, vector<16xf32>,
    %get3A_1855 = arith.constant 1744 : index
    %get3A_1856 = tpu.vector_load %arg5[%get3A_1855] {strides = array<i32>} : memref<2048xi32, #tpu.memory_space<vmem>>, vector<16xi32>,
    %get3A_1857 = vector.shape_cast %get3A_1856 : vector<16xi32> to vector<16xi32>
    %lt3A_1858 = arith.constant 0 : i32
    %lt3A_1859 = vector.broadcast %lt3A_1858 : i32 to vector<16xi32>
    %lt3A_1860 = arith.cmpi slt, %get3A_1857, %lt3A_1859 : vector<16xi32>
    %add3A_1861 = arith.constant 16 : i32
    %add3A_1862 = vector.broadcast %add3A_1861 : i32 to vector<16xi32>
    %add3A_1863 = arith.addi %get3A_1857, %add3A_1862 : vector<16xi32>
    %select_n3A_1864 = arith.select %lt3A_1860, %add3A_1863, %get3A_1857 : vector<16xi1>, vector<16xi32>
    %broadcast_in_dim3A_1865 = vector.shape_cast %select_n3A_1864 : vector<16xi32> to vector<16x1xi32>
    %gather3A_1866 = vector.shape_cast %broadcast_in_dim3A_1865 : vector<16x1xi32> to vector<16xi32>
    %gather3A_1867 = tpu.dynamic_gather %get3A_6[%gather3A_1866] in [0] : vector<16xf32>, vector<16xi32> -> vector<16xf32>
    %swap3A_1868 = arith.constant 1744 : index
    %swap3A_1869 = tpu.vector_load %arg7[%swap3A_1868] {strides = array<i32>} : memref<2048xf32, #tpu.memory_space<vmem>>, vector<16xf32>,
    %swap3A_1870 = vector.shape_cast %swap3A_1869 : vector<16xf32> to vector<16xf32>
    %swap3A_1871 = vector.shape_cast %gather3A_1867 : vector<16xf32> to vector<16xf32>
    tpu.vector_store %arg7[%swap3A_1868], %swap3A_1871 {strides = array<i32>} : memref<2048xf32, #tpu.memory_space<vmem>>, vector<16xf32>,
    %get3A_1872 = arith.constant 1760 : index
    %get3A_1873 = tpu.vector_load %arg5[%get3A_1872] {strides = array<i32>} : memref<2048xi32, #tpu.memory_space<vmem>>, vector<16xi32>,
    %get3A_1874 = vector.shape_cast %get3A_1873 : vector<16xi32> to vector<16xi32>
    %lt3A_1875 = arith.constant 0 : i32
    %lt3A_1876 = vector.broadcast %lt3A_1875 : i32 to vector<16xi32>
    %lt3A_1877 = arith.cmpi slt, %get3A_1874, %lt3A_1876 : vector<16xi32>
    %add3A_1878 = arith.constant 16 : i32
    %add3A_1879 = vector.broadcast %add3A_1878 : i32 to vector<16xi32>
    %add3A_1880 = arith.addi %get3A_1874, %add3A_1879 : vector<16xi32>
    %select_n3A_1881 = arith.select %lt3A_1877, %add3A_1880, %get3A_1874 : vector<16xi1>, vector<16xi32>
    %broadcast_in_dim3A_1882 = vector.shape_cast %select_n3A_1881 : vector<16xi32> to vector<16x1xi32>
    %gather3A_1883 = vector.shape_cast %broadcast_in_dim3A_1882 : vector<16x1xi32> to vector<16xi32>
    %gather3A_1884 = tpu.dynamic_gather %get3A_6[%gather3A_1883] in [0] : vector<16xf32>, vector<16xi32> -> vector<16xf32>
    %swap3A_1885 = arith.constant 1760 : index
    %swap3A_1886 = tpu.vector_load %arg7[%swap3A_1885] {strides = array<i32>} : memref<2048xf32, #tpu.memory_space<vmem>>, vector<16xf32>,
    %swap3A_1887 = vector.shape_cast %swap3A_1886 : vector<16xf32> to vector<16xf32>
    %swap3A_1888 = vector.shape_cast %gather3A_1884 : vector<16xf32> to vector<16xf32>
    tpu.vector_store %arg7[%swap3A_1885], %swap3A_1888 {strides = array<i32>} : memref<2048xf32, #tpu.memory_space<vmem>>, vector<16xf32>,
    %get3A_1889 = arith.constant 1776 : index
    %get3A_1890 = tpu.vector_load %arg5[%get3A_1889] {strides = array<i32>} : memref<2048xi32, #tpu.memory_space<vmem>>, vector<16xi32>,
    %get3A_1891 = vector.shape_cast %get3A_1890 : vector<16xi32> to vector<16xi32>
    %lt3A_1892 = arith.constant 0 : i32
    %lt3A_1893 = vector.broadcast %lt3A_1892 : i32 to vector<16xi32>
    %lt3A_1894 = arith.cmpi slt, %get3A_1891, %lt3A_1893 : vector<16xi32>
    %add3A_1895 = arith.constant 16 : i32
    %add3A_1896 = vector.broadcast %add3A_1895 : i32 to vector<16xi32>
    %add3A_1897 = arith.addi %get3A_1891, %add3A_1896 : vector<16xi32>
    %select_n3A_1898 = arith.select %lt3A_1894, %add3A_1897, %get3A_1891 : vector<16xi1>, vector<16xi32>
    %broadcast_in_dim3A_1899 = vector.shape_cast %select_n3A_1898 : vector<16xi32> to vector<16x1xi32>
    %gather3A_1900 = vector.shape_cast %broadcast_in_dim3A_1899 : vector<16x1xi32> to vector<16xi32>
    %gather3A_1901 = tpu.dynamic_gather %get3A_6[%gather3A_1900] in [0] : vector<16xf32>, vector<16xi32> -> vector<16xf32>
    %swap3A_1902 = arith.constant 1776 : index
    %swap3A_1903 = tpu.vector_load %arg7[%swap3A_1902] {strides = array<i32>} : memref<2048xf32, #tpu.memory_space<vmem>>, vector<16xf32>,
    %swap3A_1904 = vector.shape_cast %swap3A_1903 : vector<16xf32> to vector<16xf32>
    %swap3A_1905 = vector.shape_cast %gather3A_1901 : vector<16xf32> to vector<16xf32>
    tpu.vector_store %arg7[%swap3A_1902], %swap3A_1905 {strides = array<i32>} : memref<2048xf32, #tpu.memory_space<vmem>>, vector<16xf32>,
    %get3A_1906 = arith.constant 1792 : index
    %get3A_1907 = tpu.vector_load %arg5[%get3A_1906] {strides = array<i32>} : memref<2048xi32, #tpu.memory_space<vmem>>, vector<16xi32>,
    %get3A_1908 = vector.shape_cast %get3A_1907 : vector<16xi32> to vector<16xi32>
    %lt3A_1909 = arith.constant 0 : i32
    %lt3A_1910 = vector.broadcast %lt3A_1909 : i32 to vector<16xi32>
    %lt3A_1911 = arith.cmpi slt, %get3A_1908, %lt3A_1910 : vector<16xi32>
    %add3A_1912 = arith.constant 16 : i32
    %add3A_1913 = vector.broadcast %add3A_1912 : i32 to vector<16xi32>
    %add3A_1914 = arith.addi %get3A_1908, %add3A_1913 : vector<16xi32>
    %select_n3A_1915 = arith.select %lt3A_1911, %add3A_1914, %get3A_1908 : vector<16xi1>, vector<16xi32>
    %broadcast_in_dim3A_1916 = vector.shape_cast %select_n3A_1915 : vector<16xi32> to vector<16x1xi32>
    %gather3A_1917 = vector.shape_cast %broadcast_in_dim3A_1916 : vector<16x1xi32> to vector<16xi32>
    %gather3A_1918 = tpu.dynamic_gather %get3A_6[%gather3A_1917] in [0] : vector<16xf32>, vector<16xi32> -> vector<16xf32>
    %swap3A_1919 = arith.constant 1792 : index
    %swap3A_1920 = tpu.vector_load %arg7[%swap3A_1919] {strides = array<i32>} : memref<2048xf32, #tpu.memory_space<vmem>>, vector<16xf32>,
    %swap3A_1921 = vector.shape_cast %swap3A_1920 : vector<16xf32> to vector<16xf32>
    %swap3A_1922 = vector.shape_cast %gather3A_1918 : vector<16xf32> to vector<16xf32>
    tpu.vector_store %arg7[%swap3A_1919], %swap3A_1922 {strides = array<i32>} : memref<2048xf32, #tpu.memory_space<vmem>>, vector<16xf32>,
    %get3A_1923 = arith.constant 1808 : index
    %get3A_1924 = tpu.vector_load %arg5[%get3A_1923] {strides = array<i32>} : memref<2048xi32, #tpu.memory_space<vmem>>, vector<16xi32>,
    %get3A_1925 = vector.shape_cast %get3A_1924 : vector<16xi32> to vector<16xi32>
    %lt3A_1926 = arith.constant 0 : i32
    %lt3A_1927 = vector.broadcast %lt3A_1926 : i32 to vector<16xi32>
    %lt3A_1928 = arith.cmpi slt, %get3A_1925, %lt3A_1927 : vector<16xi32>
    %add3A_1929 = arith.constant 16 : i32
    %add3A_1930 = vector.broadcast %add3A_1929 : i32 to vector<16xi32>
    %add3A_1931 = arith.addi %get3A_1925, %add3A_1930 : vector<16xi32>
    %select_n3A_1932 = arith.select %lt3A_1928, %add3A_1931, %get3A_1925 : vector<16xi1>, vector<16xi32>
    %broadcast_in_dim3A_1933 = vector.shape_cast %select_n3A_1932 : vector<16xi32> to vector<16x1xi32>
    %gather3A_1934 = vector.shape_cast %broadcast_in_dim3A_1933 : vector<16x1xi32> to vector<16xi32>
    %gather3A_1935 = tpu.dynamic_gather %get3A_6[%gather3A_1934] in [0] : vector<16xf32>, vector<16xi32> -> vector<16xf32>
    %swap3A_1936 = arith.constant 1808 : index
    %swap3A_1937 = tpu.vector_load %arg7[%swap3A_1936] {strides = array<i32>} : memref<2048xf32, #tpu.memory_space<vmem>>, vector<16xf32>,
    %swap3A_1938 = vector.shape_cast %swap3A_1937 : vector<16xf32> to vector<16xf32>
    %swap3A_1939 = vector.shape_cast %gather3A_1935 : vector<16xf32> to vector<16xf32>
    tpu.vector_store %arg7[%swap3A_1936], %swap3A_1939 {strides = array<i32>} : memref<2048xf32, #tpu.memory_space<vmem>>, vector<16xf32>,
    %get3A_1940 = arith.constant 1824 : index
    %get3A_1941 = tpu.vector_load %arg5[%get3A_1940] {strides = array<i32>} : memref<2048xi32, #tpu.memory_space<vmem>>, vector<16xi32>,
    %get3A_1942 = vector.shape_cast %get3A_1941 : vector<16xi32> to vector<16xi32>
    %lt3A_1943 = arith.constant 0 : i32
    %lt3A_1944 = vector.broadcast %lt3A_1943 : i32 to vector<16xi32>
    %lt3A_1945 = arith.cmpi slt, %get3A_1942, %lt3A_1944 : vector<16xi32>
    %add3A_1946 = arith.constant 16 : i32
    %add3A_1947 = vector.broadcast %add3A_1946 : i32 to vector<16xi32>
    %add3A_1948 = arith.addi %get3A_1942, %add3A_1947 : vector<16xi32>
    %select_n3A_1949 = arith.select %lt3A_1945, %add3A_1948, %get3A_1942 : vector<16xi1>, vector<16xi32>
    %broadcast_in_dim3A_1950 = vector.shape_cast %select_n3A_1949 : vector<16xi32> to vector<16x1xi32>
    %gather3A_1951 = vector.shape_cast %broadcast_in_dim3A_1950 : vector<16x1xi32> to vector<16xi32>
    %gather3A_1952 = tpu.dynamic_gather %get3A_6[%gather3A_1951] in [0] : vector<16xf32>, vector<16xi32> -> vector<16xf32>
    %swap3A_1953 = arith.constant 1824 : index
    %swap3A_1954 = tpu.vector_load %arg7[%swap3A_1953] {strides = array<i32>} : memref<2048xf32, #tpu.memory_space<vmem>>, vector<16xf32>,
    %swap3A_1955 = vector.shape_cast %swap3A_1954 : vector<16xf32> to vector<16xf32>
    %swap3A_1956 = vector.shape_cast %gather3A_1952 : vector<16xf32> to vector<16xf32>
    tpu.vector_store %arg7[%swap3A_1953], %swap3A_1956 {strides = array<i32>} : memref<2048xf32, #tpu.memory_space<vmem>>, vector<16xf32>,
    %get3A_1957 = arith.constant 1840 : index
    %get3A_1958 = tpu.vector_load %arg5[%get3A_1957] {strides = array<i32>} : memref<2048xi32, #tpu.memory_space<vmem>>, vector<16xi32>,
    %get3A_1959 = vector.shape_cast %get3A_1958 : vector<16xi32> to vector<16xi32>
    %lt3A_1960 = arith.constant 0 : i32
    %lt3A_1961 = vector.broadcast %lt3A_1960 : i32 to vector<16xi32>
    %lt3A_1962 = arith.cmpi slt, %get3A_1959, %lt3A_1961 : vector<16xi32>
    %add3A_1963 = arith.constant 16 : i32
    %add3A_1964 = vector.broadcast %add3A_1963 : i32 to vector<16xi32>
    %add3A_1965 = arith.addi %get3A_1959, %add3A_1964 : vector<16xi32>
    %select_n3A_1966 = arith.select %lt3A_1962, %add3A_1965, %get3A_1959 : vector<16xi1>, vector<16xi32>
    %broadcast_in_dim3A_1967 = vector.shape_cast %select_n3A_1966 : vector<16xi32> to vector<16x1xi32>
    %gather3A_1968 = vector.shape_cast %broadcast_in_dim3A_1967 : vector<16x1xi32> to vector<16xi32>
    %gather3A_1969 = tpu.dynamic_gather %get3A_6[%gather3A_1968] in [0] : vector<16xf32>, vector<16xi32> -> vector<16xf32>
    %swap3A_1970 = arith.constant 1840 : index
    %swap3A_1971 = tpu.vector_load %arg7[%swap3A_1970] {strides = array<i32>} : memref<2048xf32, #tpu.memory_space<vmem>>, vector<16xf32>,
    %swap3A_1972 = vector.shape_cast %swap3A_1971 : vector<16xf32> to vector<16xf32>
    %swap3A_1973 = vector.shape_cast %gather3A_1969 : vector<16xf32> to vector<16xf32>
    tpu.vector_store %arg7[%swap3A_1970], %swap3A_1973 {strides = array<i32>} : memref<2048xf32, #tpu.memory_space<vmem>>, vector<16xf32>,
    %get3A_1974 = arith.constant 1856 : index
    %get3A_1975 = tpu.vector_load %arg5[%get3A_1974] {strides = array<i32>} : memref<2048xi32, #tpu.memory_space<vmem>>, vector<16xi32>,
    %get3A_1976 = vector.shape_cast %get3A_1975 : vector<16xi32> to vector<16xi32>
    %lt3A_1977 = arith.constant 0 : i32
    %lt3A_1978 = vector.broadcast %lt3A_1977 : i32 to vector<16xi32>
    %lt3A_1979 = arith.cmpi slt, %get3A_1976, %lt3A_1978 : vector<16xi32>
    %add3A_1980 = arith.constant 16 : i32
    %add3A_1981 = vector.broadcast %add3A_1980 : i32 to vector<16xi32>
    %add3A_1982 = arith.addi %get3A_1976, %add3A_1981 : vector<16xi32>
    %select_n3A_1983 = arith.select %lt3A_1979, %add3A_1982, %get3A_1976 : vector<16xi1>, vector<16xi32>
    %broadcast_in_dim3A_1984 = vector.shape_cast %select_n3A_1983 : vector<16xi32> to vector<16x1xi32>
    %gather3A_1985 = vector.shape_cast %broadcast_in_dim3A_1984 : vector<16x1xi32> to vector<16xi32>
    %gather3A_1986 = tpu.dynamic_gather %get3A_6[%gather3A_1985] in [0] : vector<16xf32>, vector<16xi32> -> vector<16xf32>
    %swap3A_1987 = arith.constant 1856 : index
    %swap3A_1988 = tpu.vector_load %arg7[%swap3A_1987] {strides = array<i32>} : memref<2048xf32, #tpu.memory_space<vmem>>, vector<16xf32>,
    %swap3A_1989 = vector.shape_cast %swap3A_1988 : vector<16xf32> to vector<16xf32>
    %swap3A_1990 = vector.shape_cast %gather3A_1986 : vector<16xf32> to vector<16xf32>
    tpu.vector_store %arg7[%swap3A_1987], %swap3A_1990 {strides = array<i32>} : memref<2048xf32, #tpu.memory_space<vmem>>, vector<16xf32>,
    %get3A_1991 = arith.constant 1872 : index
    %get3A_1992 = tpu.vector_load %arg5[%get3A_1991] {strides = array<i32>} : memref<2048xi32, #tpu.memory_space<vmem>>, vector<16xi32>,
    %get3A_1993 = vector.shape_cast %get3A_1992 : vector<16xi32> to vector<16xi32>
    %lt3A_1994 = arith.constant 0 : i32
    %lt3A_1995 = vector.broadcast %lt3A_1994 : i32 to vector<16xi32>
    %lt3A_1996 = arith.cmpi slt, %get3A_1993, %lt3A_1995 : vector<16xi32>
    %add3A_1997 = arith.constant 16 : i32
    %add3A_1998 = vector.broadcast %add3A_1997 : i32 to vector<16xi32>
    %add3A_1999 = arith.addi %get3A_1993, %add3A_1998 : vector<16xi32>
    %select_n3A_2000 = arith.select %lt3A_1996, %add3A_1999, %get3A_1993 : vector<16xi1>, vector<16xi32>
    %broadcast_in_dim3A_2001 = vector.shape_cast %select_n3A_2000 : vector<16xi32> to vector<16x1xi32>
    %gather3A_2002 = vector.shape_cast %broadcast_in_dim3A_2001 : vector<16x1xi32> to vector<16xi32>
    %gather3A_2003 = tpu.dynamic_gather %get3A_6[%gather3A_2002] in [0] : vector<16xf32>, vector<16xi32> -> vector<16xf32>
    %swap3A_2004 = arith.constant 1872 : index
    %swap3A_2005 = tpu.vector_load %arg7[%swap3A_2004] {strides = array<i32>} : memref<2048xf32, #tpu.memory_space<vmem>>, vector<16xf32>,
    %swap3A_2006 = vector.shape_cast %swap3A_2005 : vector<16xf32> to vector<16xf32>
    %swap3A_2007 = vector.shape_cast %gather3A_2003 : vector<16xf32> to vector<16xf32>
    tpu.vector_store %arg7[%swap3A_2004], %swap3A_2007 {strides = array<i32>} : memref<2048xf32, #tpu.memory_space<vmem>>, vector<16xf32>,
    %get3A_2008 = arith.constant 1888 : index
    %get3A_2009 = tpu.vector_load %arg5[%get3A_2008] {strides = array<i32>} : memref<2048xi32, #tpu.memory_space<vmem>>, vector<16xi32>,
    %get3A_2010 = vector.shape_cast %get3A_2009 : vector<16xi32> to vector<16xi32>
    %lt3A_2011 = arith.constant 0 : i32
    %lt3A_2012 = vector.broadcast %lt3A_2011 : i32 to vector<16xi32>
    %lt3A_2013 = arith.cmpi slt, %get3A_2010, %lt3A_2012 : vector<16xi32>
    %add3A_2014 = arith.constant 16 : i32
    %add3A_2015 = vector.broadcast %add3A_2014 : i32 to vector<16xi32>
    %add3A_2016 = arith.addi %get3A_2010, %add3A_2015 : vector<16xi32>
    %select_n3A_2017 = arith.select %lt3A_2013, %add3A_2016, %get3A_2010 : vector<16xi1>, vector<16xi32>
    %broadcast_in_dim3A_2018 = vector.shape_cast %select_n3A_2017 : vector<16xi32> to vector<16x1xi32>
    %gather3A_2019 = vector.shape_cast %broadcast_in_dim3A_2018 : vector<16x1xi32> to vector<16xi32>
    %gather3A_2020 = tpu.dynamic_gather %get3A_6[%gather3A_2019] in [0] : vector<16xf32>, vector<16xi32> -> vector<16xf32>
    %swap3A_2021 = arith.constant 1888 : index
    %swap3A_2022 = tpu.vector_load %arg7[%swap3A_2021] {strides = array<i32>} : memref<2048xf32, #tpu.memory_space<vmem>>, vector<16xf32>,
    %swap3A_2023 = vector.shape_cast %swap3A_2022 : vector<16xf32> to vector<16xf32>
    %swap3A_2024 = vector.shape_cast %gather3A_2020 : vector<16xf32> to vector<16xf32>
    tpu.vector_store %arg7[%swap3A_2021], %swap3A_2024 {strides = array<i32>} : memref<2048xf32, #tpu.memory_space<vmem>>, vector<16xf32>,
    %get3A_2025 = arith.constant 1904 : index
    %get3A_2026 = tpu.vector_load %arg5[%get3A_2025] {strides = array<i32>} : memref<2048xi32, #tpu.memory_space<vmem>>, vector<16xi32>,
    %get3A_2027 = vector.shape_cast %get3A_2026 : vector<16xi32> to vector<16xi32>
    %lt3A_2028 = arith.constant 0 : i32
    %lt3A_2029 = vector.broadcast %lt3A_2028 : i32 to vector<16xi32>
    %lt3A_2030 = arith.cmpi slt, %get3A_2027, %lt3A_2029 : vector<16xi32>
    %add3A_2031 = arith.constant 16 : i32
    %add3A_2032 = vector.broadcast %add3A_2031 : i32 to vector<16xi32>
    %add3A_2033 = arith.addi %get3A_2027, %add3A_2032 : vector<16xi32>
    %select_n3A_2034 = arith.select %lt3A_2030, %add3A_2033, %get3A_2027 : vector<16xi1>, vector<16xi32>
    %broadcast_in_dim3A_2035 = vector.shape_cast %select_n3A_2034 : vector<16xi32> to vector<16x1xi32>
    %gather3A_2036 = vector.shape_cast %broadcast_in_dim3A_2035 : vector<16x1xi32> to vector<16xi32>
    %gather3A_2037 = tpu.dynamic_gather %get3A_6[%gather3A_2036] in [0] : vector<16xf32>, vector<16xi32> -> vector<16xf32>
    %swap3A_2038 = arith.constant 1904 : index
    %swap3A_2039 = tpu.vector_load %arg7[%swap3A_2038] {strides = array<i32>} : memref<2048xf32, #tpu.memory_space<vmem>>, vector<16xf32>,
    %swap3A_2040 = vector.shape_cast %swap3A_2039 : vector<16xf32> to vector<16xf32>
    %swap3A_2041 = vector.shape_cast %gather3A_2037 : vector<16xf32> to vector<16xf32>
    tpu.vector_store %arg7[%swap3A_2038], %swap3A_2041 {strides = array<i32>} : memref<2048xf32, #tpu.memory_space<vmem>>, vector<16xf32>,
    %get3A_2042 = arith.constant 1920 : index
    %get3A_2043 = tpu.vector_load %arg5[%get3A_2042] {strides = array<i32>} : memref<2048xi32, #tpu.memory_space<vmem>>, vector<16xi32>,
    %get3A_2044 = vector.shape_cast %get3A_2043 : vector<16xi32> to vector<16xi32>
    %lt3A_2045 = arith.constant 0 : i32
    %lt3A_2046 = vector.broadcast %lt3A_2045 : i32 to vector<16xi32>
    %lt3A_2047 = arith.cmpi slt, %get3A_2044, %lt3A_2046 : vector<16xi32>
    %add3A_2048 = arith.constant 16 : i32
    %add3A_2049 = vector.broadcast %add3A_2048 : i32 to vector<16xi32>
    %add3A_2050 = arith.addi %get3A_2044, %add3A_2049 : vector<16xi32>
    %select_n3A_2051 = arith.select %lt3A_2047, %add3A_2050, %get3A_2044 : vector<16xi1>, vector<16xi32>
    %broadcast_in_dim3A_2052 = vector.shape_cast %select_n3A_2051 : vector<16xi32> to vector<16x1xi32>
    %gather3A_2053 = vector.shape_cast %broadcast_in_dim3A_2052 : vector<16x1xi32> to vector<16xi32>
    %gather3A_2054 = tpu.dynamic_gather %get3A_6[%gather3A_2053] in [0] : vector<16xf32>, vector<16xi32> -> vector<16xf32>
    %swap3A_2055 = arith.constant 1920 : index
    %swap3A_2056 = tpu.vector_load %arg7[%swap3A_2055] {strides = array<i32>} : memref<2048xf32, #tpu.memory_space<vmem>>, vector<16xf32>,
    %swap3A_2057 = vector.shape_cast %swap3A_2056 : vector<16xf32> to vector<16xf32>
    %swap3A_2058 = vector.shape_cast %gather3A_2054 : vector<16xf32> to vector<16xf32>
    tpu.vector_store %arg7[%swap3A_2055], %swap3A_2058 {strides = array<i32>} : memref<2048xf32, #tpu.memory_space<vmem>>, vector<16xf32>,
    %get3A_2059 = arith.constant 1936 : index
    %get3A_2060 = tpu.vector_load %arg5[%get3A_2059] {strides = array<i32>} : memref<2048xi32, #tpu.memory_space<vmem>>, vector<16xi32>,
    %get3A_2061 = vector.shape_cast %get3A_2060 : vector<16xi32> to vector<16xi32>
    %lt3A_2062 = arith.constant 0 : i32
    %lt3A_2063 = vector.broadcast %lt3A_2062 : i32 to vector<16xi32>
    %lt3A_2064 = arith.cmpi slt, %get3A_2061, %lt3A_2063 : vector<16xi32>
    %add3A_2065 = arith.constant 16 : i32
    %add3A_2066 = vector.broadcast %add3A_2065 : i32 to vector<16xi32>
    %add3A_2067 = arith.addi %get3A_2061, %add3A_2066 : vector<16xi32>
    %select_n3A_2068 = arith.select %lt3A_2064, %add3A_2067, %get3A_2061 : vector<16xi1>, vector<16xi32>
    %broadcast_in_dim3A_2069 = vector.shape_cast %select_n3A_2068 : vector<16xi32> to vector<16x1xi32>
    %gather3A_2070 = vector.shape_cast %broadcast_in_dim3A_2069 : vector<16x1xi32> to vector<16xi32>
    %gather3A_2071 = tpu.dynamic_gather %get3A_6[%gather3A_2070] in [0] : vector<16xf32>, vector<16xi32> -> vector<16xf32>
    %swap3A_2072 = arith.constant 1936 : index
    %swap3A_2073 = tpu.vector_load %arg7[%swap3A_2072] {strides = array<i32>} : memref<2048xf32, #tpu.memory_space<vmem>>, vector<16xf32>,
    %swap3A_2074 = vector.shape_cast %swap3A_2073 : vector<16xf32> to vector<16xf32>
    %swap3A_2075 = vector.shape_cast %gather3A_2071 : vector<16xf32> to vector<16xf32>
    tpu.vector_store %arg7[%swap3A_2072], %swap3A_2075 {strides = array<i32>} : memref<2048xf32, #tpu.memory_space<vmem>>, vector<16xf32>,
    %get3A_2076 = arith.constant 1952 : index
    %get3A_2077 = tpu.vector_load %arg5[%get3A_2076] {strides = array<i32>} : memref<2048xi32, #tpu.memory_space<vmem>>, vector<16xi32>,
    %get3A_2078 = vector.shape_cast %get3A_2077 : vector<16xi32> to vector<16xi32>
    %lt3A_2079 = arith.constant 0 : i32
    %lt3A_2080 = vector.broadcast %lt3A_2079 : i32 to vector<16xi32>
    %lt3A_2081 = arith.cmpi slt, %get3A_2078, %lt3A_2080 : vector<16xi32>
    %add3A_2082 = arith.constant 16 : i32
    %add3A_2083 = vector.broadcast %add3A_2082 : i32 to vector<16xi32>
    %add3A_2084 = arith.addi %get3A_2078, %add3A_2083 : vector<16xi32>
    %select_n3A_2085 = arith.select %lt3A_2081, %add3A_2084, %get3A_2078 : vector<16xi1>, vector<16xi32>
    %broadcast_in_dim3A_2086 = vector.shape_cast %select_n3A_2085 : vector<16xi32> to vector<16x1xi32>
    %gather3A_2087 = vector.shape_cast %broadcast_in_dim3A_2086 : vector<16x1xi32> to vector<16xi32>
    %gather3A_2088 = tpu.dynamic_gather %get3A_6[%gather3A_2087] in [0] : vector<16xf32>, vector<16xi32> -> vector<16xf32>
    %swap3A_2089 = arith.constant 1952 : index
    %swap3A_2090 = tpu.vector_load %arg7[%swap3A_2089] {strides = array<i32>} : memref<2048xf32, #tpu.memory_space<vmem>>, vector<16xf32>,
    %swap3A_2091 = vector.shape_cast %swap3A_2090 : vector<16xf32> to vector<16xf32>
    %swap3A_2092 = vector.shape_cast %gather3A_2088 : vector<16xf32> to vector<16xf32>
    tpu.vector_store %arg7[%swap3A_2089], %swap3A_2092 {strides = array<i32>} : memref<2048xf32, #tpu.memory_space<vmem>>, vector<16xf32>,
    %get3A_2093 = arith.constant 1968 : index
    %get3A_2094 = tpu.vector_load %arg5[%get3A_2093] {strides = array<i32>} : memref<2048xi32, #tpu.memory_space<vmem>>, vector<16xi32>,
    %get3A_2095 = vector.shape_cast %get3A_2094 : vector<16xi32> to vector<16xi32>
    %lt3A_2096 = arith.constant 0 : i32
    %lt3A_2097 = vector.broadcast %lt3A_2096 : i32 to vector<16xi32>
    %lt3A_2098 = arith.cmpi slt, %get3A_2095, %lt3A_2097 : vector<16xi32>
    %add3A_2099 = arith.constant 16 : i32
    %add3A_2100 = vector.broadcast %add3A_2099 : i32 to vector<16xi32>
    %add3A_2101 = arith.addi %get3A_2095, %add3A_2100 : vector<16xi32>
    %select_n3A_2102 = arith.select %lt3A_2098, %add3A_2101, %get3A_2095 : vector<16xi1>, vector<16xi32>
    %broadcast_in_dim3A_2103 = vector.shape_cast %select_n3A_2102 : vector<16xi32> to vector<16x1xi32>
    %gather3A_2104 = vector.shape_cast %broadcast_in_dim3A_2103 : vector<16x1xi32> to vector<16xi32>
    %gather3A_2105 = tpu.dynamic_gather %get3A_6[%gather3A_2104] in [0] : vector<16xf32>, vector<16xi32> -> vector<16xf32>
    %swap3A_2106 = arith.constant 1968 : index
    %swap3A_2107 = tpu.vector_load %arg7[%swap3A_2106] {strides = array<i32>} : memref<2048xf32, #tpu.memory_space<vmem>>, vector<16xf32>,
    %swap3A_2108 = vector.shape_cast %swap3A_2107 : vector<16xf32> to vector<16xf32>
    %swap3A_2109 = vector.shape_cast %gather3A_2105 : vector<16xf32> to vector<16xf32>
    tpu.vector_store %arg7[%swap3A_2106], %swap3A_2109 {strides = array<i32>} : memref<2048xf32, #tpu.memory_space<vmem>>, vector<16xf32>,
    %get3A_2110 = arith.constant 1984 : index
    %get3A_2111 = tpu.vector_load %arg5[%get3A_2110] {strides = array<i32>} : memref<2048xi32, #tpu.memory_space<vmem>>, vector<16xi32>,
    %get3A_2112 = vector.shape_cast %get3A_2111 : vector<16xi32> to vector<16xi32>
    %lt3A_2113 = arith.constant 0 : i32
    %lt3A_2114 = vector.broadcast %lt3A_2113 : i32 to vector<16xi32>
    %lt3A_2115 = arith.cmpi slt, %get3A_2112, %lt3A_2114 : vector<16xi32>
    %add3A_2116 = arith.constant 16 : i32
    %add3A_2117 = vector.broadcast %add3A_2116 : i32 to vector<16xi32>
    %add3A_2118 = arith.addi %get3A_2112, %add3A_2117 : vector<16xi32>
    %select_n3A_2119 = arith.select %lt3A_2115, %add3A_2118, %get3A_2112 : vector<16xi1>, vector<16xi32>
    %broadcast_in_dim3A_2120 = vector.shape_cast %select_n3A_2119 : vector<16xi32> to vector<16x1xi32>
    %gather3A_2121 = vector.shape_cast %broadcast_in_dim3A_2120 : vector<16x1xi32> to vector<16xi32>
    %gather3A_2122 = tpu.dynamic_gather %get3A_6[%gather3A_2121] in [0] : vector<16xf32>, vector<16xi32> -> vector<16xf32>
    %swap3A_2123 = arith.constant 1984 : index
    %swap3A_2124 = tpu.vector_load %arg7[%swap3A_2123] {strides = array<i32>} : memref<2048xf32, #tpu.memory_space<vmem>>, vector<16xf32>,
    %swap3A_2125 = vector.shape_cast %swap3A_2124 : vector<16xf32> to vector<16xf32>
    %swap3A_2126 = vector.shape_cast %gather3A_2122 : vector<16xf32> to vector<16xf32>
    tpu.vector_store %arg7[%swap3A_2123], %swap3A_2126 {strides = array<i32>} : memref<2048xf32, #tpu.memory_space<vmem>>, vector<16xf32>,
    %get3A_2127 = arith.constant 2000 : index
    %get3A_2128 = tpu.vector_load %arg5[%get3A_2127] {strides = array<i32>} : memref<2048xi32, #tpu.memory_space<vmem>>, vector<16xi32>,
    %get3A_2129 = vector.shape_cast %get3A_2128 : vector<16xi32> to vector<16xi32>
    %lt3A_2130 = arith.constant 0 : i32
    %lt3A_2131 = vector.broadcast %lt3A_2130 : i32 to vector<16xi32>
    %lt3A_2132 = arith.cmpi slt, %get3A_2129, %lt3A_2131 : vector<16xi32>
    %add3A_2133 = arith.constant 16 : i32
    %add3A_2134 = vector.broadcast %add3A_2133 : i32 to vector<16xi32>
    %add3A_2135 = arith.addi %get3A_2129, %add3A_2134 : vector<16xi32>
    %select_n3A_2136 = arith.select %lt3A_2132, %add3A_2135, %get3A_2129 : vector<16xi1>, vector<16xi32>
    %broadcast_in_dim3A_2137 = vector.shape_cast %select_n3A_2136 : vector<16xi32> to vector<16x1xi32>
    %gather3A_2138 = vector.shape_cast %broadcast_in_dim3A_2137 : vector<16x1xi32> to vector<16xi32>
    %gather3A_2139 = tpu.dynamic_gather %get3A_6[%gather3A_2138] in [0] : vector<16xf32>, vector<16xi32> -> vector<16xf32>
    %swap3A_2140 = arith.constant 2000 : index
    %swap3A_2141 = tpu.vector_load %arg7[%swap3A_2140] {strides = array<i32>} : memref<2048xf32, #tpu.memory_space<vmem>>, vector<16xf32>,
    %swap3A_2142 = vector.shape_cast %swap3A_2141 : vector<16xf32> to vector<16xf32>
    %swap3A_2143 = vector.shape_cast %gather3A_2139 : vector<16xf32> to vector<16xf32>
    tpu.vector_store %arg7[%swap3A_2140], %swap3A_2143 {strides = array<i32>} : memref<2048xf32, #tpu.memory_space<vmem>>, vector<16xf32>,
    %get3A_2144 = arith.constant 2016 : index
    %get3A_2145 = tpu.vector_load %arg5[%get3A_2144] {strides = array<i32>} : memref<2048xi32, #tpu.memory_space<vmem>>, vector<16xi32>,
    %get3A_2146 = vector.shape_cast %get3A_2145 : vector<16xi32> to vector<16xi32>
    %lt3A_2147 = arith.constant 0 : i32
    %lt3A_2148 = vector.broadcast %lt3A_2147 : i32 to vector<16xi32>
    %lt3A_2149 = arith.cmpi slt, %get3A_2146, %lt3A_2148 : vector<16xi32>
    %add3A_2150 = arith.constant 16 : i32
    %add3A_2151 = vector.broadcast %add3A_2150 : i32 to vector<16xi32>
    %add3A_2152 = arith.addi %get3A_2146, %add3A_2151 : vector<16xi32>
    %select_n3A_2153 = arith.select %lt3A_2149, %add3A_2152, %get3A_2146 : vector<16xi1>, vector<16xi32>
    %broadcast_in_dim3A_2154 = vector.shape_cast %select_n3A_2153 : vector<16xi32> to vector<16x1xi32>
    %gather3A_2155 = vector.shape_cast %broadcast_in_dim3A_2154 : vector<16x1xi32> to vector<16xi32>
    %gather3A_2156 = tpu.dynamic_gather %get3A_6[%gather3A_2155] in [0] : vector<16xf32>, vector<16xi32> -> vector<16xf32>
    %swap3A_2157 = arith.constant 2016 : index
    %swap3A_2158 = tpu.vector_load %arg7[%swap3A_2157] {strides = array<i32>} : memref<2048xf32, #tpu.memory_space<vmem>>, vector<16xf32>,
    %swap3A_2159 = vector.shape_cast %swap3A_2158 : vector<16xf32> to vector<16xf32>
    %swap3A_2160 = vector.shape_cast %gather3A_2156 : vector<16xf32> to vector<16xf32>
    tpu.vector_store %arg7[%swap3A_2157], %swap3A_2160 {strides = array<i32>} : memref<2048xf32, #tpu.memory_space<vmem>>, vector<16xf32>,
    %get3A_2161 = arith.constant 2032 : index
    %get3A_2162 = tpu.vector_load %arg5[%get3A_2161] {strides = array<i32>} : memref<2048xi32, #tpu.memory_space<vmem>>, vector<16xi32>,
    %get3A_2163 = vector.shape_cast %get3A_2162 : vector<16xi32> to vector<16xi32>
    %lt3A_2164 = arith.constant 0 : i32
    %lt3A_2165 = vector.broadcast %lt3A_2164 : i32 to vector<16xi32>
    %lt3A_2166 = arith.cmpi slt, %get3A_2163, %lt3A_2165 : vector<16xi32>
    %add3A_2167 = arith.constant 16 : i32
    %add3A_2168 = vector.broadcast %add3A_2167 : i32 to vector<16xi32>
    %add3A_2169 = arith.addi %get3A_2163, %add3A_2168 : vector<16xi32>
    %select_n3A_2170 = arith.select %lt3A_2166, %add3A_2169, %get3A_2163 : vector<16xi1>, vector<16xi32>
    %broadcast_in_dim3A_2171 = vector.shape_cast %select_n3A_2170 : vector<16xi32> to vector<16x1xi32>
    %gather3A_2172 = vector.shape_cast %broadcast_in_dim3A_2171 : vector<16x1xi32> to vector<16xi32>
    %gather3A_2173 = tpu.dynamic_gather %get3A_6[%gather3A_2172] in [0] : vector<16xf32>, vector<16xi32> -> vector<16xf32>
    %swap3A_2174 = arith.constant 2032 : index
    %swap3A_2175 = tpu.vector_load %arg7[%swap3A_2174] {strides = array<i32>} : memref<2048xf32, #tpu.memory_space<vmem>>, vector<16xf32>,
    %swap3A_2176 = vector.shape_cast %swap3A_2175 : vector<16xf32> to vector<16xf32>
    %swap3A_2177 = vector.shape_cast %gather3A_2173 : vector<16xf32> to vector<16xf32>
    tpu.vector_store %arg7[%swap3A_2174], %swap3A_2177 {strides = array<i32>} : memref<2048xf32, #tpu.memory_space<vmem>>, vector<16xf32>,
    "tpu.region"() ({
      %run_scoped3A = tpu.sem_alloc : memref<!tpu.dma_semaphore, #tpu.memory_space<semaphore_mem>>
      %dma_start3A_2178 = tpu.memref_slice %arg4[%mul3A_2] : memref<16384xf32, #tpu.memory_space<hbm>> -> memref<2048xf32, #tpu.memory_space<hbm>>
      %dma_start3A_2179 = tpu.memref_slice %arg4[%mul3A_2] : memref<16384xf32, #tpu.memory_space<hbm>> -> memref<2048xf32, #tpu.memory_space<hbm>>
      tpu.enqueue_dma source(%arg7 : memref<2048xf32, #tpu.memory_space<vmem>>) target(%dma_start3A_2179 : memref<2048xf32, #tpu.memory_space<hbm>>) target_semaphore(%run_scoped3A : memref<!tpu.dma_semaphore, #tpu.memory_space<semaphore_mem>>)
      %dma_wait3A_2180 = tpu.memref_slice %arg4[%mul3A_2] : memref<16384xf32, #tpu.memory_space<hbm>> -> memref<2048xf32, #tpu.memory_space<hbm>>
      %dma_wait3A_2181 = tpu.memref_slice %arg4[%mul3A_2] : memref<16384xf32, #tpu.memory_space<hbm>> -> memref<2048xf32, #tpu.memory_space<hbm>>
      tpu.wait_dma2 semaphore(%run_scoped3A : memref<!tpu.dma_semaphore, #tpu.memory_space<semaphore_mem>>) src(%arg7 : memref<2048xf32, #tpu.memory_space<vmem>>) dst(%dma_wait3A_2181 : memref<2048xf32, #tpu.memory_space<hbm>>)
      tpu.yield
    }) : () -> ()
    return
  }
}

</mosaic_0001>

<sc_bundles>
// kernel: kernel.3.cloned.1.call-start
scs
__scs_entry_jumppad:
0x0: {  	(pc) =	sbr.rel $0x88, $3  }
0x1: {  	(tag) =	ssettag $0x0;
	lr =	simm.s32 $0x1  }
0x2: {  	[smem:$0x3F9F] =	sst lr;
	_ =	strace $0xD0000000  }
0x3: {  	_ = 	snop  }
0x4: {  	_ = 	snop  }
0x5: {  	_ = 	snop  }
0x6: {  	_ = 	snop  }
0x7: {  	_ = 	snop  }
__scs_overlays_trampoline_lowered:
0x8: {  	[smem:$0x3FAE] =	sst s0  }
0x9: {  	[smem:$0x3FAF] =	sst s1  }
0xa: {  	[smem:$0x3FB0] =	sst s2  }
0xb: {  	[smem:$0x3FB1] =	sst s3  }
0xc: {  	[smem:$0x3FB2] =	sst s4  }
0xd: {  	[smem:$0x3FB3] =	sst s5  }
0xe: {  	[smem:$0x3FB4] =	sst s6  }
0xf: {  	[smem:$0x3FB5] =	sst s7  }
0x10: {  	[smem:$0x3FB6] =	sst s8  }
0x11: {  	[smem:$0x3FB7] =	sst s9;
	s0 =	simm.s32 @!p0 $0x0  }
0x12: {  	s1 =	sld [smem:$0x3F9D];
	s0 =	simm.s32 @p0 $0x1  }
0x13: {  	[smem:$0x3FB8] =	sst s0;
	s0 =	simm.s32 @!p1 $0x0  }
0x14: {  	s2 =	sld [smem:$0x3F9C];
	s0 =	simm.s32 @p1 $0x1  }
0x15: {  	[smem:$0x3FB9] =	sst s0;
	s0 =	simm.s32 @!p2 $0x0  }
0x16: {  	s3 =	sld [smem:$0x3FDB];
	s0 =	simm.s32 @p2 $0x1  }
0x17: {  	s4 =	simm.s32 $0x1BF5;
	[smem:$0x3FBB] =	sst s0  }
0x18: {  	s0 =	sld [smem:$0x3F9E];
	_ =	swait.ge [sflag:s4], $0x0  }
0x19: {  	s7 =	sld [smem:$0x3F9F]  }
0x1a: {  	s8 =	sadd.s32 $0xFFFFE003, lr  }
0x1b: {  	s9 =	sadd.s32 $0xFFFFFEF7, lr;
	s5 =	simm.s32 $0xFFFFFFFF;
	p2 =	slt.u32 s8, $0xFFFFF086  }
0x1c: {  	p1 =	slt.u32 s9, $0xF7A;
	s5 =	simm.s32 @!p2 $0x0  }
0x1d: {  	s5 =	simm.s32 @p1 $0x1;
	p0 =	seq.s32 s7, s2  }
0x1e: {  	s7 =	smul.u32 @!p0 $0xF7A, s2;
	p2 =	seq.s32 @!p0 s5, $0x0  }
0x1f: {  	s9 =	smul.u32 $0xF7A, s1;
	s8 =	simm.s32 @!p0 $0x1BF5;
	p2 =	por !p2, p0  }
0x20: {  	[sflag:s8] =	ssyncset.s32 @!p0 $0xFFFFF086;
	s6 =	sadd.s32 @!p0 s3, s7;
	s7 =	simm.s32 @!p0 $0x108  }
0x21: {  	s3 =	sadd.s32 s3, s9;
	s6 =	sadd.s32 @!p0 $0x88, s6;
	s7 =	simm.s32 @p2 $0x1082  }
0x22: {  	[simem:s7], [sflag:s8] =	dma.local @!p0 [hbm:s6], $0xF7A  }
0x23: {  	s9 =	sor.u32 $0xD0000000, s2;
	s6 =	simm.s32 $0x108;
	_ =	swait.ge @!p0 [sflag:s8], $0x0  }
0x24: {  	s3 =	sadd.s32 $0x88, s3;
	s6 =	simm.s32 @!p1 $0x1082;
	[sflag:s4] =	ssyncset.s32 $0xFFFFF086  }
0x25: {  	[simem:s6], [sflag:s4] =	dma.local [hbm:s3], $0xF7A  }
0x26: {  	[smem:$0x3F9F] =	sst s1;
	(tag) =	ssettag s2;
	_ =	strace s9  }
0x27: {  	s1 =	sld [smem:$0x3FAF]  }
0x28: {  	s2 =	sld [smem:$0x3FB0]  }
0x29: {  	s4 =	sld [smem:$0x3FB2]  }
0x2a: {  	p0 =	seq.s32 s5, $0x0;
	s5 =	sld [smem:$0x3FB3]  }
0x2b: {  	s6 =	sld [smem:$0x3FB4]  }
0x2c: {  	s7 =	sld [smem:$0x3FB5]  }
0x2d: {  	s3 =	simm.s32 $0x108;
	s8 =	sld [smem:$0x3FB6]  }
0x2e: {  	s3 =	simm.s32 @!p0 $0x1082;
	s9 =	sld [smem:$0x3FB7]  }
0x2f: {  	lr =	sadd.s32 s0, s3;
	s0 =	sld [smem:$0x3FAE]  }
0x30: {  	s3 =	sld [smem:$0x3FB1]  }
0x31: {  	[smem:$0x3FBA] =	sst s10  }
0x32: {  	s10 =	sld [smem:$0x3FB8];
	_ =	sdelay $0x3  }
0x33: {  	p0 =	seq.s32 s10, $0x1;
	s10 =	sld [smem:$0x3FBA];
	_ =	sdelay $0x3  }
0x34: {  	[smem:$0x3FBA] =	sst s10  }
0x35: {  	s10 =	sld [smem:$0x3FB9];
	_ =	sdelay $0x3  }
0x36: {  	p1 =	seq.s32 s10, $0x1;
	s10 =	sld [smem:$0x3FBA];
	_ =	sdelay $0x3  }
0x37: {  	[smem:$0x3FBA] =	sst s10  }
0x38: {  	s10 =	sld [smem:$0x3FBB]  }
0x39: {  	_ = 	snop;
	(pc) =	sbr.ind lr, $3  }
0x3a: {  	_ = 	snop  }
0x3b: {  	_ = 	snop  }
0x3c: {  	p2 =	seq.s32 s10, $0x1;
	s10 =	sld [smem:$0x3FBA]  }
0x3d: {  	_ =	shalt  }
0x3e: {  	_ =	shalt  }
0x3f: {  	_ =	shalt  }
0x40: {  	_ =	shalt  }
0x41: {  	_ =	shalt  }
0x42: {  	_ =	shalt  }
0x43: {  	_ =	shalt  }
0x44: {  	_ =	shalt  }
0x45: {  	_ =	shalt  }
0x46: {  	_ =	shalt  }
0x47: {  	_ =	shalt  }
0x48: {  	_ =	shalt  }
0x49: {  	_ =	shalt  }
0x4a: {  	_ =	shalt  }
0x4b: {  	_ =	shalt  }
0x4c: {  	_ =	shalt  }
0x4d: {  	_ =	shalt  }
0x4e: {  	_ =	shalt  }
0x4f: {  	_ =	shalt  }
0x50: {  	_ =	shalt  }
0x51: {  	_ =	shalt  }
0x52: {  	_ =	shalt  }
0x53: {  	_ =	shalt  }
0x54: {  	_ =	shalt  }
0x55: {  	_ =	shalt  }
0x56: {  	_ =	shalt  }
0x57: {  	_ =	shalt  }
0x58: {  	_ =	shalt  }
0x59: {  	_ =	shalt  }
0x5a: {  	_ =	shalt  }
0x5b: {  	_ =	shalt  }
0x5c: {  	_ =	shalt  }
0x5d: {  	_ =	shalt  }
0x5e: {  	_ =	shalt  }
0x5f: {  	_ =	shalt  }
0x60: {  	_ =	shalt  }
0x61: {  	_ =	shalt  }
0x62: {  	_ =	shalt  }
0x63: {  	_ =	shalt  }
0x64: {  	_ =	shalt  }
0x65: {  	_ =	shalt  }
0x66: {  	_ =	shalt  }
0x67: {  	_ =	shalt  }
0x68: {  	_ =	shalt  }
0x69: {  	_ =	shalt  }
0x6a: {  	_ =	shalt  }
0x6b: {  	_ =	shalt  }
0x6c: {  	_ =	shalt  }
0x6d: {  	_ =	shalt  }
0x6e: {  	_ =	shalt  }
0x6f: {  	_ =	shalt  }
0x70: {  	_ =	shalt  }
0x71: {  	_ =	shalt  }
0x72: {  	_ =	shalt  }
0x73: {  	_ =	shalt  }
0x74: {  	_ =	shalt  }
0x75: {  	_ =	shalt  }
0x76: {  	_ =	shalt  }
0x77: {  	_ =	shalt  }
0x78: {  	_ =	shalt  }
0x79: {  	_ =	shalt  }
0x7a: {  	_ =	shalt  }
0x7b: {  	_ =	shalt  }
0x7c: {  	_ =	shalt  }
0x7d: {  	_ =	shalt  }
0x7e: {  	_ =	shalt  }
0x7f: {  	_ =	shalt  }
0x80: {  	_ =	shalt  }
0x81: {  	_ =	shalt  }
0x82: {  	_ =	shalt  }
0x83: {  	_ =	shalt  }
0x84: {  	_ =	shalt  }
0x85: {  	_ =	shalt  }
0x86: {  	_ =	shalt  }
0x87: {  	_ =	shalt  }
.Lfunc_end0:
.L_simem_size_0:
called_computation_lowered:
.L_overlay_start_0:
0x88: {  	s0 =	sld [smem:$0x3FD9]  }
0x89: {  	s1 =	sld [smem:$0x3FFE];
	_ =	sdelay $0x3  }
0x8a: {  	s0 =	sadd.s32 s1, s0  }
0x8b: {  	[smem:$0x3FC6] =	sst s0  }
0x8c: {  	_ = 	snop  }
0x8d: {  	s0 =	sld [smem:$0x3FC9]  }
0x8e: {  	s16 =	sld [smem:$0x3FD0];
	(tm) =	ssettm $0x1  }
0x8f: {  	s2 =	sld [smem:$0x3FFB];
	_ =	sdelay $0x3  }
0x90: {  	_ =	strace s2  }
0x91: {  	s2 =	sld [smem:$0x3FFC];
	_ =	sdelay $0x3  }
0x92: {  	_ =	strace s2  }
0x93: {  	s2 =	sld [smem:$0x3FFD];
	_ =	sdelay $0x3  }
0x94: {  	_ =	strace s2  }
0x95: {  	_ =	strace $0x8FFFFFFF  }
0x96: {  	s17 =	sld [smem:$0x3FDB];
	_ =	sdelay $0x1  }
0x97: {  	s3 =	simm.s32 $_scs_section_size  }
0x98: {  	s4 =	simm.s32 $_size__tile_overlayer_lowered;
	s5 =	simm.s32 $_tile_overlayer_lowered  }
0x99: {  	s20 =	simm.s32 $0x1BFF;
	s19 =	sshll.u32 s5, $0x1;
	s2 =	sadd.s32 s3, s17  }
0x9a: {  	s6 =	simm.s32 $0x0;
	s18 =	sshll.u32 s4, $0x1;
	s4 =	sadd.s32 s19, s2  }
0x9b: {  	[timem:s6], [sflag:s20] =	dma.local [hbm:s4], s18  }
0x9c: {  	_ =	swait.ge [sflag:s20], s18  }
0x9d: {  	s3 =	ssub.s32 $0x0, s18;
	[sflag:s20] =	ssyncset.done $0x0  }
0x9e: {  	[sflag:s20] =	ssyncadd.s32 s3;
	_ =	sdelay $0x1  }
0x9f: {  	s21 =	simm.s32 $0x1B8B  }
0xa0: {  	_ =	swait.ge [sflag:s21], $0x1  }
0xa1: {  	[sflag:s21] =	ssyncset.done $0x0  }
0xa2: {  	s23 =	simm.s32 $0x1B8E;
	s22 =	sld [smem:$0x3FFE];
	[sflag:s21] =	ssyncadd.s32 $0xFFFFFFFF  }
0xa3: {  	s24 =	simm.s32 $execute0_lowered;
	[smem:$0x3FD2] =	sst s23  }
0xa4: {  	s4 =	sshll.u32 s24, $0x1;
	_ =	strace $0x80000046;
	[dreg:$0x1] =	wrdreg $0xFFFFFFFF  }
0xa5: {  	s25 =	simm.s32 $_size_execute0_lowered;
	s2 =	sadd.s32 s2, s4;
	[dreg:$0x0] =	wrdreg $0x0  }
0xa6: {  	s4 =	sshll.u32 s25, $0x1;
	[dreg:$0x2] =	wrdreg s2  }
0xa7: {  	[dreg:$0x3] =	wrdreg s4  }
0xa8: {  	[dreg:$0x4] =	wrdreg $0xC0  }
0xa9: {  	_ =	task [dreg:s6], $0x5FFFF  }
0xaa: {  	[dreg:$0x1] =	wrdreg $0xFFFFFFFF  }
0xab: {  	[dreg:$0x0] =	wrdreg $0x60  }
0xac: {  	[dreg:$0x2] =	wrdreg s0  }
0xad: {  	[dreg:$0x3] =	wrdreg s22  }
0xae: {  	[dreg:$0x4] =	wrdreg s16  }
0xaf: {  	[dreg:$0x5] =	wrdreg $0x9  }
0xb0: {  	_ =	task.clear_ibuf [dreg:s6], $0x6FFFF;
	_ =	strace $0x90000046  }
0xb1: {  	s26 =	simm.s32 $0x9;
	_ =	strace $0x80000048  }
0xb2: {  	_ =	swait.ge [sflag:s26], $0x1  }
0xb3: {  	[sflag:s26] =	ssyncadd.s32 $0xFFFFFFFF  }
0xb4: {  	_ =	strace $0x90000048  }
0xb5: {  	_ =	sfence  }
0xb6: {  	s28 =	sld [smem:$0x0];
	_ =	sdelay $0x1  }
0xb7: {  	s29 =	srdreg.scid  }
0xb8: {  	s30 =	sshll.u32 s29, $0xD;
	s31 =	sshrl.u32 s29, $0x2  }
0xb9: {  	s1 =	sand.u32 $0x1, s29;
	s2 =	sand.u32 $0x4000, s30;
	s0 =	sadd.s32 s31, s28  }
0xba: {  	s1 =	sor.u32 s2, s1;
	s0 =	sshll.u32 s0, $0x11  }
0xbb: {  	s0 =	sor.u32 s0, s1  }
0xbc: {  	s0 =	sadd.s32 $0x8F2B, s0  }
0xbd: {  	[sflag:s0] =	ssyncadd.remote.s32 $0x1  }
0xbe: {  	_ =	sfence.sel $0xFFFF  }
0xbf: {  	[dreg:$0x0] =	wrdreg $0xFFFFFFFF;
	(pc) =	sbr.abs _section_cstart, $3  }
0xc0: {  	[dreg:$0x1] =	wrdreg $0xFFFFFFFF  }
0xc1: {  	_ =	task.clear_ibuf [dreg:s6], $0x2FFFF;
	_ =	strace $0x9FFFFFFF  }
0xc2: {  	(tm) =	ssettm $0x7FFFFFFF  }
0xc3: {  	_ =	shalt  }
tec
execute0_lowered:
.L_overlay_start_1:
0x0: {  	(tag) =	ssettag $0x1  }
0x1: {  	s1 =	stileid.u32  }
0x2: {  	p0 =	sgt.u32 s1, $0x7  }
.Ltmp0:
0x3: {  	s5 =	rddreg [dreg:$0x0];
	(pc) =	sbr.rel @p0 .LBB2_2-.Ltmp0, $4  }
0x4: {  	s4 =	rddreg [dreg:$0x1]  }
0x5: {  	s3 =	rddreg [dreg:$0x2];
	s2 =	simm.s32 $0x0  }
0x6: {  	[smem:$0x7FF] =	sst s2  }
0x7: {  	s0 =	rddreg [dreg:$0x3];
	_ =	strace $0x80000047  }
0x8: {  	s4 =	sadd.s32 $0x600, s4;
	s6 =	simm.s32 $0x800;
	s26 =	sshll.u32 s1, $0x8  }
0x9: {  	[tilespmem:s6], [sflag:$0x1] =	stream.linear.gather [hbm4b:s4+s2], $0x80, $0x38;
	[tilespmem:$0x1080] =	vst v63  }
0xa: {  	s28 =	simm.s32 $0x1;
	s5 =	sadd.s32 s5, s26  }
0xb: {  	[tilespmem:s2], [sflag:$0x2] =	stream.linear.gather [hbm4b:s5+s2], $0x800, $0x38;
	[tilespmem:$0x1080] =	vst v63  }
0xc: {  	_ =	swait.ge [sflag:s28], $0x80  }
0xd: {  	[sflag:s28] =	ssyncset.done $0x0  }
0xe: {  	s29 =	simm.s32 $0x2;
	[sflag:s28] =	ssyncadd.s32 $0xFFFFFF80  }
0xf: {  	_ =	swait.ge [sflag:s29], $0x800  }
0x10: {  	[sflag:s29] =	ssyncset.done $0x0  }
0x11: {  	[sflag:s29] =	ssyncadd.s32 $0xFFFFF800  }
0x12: {  	v0 =	vld [tilespmem:$0x800]  }
0x13: {  	v1 =	vld [tilespmem:$0x0]  }
0x14: {  	v2 =	vld [tilespmem:$0x10]  }
0x15: {  	v3 =	vld [tilespmem:$0x20]  }
0x16: {  	v4 =	vld [tilespmem:$0x30]  }
0x17: {  	v5 =	vld [tilespmem:$0x40]  }
0x18: {  	v6 =	vld [tilespmem:$0x50];
	v1 =	vperm.xlane v0, v1  }
0x19: {  	v7 =	vld [tilespmem:$0x60];
	v2 =	vperm.xlane v0, v2  }
0x1a: {  	v40 =	vld [tilespmem:$0x70];
	v39 =	vperm.xlane v0, v3;
	[tilespmem:$0x880] =	vst v1  }
0x1b: {  	v42 =	vld [tilespmem:$0x80];
	v41 =	vperm.xlane v0, v4;
	[tilespmem:$0x890] =	vst v2  }
0x1c: {  	v44 =	vld [tilespmem:$0x90];
	v43 =	vperm.xlane v0, v5;
	[tilespmem:$0x8A0] =	vst v39  }
0x1d: {  	v46 =	vld [tilespmem:$0xA0];
	v45 =	vperm.xlane v0, v6;
	[tilespmem:$0x8B0] =	vst v41  }
0x1e: {  	v48 =	vld [tilespmem:$0xB0];
	v47 =	vperm.xlane v0, v7;
	[tilespmem:$0x8C0] =	vst v43  }
0x1f: {  	v50 =	vld [tilespmem:$0xC0];
	v49 =	vperm.xlane v0, v40;
	[tilespmem:$0x8D0] =	vst v45  }
0x20: {  	v52 =	vld [tilespmem:$0xD0];
	v51 =	vperm.xlane v0, v42;
	[tilespmem:$0x8E0] =	vst v47  }
0x21: {  	v54 =	vld [tilespmem:$0xE0];
	v53 =	vperm.xlane v0, v44;
	[tilespmem:$0x8F0] =	vst v49  }
0x22: {  	v56 =	vld [tilespmem:$0xF0];
	v55 =	vperm.xlane v0, v46;
	[tilespmem:$0x900] =	vst v51  }
0x23: {  	v58 =	vld [tilespmem:$0x100];
	v57 =	vperm.xlane v0, v48;
	[tilespmem:$0x910] =	vst v53  }
0x24: {  	v60 =	vld [tilespmem:$0x110];
	v59 =	vperm.xlane v0, v50;
	[tilespmem:$0x920] =	vst v55  }
0x25: {  	v62 =	vld [tilespmem:$0x120];
	v61 =	vperm.xlane v0, v52;
	[tilespmem:$0x930] =	vst v57  }
0x26: {  	v9 =	vld [tilespmem:$0x130];
	v63 =	vperm.xlane v0, v54;
	[tilespmem:$0x940] =	vst v59  }
0x27: {  	v11 =	vld [tilespmem:$0x140];
	v10 =	vperm.xlane v0, v56;
	[tilespmem:$0x950] =	vst v61  }
0x28: {  	v13 =	vld [tilespmem:$0x150];
	v12 =	vperm.xlane v0, v58;
	[tilespmem:$0x960] =	vst v63  }
0x29: {  	v15 =	vld [tilespmem:$0x160];
	v14 =	vperm.xlane v0, v60;
	[tilespmem:$0x970] =	vst v10  }
0x2a: {  	v17 =	vld [tilespmem:$0x170];
	v16 =	vperm.xlane v0, v62;
	[tilespmem:$0x980] =	vst v12  }
0x2b: {  	v19 =	vld [tilespmem:$0x180];
	v18 =	vperm.xlane v0, v9;
	[tilespmem:$0x990] =	vst v14  }
0x2c: {  	v21 =	vld [tilespmem:$0x190];
	v20 =	vperm.xlane v0, v11;
	[tilespmem:$0x9A0] =	vst v16  }
0x2d: {  	v23 =	vld [tilespmem:$0x1A0];
	v22 =	vperm.xlane v0, v13;
	[tilespmem:$0x9B0] =	vst v18  }
0x2e: {  	v25 =	vld [tilespmem:$0x1B0];
	v24 =	vperm.xlane v0, v15;
	[tilespmem:$0x9C0] =	vst v20  }
0x2f: {  	v27 =	vld [tilespmem:$0x1C0];
	v26 =	vperm.xlane v0, v17;
	[tilespmem:$0x9D0] =	vst v22  }
0x30: {  	v29 =	vld [tilespmem:$0x1D0];
	v28 =	vperm.xlane v0, v19;
	[tilespmem:$0x9E0] =	vst v24  }
0x31: {  	v31 =	vld [tilespmem:$0x1E0];
	v30 =	vperm.xlane v0, v21;
	[tilespmem:$0x9F0] =	vst v26  }
0x32: {  	v33 =	vld [tilespmem:$0x1F0];
	v32 =	vperm.xlane v0, v23;
	[tilespmem:$0xA00] =	vst v28  }
0x33: {  	v35 =	vld [tilespmem:$0x200];
	v34 =	vperm.xlane v0, v25;
	[tilespmem:$0xA10] =	vst v30  }
0x34: {  	v37 =	vld [tilespmem:$0x210];
	v36 =	vperm.xlane v0, v27;
	[tilespmem:$0xA20] =	vst v32  }
0x35: {  	v38 =	vperm.xlane v0, v29;
	[tilespmem:$0xA30] =	vst v34;
	v39 =	vld [tilespmem:$0x220]  }
0x36: {  	v40 =	vperm.xlane v0, v31;
	[tilespmem:$0xA40] =	vst v36;
	v41 =	vld [tilespmem:$0x230]  }
0x37: {  	v42 =	vperm.xlane v0, v33;
	[tilespmem:$0xA50] =	vst v38;
	v43 =	vld [tilespmem:$0x240]  }
0x38: {  	v44 =	vperm.xlane v0, v35;
	[tilespmem:$0xA60] =	vst v40;
	v45 =	vld [tilespmem:$0x250]  }
0x39: {  	v46 =	vperm.xlane v0, v37;
	[tilespmem:$0xA70] =	vst v42;
	v47 =	vld [tilespmem:$0x260]  }
0x3a: {  	[tilespmem:$0xA80] =	vst v44;
	v49 =	vld [tilespmem:$0x270];
	v48 =	vperm.xlane v0, v39  }
0x3b: {  	[tilespmem:$0xA90] =	vst v46;
	v51 =	vld [tilespmem:$0x280];
	v50 =	vperm.xlane v0, v41  }
0x3c: {  	v53 =	vld [tilespmem:$0x290];
	v52 =	vperm.xlane v0, v43;
	[tilespmem:$0xAA0] =	vst v48  }
0x3d: {  	v55 =	vld [tilespmem:$0x2A0];
	v54 =	vperm.xlane v0, v45;
	[tilespmem:$0xAB0] =	vst v50  }
0x3e: {  	v57 =	vld [tilespmem:$0x2B0];
	v56 =	vperm.xlane v0, v47;
	[tilespmem:$0xAC0] =	vst v52  }
0x3f: {  	v59 =	vld [tilespmem:$0x2C0];
	v58 =	vperm.xlane v0, v49;
	[tilespmem:$0xAD0] =	vst v54  }
0x40: {  	v61 =	vld [tilespmem:$0x2D0];
	v60 =	vperm.xlane v0, v51;
	[tilespmem:$0xAE0] =	vst v56  }
0x41: {  	v63 =	vld [tilespmem:$0x2E0];
	v62 =	vperm.xlane v0, v53;
	[tilespmem:$0xAF0] =	vst v58  }
0x42: {  	v10 =	vld [tilespmem:$0x2F0];
	v9 =	vperm.xlane v0, v55;
	[tilespmem:$0xB00] =	vst v60  }
0x43: {  	v12 =	vld [tilespmem:$0x300];
	v11 =	vperm.xlane v0, v57;
	[tilespmem:$0xB10] =	vst v62  }
0x44: {  	v14 =	vld [tilespmem:$0x310];
	v13 =	vperm.xlane v0, v59;
	[tilespmem:$0xB20] =	vst v9  }
0x45: {  	v16 =	vld [tilespmem:$0x320];
	v15 =	vperm.xlane v0, v61;
	[tilespmem:$0xB30] =	vst v11  }
0x46: {  	v18 =	vld [tilespmem:$0x330];
	v17 =	vperm.xlane v0, v63;
	[tilespmem:$0xB40] =	vst v13  }
0x47: {  	v20 =	vld [tilespmem:$0x340];
	v19 =	vperm.xlane v0, v10;
	[tilespmem:$0xB50] =	vst v15  }
0x48: {  	v22 =	vld [tilespmem:$0x350];
	v21 =	vperm.xlane v0, v12;
	[tilespmem:$0xB60] =	vst v17  }
0x49: {  	v24 =	vld [tilespmem:$0x360];
	v23 =	vperm.xlane v0, v14;
	[tilespmem:$0xB70] =	vst v19  }
0x4a: {  	v26 =	vld [tilespmem:$0x370];
	v25 =	vperm.xlane v0, v16;
	[tilespmem:$0xB80] =	vst v21  }
0x4b: {  	v28 =	vld [tilespmem:$0x380];
	v27 =	vperm.xlane v0, v18;
	[tilespmem:$0xB90] =	vst v23  }
0x4c: {  	v30 =	vld [tilespmem:$0x390];
	v29 =	vperm.xlane v0, v20;
	[tilespmem:$0xBA0] =	vst v25  }
0x4d: {  	v32 =	vld [tilespmem:$0x3A0];
	v31 =	vperm.xlane v0, v22;
	[tilespmem:$0xBB0] =	vst v27  }
0x4e: {  	v34 =	vld [tilespmem:$0x3B0];
	v33 =	vperm.xlane v0, v24;
	[tilespmem:$0xBC0] =	vst v29  }
0x4f: {  	v36 =	vld [tilespmem:$0x3C0];
	v35 =	vperm.xlane v0, v26;
	[tilespmem:$0xBD0] =	vst v31  }
0x50: {  	v38 =	vld [tilespmem:$0x3D0];
	v37 =	vperm.xlane v0, v28;
	[tilespmem:$0xBE0] =	vst v33  }
0x51: {  	v40 =	vld [tilespmem:$0x3E0];
	v39 =	vperm.xlane v0, v30;
	[tilespmem:$0xBF0] =	vst v35  }
0x52: {  	v42 =	vld [tilespmem:$0x3F0];
	v41 =	vperm.xlane v0, v32;
	[tilespmem:$0xC00] =	vst v37  }
0x53: {  	v44 =	vld [tilespmem:$0x400];
	v43 =	vperm.xlane v0, v34;
	[tilespmem:$0xC10] =	vst v39  }
0x54: {  	v46 =	vld [tilespmem:$0x410];
	v45 =	vperm.xlane v0, v36;
	[tilespmem:$0xC20] =	vst v41  }
0x55: {  	v47 =	vperm.xlane v0, v38;
	[tilespmem:$0xC30] =	vst v43;
	v48 =	vld [tilespmem:$0x420]  }
0x56: {  	v49 =	vperm.xlane v0, v40;
	[tilespmem:$0xC40] =	vst v45;
	v50 =	vld [tilespmem:$0x430]  }
0x57: {  	v51 =	vperm.xlane v0, v42;
	[tilespmem:$0xC50] =	vst v47;
	v52 =	vld [tilespmem:$0x440]  }
0x58: {  	v53 =	vperm.xlane v0, v44;
	[tilespmem:$0xC60] =	vst v49;
	v54 =	vld [tilespmem:$0x450]  }
0x59: {  	v55 =	vperm.xlane v0, v46;
	[tilespmem:$0xC70] =	vst v51;
	v56 =	vld [tilespmem:$0x460]  }
0x5a: {  	[tilespmem:$0xC80] =	vst v53;
	v58 =	vld [tilespmem:$0x470];
	v57 =	vperm.xlane v0, v48  }
0x5b: {  	[tilespmem:$0xC90] =	vst v55;
	v60 =	vld [tilespmem:$0x480];
	v59 =	vperm.xlane v0, v50  }
0x5c: {  	v62 =	vld [tilespmem:$0x490];
	v61 =	vperm.xlane v0, v52;
	[tilespmem:$0xCA0] =	vst v57  }
0x5d: {  	v9 =	vld [tilespmem:$0x4A0];
	v63 =	vperm.xlane v0, v54;
	[tilespmem:$0xCB0] =	vst v59  }
0x5e: {  	v11 =	vld [tilespmem:$0x4B0];
	v10 =	vperm.xlane v0, v56;
	[tilespmem:$0xCC0] =	vst v61  }
0x5f: {  	v13 =	vld [tilespmem:$0x4C0];
	v12 =	vperm.xlane v0, v58;
	[tilespmem:$0xCD0] =	vst v63  }
0x60: {  	v15 =	vld [tilespmem:$0x4D0];
	v14 =	vperm.xlane v0, v60;
	[tilespmem:$0xCE0] =	vst v10  }
0x61: {  	v17 =	vld [tilespmem:$0x4E0];
	v16 =	vperm.xlane v0, v62;
	[tilespmem:$0xCF0] =	vst v12  }
0x62: {  	v19 =	vld [tilespmem:$0x4F0];
	v18 =	vperm.xlane v0, v9;
	[tilespmem:$0xD00] =	vst v14  }
0x63: {  	v21 =	vld [tilespmem:$0x500];
	v20 =	vperm.xlane v0, v11;
	[tilespmem:$0xD10] =	vst v16  }
0x64: {  	v23 =	vld [tilespmem:$0x510];
	v22 =	vperm.xlane v0, v13;
	[tilespmem:$0xD20] =	vst v18  }
0x65: {  	v25 =	vld [tilespmem:$0x520];
	v24 =	vperm.xlane v0, v15;
	[tilespmem:$0xD30] =	vst v20  }
0x66: {  	v27 =	vld [tilespmem:$0x530];
	v26 =	vperm.xlane v0, v17;
	[tilespmem:$0xD40] =	vst v22  }
0x67: {  	v29 =	vld [tilespmem:$0x540];
	v28 =	vperm.xlane v0, v19;
	[tilespmem:$0xD50] =	vst v24  }
0x68: {  	v31 =	vld [tilespmem:$0x550];
	v30 =	vperm.xlane v0, v21;
	[tilespmem:$0xD60] =	vst v26  }
0x69: {  	v33 =	vld [tilespmem:$0x560];
	v32 =	vperm.xlane v0, v23;
	[tilespmem:$0xD70] =	vst v28  }
0x6a: {  	v35 =	vld [tilespmem:$0x570];
	v34 =	vperm.xlane v0, v25;
	[tilespmem:$0xD80] =	vst v30  }
0x6b: {  	v37 =	vld [tilespmem:$0x580];
	v36 =	vperm.xlane v0, v27;
	[tilespmem:$0xD90] =	vst v32  }
0x6c: {  	v39 =	vld [tilespmem:$0x590];
	v38 =	vperm.xlane v0, v29;
	[tilespmem:$0xDA0] =	vst v34  }
0x6d: {  	v41 =	vld [tilespmem:$0x5A0];
	v40 =	vperm.xlane v0, v31;
	[tilespmem:$0xDB0] =	vst v36  }
0x6e: {  	v43 =	vld [tilespmem:$0x5B0];
	v42 =	vperm.xlane v0, v33;
	[tilespmem:$0xDC0] =	vst v38  }
0x6f: {  	v45 =	vld [tilespmem:$0x5C0];
	v44 =	vperm.xlane v0, v35;
	[tilespmem:$0xDD0] =	vst v40  }
0x70: {  	v47 =	vld [tilespmem:$0x5D0];
	v46 =	vperm.xlane v0, v37;
	[tilespmem:$0xDE0] =	vst v42  }
0x71: {  	v49 =	vld [tilespmem:$0x5E0];
	v48 =	vperm.xlane v0, v39;
	[tilespmem:$0xDF0] =	vst v44  }
0x72: {  	v51 =	vld [tilespmem:$0x5F0];
	v50 =	vperm.xlane v0, v41;
	[tilespmem:$0xE00] =	vst v46  }
0x73: {  	v53 =	vld [tilespmem:$0x600];
	v52 =	vperm.xlane v0, v43;
	[tilespmem:$0xE10] =	vst v48  }
0x74: {  	v55 =	vld [tilespmem:$0x610];
	v54 =	vperm.xlane v0, v45;
	[tilespmem:$0xE20] =	vst v50  }
0x75: {  	v56 =	vperm.xlane v0, v47;
	v9 =	vld [tilespmem:$0x660];
	[tilespmem:$0xE30] =	vst v52  }
0x76: {  	v58 =	vperm.xlane v0, v49;
	v11 =	vld [tilespmem:$0x670];
	[tilespmem:$0xE40] =	vst v54  }
0x77: {  	v60 =	vperm.xlane v0, v51;
	v13 =	vld [tilespmem:$0x680];
	[tilespmem:$0xE50] =	vst v56  }
0x78: {  	v62 =	vperm.xlane v0, v53;
	v15 =	vld [tilespmem:$0x690];
	[tilespmem:$0xE60] =	vst v58  }
0x79: {  	v8 =	vperm.xlane v0, v55;
	v17 =	vld [tilespmem:$0x6A0];
	[tilespmem:$0xE70] =	vst v60  }
0x7a: {  	v19 =	vld [tilespmem:$0x6B0];
	[tilespmem:$0xE80] =	vst v62;
	v18 =	vperm.xlane v0, v9  }
0x7b: {  	v21 =	vld [tilespmem:$0x6C0];
	[tilespmem:$0xE90] =	vst v8;
	v20 =	vperm.xlane v0, v11  }
0x7c: {  	v23 =	vld [tilespmem:$0x6D0];
	v22 =	vperm.xlane v0, v13;
	[tilespmem:$0xEE0] =	vst v18  }
0x7d: {  	v25 =	vld [tilespmem:$0x6E0];
	v24 =	vperm.xlane v0, v15;
	[tilespmem:$0xEF0] =	vst v20  }
0x7e: {  	v27 =	vld [tilespmem:$0x6F0];
	v26 =	vperm.xlane v0, v17;
	[tilespmem:$0xF00] =	vst v22  }
0x7f: {  	v29 =	vld [tilespmem:$0x700];
	v28 =	vperm.xlane v0, v19;
	[tilespmem:$0xF10] =	vst v24  }
0x80: {  	v31 =	vld [tilespmem:$0x710];
	v30 =	vperm.xlane v0, v21;
	[tilespmem:$0xF20] =	vst v26  }
0x81: {  	v33 =	vld [tilespmem:$0x720];
	v32 =	vperm.xlane v0, v23;
	[tilespmem:$0xF30] =	vst v28  }
0x82: {  	v35 =	vld [tilespmem:$0x730];
	v34 =	vperm.xlane v0, v25;
	[tilespmem:$0xF40] =	vst v30  }
0x83: {  	v37 =	vld [tilespmem:$0x740];
	v36 =	vperm.xlane v0, v27;
	[tilespmem:$0xF50] =	vst v32  }
0x84: {  	v39 =	vld [tilespmem:$0x750];
	v38 =	vperm.xlane v0, v29;
	[tilespmem:$0xF60] =	vst v34  }
0x85: {  	v41 =	vld [tilespmem:$0x760];
	v40 =	vperm.xlane v0, v31;
	[tilespmem:$0xF70] =	vst v36  }
0x86: {  	v43 =	vld [tilespmem:$0x770];
	v42 =	vperm.xlane v0, v33;
	[tilespmem:$0xF80] =	vst v38  }
0x87: {  	v45 =	vld [tilespmem:$0x780];
	v44 =	vperm.xlane v0, v35;
	[tilespmem:$0xF90] =	vst v40  }
0x88: {  	v47 =	vld [tilespmem:$0x790];
	v46 =	vperm.xlane v0, v37;
	[tilespmem:$0xFA0] =	vst v42  }
0x89: {  	v49 =	vld [tilespmem:$0x7A0];
	v48 =	vperm.xlane v0, v39;
	[tilespmem:$0xFB0] =	vst v44  }
0x8a: {  	v51 =	vld [tilespmem:$0x7B0];
	v50 =	vperm.xlane v0, v41;
	[tilespmem:$0xFC0] =	vst v46  }
0x8b: {  	v55 =	vld [tilespmem:$0x7D0];
	v52 =	vperm.xlane v0, v43;
	[tilespmem:$0xFD0] =	vst v48  }
0x8c: {  	v57 =	vld [tilespmem:$0x620];
	v54 =	vperm.xlane v0, v45;
	[tilespmem:$0xFE0] =	vst v50  }
0x8d: {  	v59 =	vld [tilespmem:$0x630];
	v56 =	vperm.xlane v0, v47;
	[tilespmem:$0xFF0] =	vst v52  }
0x8e: {  	v61 =	vld [tilespmem:$0x640];
	v58 =	vperm.xlane v0, v49;
	[tilespmem:$0x1000] =	vst v54  }
0x8f: {  	v63 =	vld [tilespmem:$0x650];
	v60 =	vperm.xlane v0, v51;
	[tilespmem:$0x1010] =	vst v56  }
0x90: {  	v53 =	vld [tilespmem:$0x7C0];
	v62 =	vperm.xlane v0, v55;
	[tilespmem:$0x1020] =	vst v58  }
0x91: {  	v10 =	vperm.xlane v0, v57;
	v57 =	vld [tilespmem:$0x7E0];
	[tilespmem:$0x1030] =	vst v60  }
0x92: {  	v12 =	vperm.xlane v0, v59;
	v59 =	vld [tilespmem:$0x7F0];
	[tilespmem:$0x1050] =	vst v62  }
0x93: {  	v14 =	vperm.xlane v0, v61;
	[tilespmem:$0xEA0] =	vst v10  }
0x94: {  	v16 =	vperm.xlane v0, v63;
	[tilespmem:$0xEB0] =	vst v12  }
0x95: {  	v61 =	vperm.xlane v0, v53;
	[tilespmem:$0xEC0] =	vst v14  }
0x96: {  	[tilespmem:$0xED0] =	vst v16;
	v63 =	vperm.xlane v0, v57  }
0x97: {  	[tilespmem:$0x1040] =	vst v61;
	v0 =	vperm.xlane v0, v59  }
0x98: {  	[tilespmem:$0x1060] =	vst v63  }
0x99: {  	s30 =	simm.s32 $0x880;
	s31 =	simm.s32 $0x3;
	s3 =	sadd.s32 s3, s26;
	[tilespmem:$0x1070] =	vst v0  }
0x9a: {  	[hbm4b:s3+s2] =	stream.linear.scatter [tilespmem:s30], [sflag:$0x3], $0x800, $0x38;
	[tilespmem:$0x1080] =	vst v63  }
0x9b: {  	_ =	swait.ge [sflag:s31], $0x800  }
0x9c: {  	[sflag:s31] =	ssyncset.done $0x0  }
0x9d: {  	[sflag:s31] =	ssyncadd.s32 $0xFFFFF800  }
.LBB2_2:
0x9e: {  	_ =	sfence.sel $0x180000  }
0x9f: {  	[bflag:$0x0] =	sbarrier.arrive $0xFFFF  }
0xa0: {  	p0 =	sne.s32 s1, $0x0;
	_ =	strace $0x90000047  }
0xa1: {  	s0 =	sadd.s32 @!p0 $0x100000, s0;
	[bflag:$0x2] =	sbarrier.arrive $0xFFFF  }
0xa2: {  	[sflag:s0] =	ssyncadd.tile.s32 @!p0 $0x1;
	_ =	shalt  }
.Lfunc_end2:
_tile_overlayer_lowered:
.L_overlay_start_2:
0xa3: {  	(tag) =	ssettag $0x2  }
0xa4: {  	s0 =	rddreg [dreg:$0x0];
	s2 =	stileid.u32  }
0xa5: {  	s1 =	rddreg [dreg:$0x1];
	p0 =	sne.s32 s2, $0x0  }
0xa6: {  	s3 =	rddreg [dreg:$0x2];
	[bflag:$0x3] =	sbarrier.arrive $0xFFFF;
	s2 =	simm.s32 @!p0 $0x1C03  }
0xa7: {  	[timem:s3], [sflag:s2] =	dma.local @!p0 [hbm:s0], s1  }
0xa8: {  	s0 =	simm.s32 @!p0 $0x3  }
0xa9: {  	_ =	swait.ge @!p0 [sflag:s0], s1  }
0xaa: {  	s1 =	ssub.s32 @!p0 $0x0, s1;
	[sflag:s0] =	ssyncset.done @!p0 $0x0  }
0xab: {  	[sflag:s0] =	ssyncadd.s32 @!p0 s1  }
0xac: {  	[bflag:$0x3] =	sbarrier.arrive $0xFFFF  }
0xad: {  	_ =	shalt  }

</sc_bundles>
